<compile_context>
chip_gen: v7x
topology: tpu7x:2x2x1
jax: 0.10.2.dev20260603
libtpu: 0.0.44.dev20260713+nightly
codegen_flags: <defaults>
</compile_context>

<pallas_src>
import functools

import jax
import jax.numpy as jnp
from jax import lax
from jax.experimental import pallas as pl
from jax.experimental.pallas import tpu as pltpu
from jax.experimental.pallas import tpu_sc as plsc

NC = 2
NS = 16
LANES = 16


def _sc_mean_agg(h2, src, dst, n_src, n_dst, fh, chunk, sb, interleave=False):
    E = src.shape[0]
    e_tile = E // NS
    n_chunks = e_tile // chunk
    n_sb = n_chunks // sb
    stripe = -(-n_dst // NS)
    stripe += (-stripe) % 8
    n_pad = stripe * NS
    col_export = (2 * fh == 128)
    assert e_tile % chunk == 0 and n_chunks % sb == 0
    assert sb % 2 == 0 and chunk % 8 == 0 and chunk <= 128

    src3 = src.astype(jnp.int32).reshape(NS, n_chunks, chunk)
    dst3 = dst.astype(jnp.int32).reshape(NS, n_chunks, chunk)

    mesh = plsc.VectorSubcoreMesh(core_axis_name="c", subcore_axis_name="s",
                                  num_cores=NC, num_subcores=NS)
    if col_export:
        agg_type = jax.ShapeDtypeStruct((n_pad, 2 * fh), jnp.float32)
    else:
        agg_type = jax.ShapeDtypeStruct((NC, n_pad, fh), jnp.float32)
    zeros_f = jnp.zeros((stripe, fh), jnp.float32)
    zeros_c = jnp.zeros((stripe, 16), jnp.float32)
    ones_c = jnp.ones((chunk, 16), jnp.float32)

    @functools.partial(
        pl.kernel,
        out_type=(agg_type,
                  jax.ShapeDtypeStruct((NC, n_pad, 16), jnp.float32)),
        mesh=mesh,
        scratch_types=[
            pltpu.VMEM((sb, chunk), jnp.int32),
            pltpu.VMEM((sb, chunk), jnp.int32),
            pltpu.VMEM((chunk, fh), jnp.float32),
            pltpu.VMEM((chunk, fh), jnp.float32),
            pltpu.VMEM((chunk, 16), jnp.float32),
            pltpu.VMEM_SHARED((n_pad, fh), jnp.float32),
            pltpu.VMEM_SHARED((n_pad, 16), jnp.float32),
            pltpu.SemaphoreType.DMA,
            pltpu.SemaphoreType.DMA,
            pltpu.SemaphoreType.DMA,
        ],
        compiler_params=pltpu.CompilerParams(use_tc_tiling_on_sc=False),
    )
    def k(h2_hbm, src_hbm, dst_hbm, zf_hbm, zc_hbm, ones_hbm,
          agg_out, cnt_out,
          blk_s, blk_d, r0v, r1v, ones_v, acc_sh, cnt_sh,
          g0, g1, sem_c):
        rows = [r0v, r1v]
        gsem = [g0, g1]
        cid = lax.axis_index("c")
        sid = lax.axis_index("s")
        r0 = sid * stripe
        zf_cp = pltpu.async_copy(zf_hbm,
                                 acc_sh.at[pl.ds(r0, stripe)], g0)
        zc_cp = pltpu.async_copy(zc_hbm,
                                 cnt_sh.at[pl.ds(r0, stripe)], g1)
        pltpu.sync_copy(ones_hbm, ones_v)
        zf_cp.wait()
        zc_cp.wait()
        plsc.subcore_barrier()

        base = cid if interleave else cid * n_src
        half = sb // 2

        def g_fire(j, b):
            return pltpu.async_copy(h2_hbm.at[blk_s.at[j]], rows[b], gsem[b])

        def g_wait(j, b):
            pltpu.make_async_copy(h2_hbm.at[blk_s.at[j]],
                                  rows[b], gsem[b]).wait()

        def sb_body(s, carry):
            s_cp = pltpu.async_copy(src_hbm.at[sid, pl.ds(s * sb, sb)],
                                    blk_s, g0)
            pltpu.async_copy(dst_hbm.at[sid, pl.ds(s * sb, sb)],
                             blk_d, g1).wait()
            s_cp.wait()

            def tbody(j, c2):
                for i in range(chunk // LANES):
                    sl = pl.ds(i * LANES, LANES)
                    if interleave:
                        blk_s[j, sl] = blk_s[j, sl] * 2 + base
                    else:
                        blk_s[j, sl] = blk_s[j, sl] + base
                return c2

            lax.fori_loop(0, sb, tbody, 0)
            g_fire(0, 0)

            def fbody(p, c2):
                j0 = 2 * p
                g_fire(j0 + 1, 1)

                @pl.when((j0 < half) == (cid == 0))
                def _():
                    pltpu.async_copy(ones_v, cnt_sh.at[blk_d.at[j0]],
                                     sem_c, add=True)

                g_wait(j0, 0)
                pltpu.sync_copy(rows[0], acc_sh.at[blk_d.at[j0]], add=True)

                @pl.when(j0 + 2 < sb)
                def _():
                    g_fire(j0 + 2, 0)

                @pl.when((j0 + 1 < half) == (cid == 0))
                def _():
                    pltpu.async_copy(ones_v, cnt_sh.at[blk_d.at[j0 + 1]],
                                     sem_c, add=True)

                g_wait(j0 + 1, 1)
                pltpu.sync_copy(rows[1], acc_sh.at[blk_d.at[j0 + 1]], add=True)
                return c2

            lax.fori_loop(0, sb // 2, fbody, 0)

            def dbody(j, c2):
                pltpu.make_async_copy(ones_hbm, ones_v, sem_c).wait()
                return c2

            lax.fori_loop(0, half, dbody, 0)
            return carry

        lax.fori_loop(0, n_sb, sb_body, 0)
        plsc.subcore_barrier()
        if col_export:
            pltpu.sync_copy(acc_sh.at[pl.ds(r0, stripe)],
                            agg_out.at[pl.ds(r0, stripe),
                                       pl.ds(cid * fh, fh)])
        else:
            pltpu.sync_copy(acc_sh.at[pl.ds(r0, stripe)],
                            agg_out.at[cid, pl.ds(r0, stripe)])
        pltpu.sync_copy(cnt_sh.at[pl.ds(r0, stripe)],
                        cnt_out.at[cid, pl.ds(r0, stripe)])

    return k(h2, src3, dst3, zeros_f, zeros_c, ones_c)


def _tc_sage(h_prev, agg, cnt, w_self, w_neigh, b, relu, split_out, n_out, bm):
    stacked_in = h_prev.ndim == 3
    stacked_agg = agg.ndim == 3
    H = w_neigh.shape[-1]
    Hh = H // 2

    def body(hd_ref, a_ref, c_ref, ws_ref, wn_ref, b_ref, o_ref):
        c = jnp.maximum(c_ref[0, :, 0:1] + c_ref[1, :, 0:1], 1.0)
        if stacked_agg:
            neigh = jnp.dot(a_ref[0], wn_ref[0],
                            preferred_element_type=jnp.float32)
            neigh += jnp.dot(a_ref[1], wn_ref[1],
                             preferred_element_type=jnp.float32)
        else:
            neigh = jnp.dot(a_ref[...], wn_ref[...],
                            preferred_element_type=jnp.float32)
        if stacked_in:
            out = jnp.dot(hd_ref[0], ws_ref[0],
                          preferred_element_type=jnp.float32)
            out += jnp.dot(hd_ref[1], ws_ref[1],
                           preferred_element_type=jnp.float32)
        else:
            out = jnp.dot(hd_ref[...], ws_ref[...],
                          preferred_element_type=jnp.float32)
        out += neigh / c
        out += b_ref[...]
        if relu:
            out = jnp.maximum(out, 0.0)
        if split_out:
            o_ref[0] = out[:, :Hh]
            o_ref[1] = out[:, Hh:]
        else:
            o_ref[...] = out

    if stacked_in:
        hd_spec = pl.BlockSpec((2, bm, h_prev.shape[2]), lambda i: (0, i, 0))
        ws_spec = pl.BlockSpec(w_self.shape, lambda i: (0, 0, 0))
    else:
        hd_spec = pl.BlockSpec((bm, h_prev.shape[1]), lambda i: (i, 0))
        ws_spec = pl.BlockSpec(w_self.shape, lambda i: (0, 0))
    if stacked_agg:
        a_spec = pl.BlockSpec((2, bm, agg.shape[2]), lambda i: (0, i, 0))
        wn_spec = pl.BlockSpec(w_neigh.shape, lambda i: (0, 0, 0))
    else:
        a_spec = pl.BlockSpec((bm, agg.shape[1]), lambda i: (i, 0))
        wn_spec = pl.BlockSpec(w_neigh.shape, lambda i: (0, 0))
    if split_out:
        out_spec = pl.BlockSpec((2, bm, Hh), lambda i: (0, i, 0))
        out_shape = jax.ShapeDtypeStruct((2, n_out, Hh), jnp.float32)
    else:
        out_spec = pl.BlockSpec((bm, H), lambda i: (i, 0))
        out_shape = jax.ShapeDtypeStruct((n_out, H), jnp.float32)

    return pl.pallas_call(
        body,
        grid=(n_out // bm,),
        in_specs=[
            hd_spec,
            a_spec,
            pl.BlockSpec((2, bm, 16), lambda i: (0, i, 0)),
            ws_spec,
            wn_spec,
            pl.BlockSpec((1, H), lambda i: (0, 0)),
        ],
        out_specs=out_spec,
        out_shape=out_shape,
    )(h_prev, agg, cnt, w_self, w_neigh, b)


def kernel(x, src1, dst1, src2, dst2, src3, dst3, n_dst1, n_dst2, n_dst3,
           W_self1, W_neigh1, b1, W_self2, W_neigh2, b2,
           W_self3, W_neigh3, b3):
    N1, N2, N3 = 20000, 8000, 4096
    n_src = x.shape[0]
    zero = ((jnp.asarray(n_dst1) - N1)
            + (jnp.asarray(n_dst2) - N2)
            + (jnp.asarray(n_dst3) - N3)).astype(x.dtype)

    agg1, cnt1 = _sc_mean_agg(x.reshape(2 * n_src, 64), src1, dst1, n_src, N1,
                              fh=64, chunk=80, sb=50, interleave=True)
    h1 = _tc_sage(x, agg1, cnt1, W_self1, W_neigh1,
                  b1.reshape(1, 256), relu=True, split_out=True,
                  n_out=N1, bm=800)

    agg2, cnt2 = _sc_mean_agg(h1.reshape(2 * N1, 128), src2, dst2, N1, N2,
                              fh=128, chunk=80, sb=100)
    h2 = _tc_sage(h1, agg2, cnt2, W_self2.reshape(2, 128, 256),
                  W_neigh2.reshape(2, 128, 256), b2.reshape(1, 256),
                  relu=True, split_out=True, n_out=N2, bm=800)

    agg3, cnt3 = _sc_mean_agg(h2.reshape(2 * N2, 128), src3, dst3, N2, N3,
                              fh=128, chunk=128, sb=32)
    h3 = _tc_sage(h2, agg3, cnt3, W_self3.reshape(2, 128, 256),
                  W_neigh3.reshape(2, 128, 256), (b3 + zero).reshape(1, 256),
                  relu=False, split_out=False, n_out=N3, bm=1024)
    return h3

# --- scband reference (transcript-rebuilt; emitter-appended) ---
"""Pipeline reference for scband-deeper-sage-model-25280177504628 (READ-ONLY COPY).

The authoritative reference and input builder live on the scoring server;
editing this copy changes nothing except your own understanding.
"""

import jax, jax.numpy as jnp
import numpy as np


def _sage(h_src, h_dst, src, dst, n_dst, W_self, W_neigh, b):
    # DGL SAGEConv, aggregator_type='mean':
    #   h_neigh = mean_{u in N(v)} h_src[u];  out = fc_self(h_dst) + fc_neigh(h_neigh)
    msg = jnp.take(h_src, src, axis=0)
    agg = jax.ops.segment_sum(msg, dst, num_segments=n_dst)
    cnt = jax.ops.segment_sum(jnp.ones((src.shape[0], 1), msg.dtype), dst, num_segments=n_dst)
    h_neigh = agg / jnp.maximum(cnt, 1.0)
    return h_dst @ W_self + h_neigh @ W_neigh + b


def setup_inputs(seed: int = 0) -> dict:
    key = jax.random.key(seed)
    ks = jax.random.split(key, 16)
    in_feats, h_feats = 128, 256
    n_src, n_dst1, n_dst2, n_dst3 = 50000, 20000, 8000, 4096
    E1, E2, E3 = 320000, 128000, 65536
    x = jax.random.normal(ks[0], (n_src, in_feats), dtype=jnp.float32)
    src1 = jax.random.randint(ks[1], (E1,), 0, n_src, dtype=jnp.int64) if jax.config.jax_enable_x64 else jax.random.randint(ks[1], (E1,), 0, n_src)
    dst1 = jax.random.randint(ks[2], (E1,), 0, n_dst1)
    src2 = jax.random.randint(ks[3], (E2,), 0, n_dst1)
    dst2 = jax.random.randint(ks[4], (E2,), 0, n_dst2)
    src3 = jax.random.randint(ks[5], (E3,), 0, n_dst2)
    dst3 = jax.random.randint(ks[6], (E3,), 0, n_dst3)

    def lin(k, fi, fo):
        return jax.random.normal(k, (fi, fo), dtype=jnp.float32) / np.sqrt(fi)

    W_self1 = lin(ks[7], in_feats, h_feats)
    W_neigh1 = lin(ks[8], in_feats, h_feats)
    b1 = jnp.zeros((h_feats,), jnp.float32)
    W_self2 = lin(ks[9], h_feats, h_feats)
    W_neigh2 = lin(ks[10], h_feats, h_feats)
    b2 = jnp.zeros((h_feats,), jnp.float32)
    W_self3 = lin(ks[11], h_feats, h_feats)
    W_neigh3 = lin(ks[12], h_feats, h_feats)
    b3 = jnp.zeros((h_feats,), jnp.float32)
    return {
        "x": x,
        "src1": src1, "dst1": dst1,
        "src2": src2, "dst2": dst2,
        "src3": src3, "dst3": dst3,
        "n_dst1": n_dst1, "n_dst2": n_dst2, "n_dst3": n_dst3,
        "W_self1": W_self1, "W_neigh1": W_neigh1, "b1": b1,
        "W_self2": W_self2, "W_neigh2": W_neigh2, "b2": b2,
        "W_self3": W_self3, "W_neigh3": W_neigh3, "b3": b3,
    }


def reference(x, src1, dst1, src2, dst2, src3, dst3, n_dst1, n_dst2, n_dst3,
              W_self1, W_neigh1, b1, W_self2, W_neigh2, b2, W_self3, W_neigh3, b3):
    N1, N2, N3 = 20000, 8000, 4096
    zero = ((jnp.asarray(n_dst1) - N1)
            + (jnp.asarray(n_dst2) - N2)
            + (jnp.asarray(n_dst3) - N3)).astype(x.dtype)
    # layer 1
    h_dst = x[:N1]
    h = jax.nn.relu(_sage(x, h_dst, src1, dst1, N1, W_self1, W_neigh1, b1))
    # layer 2
    h_dst = h[:N2]
    h = jax.nn.relu(_sage(h, h_dst, src2, dst2, N2, W_self2, W_neigh2, b2))
    # layer 3 (no relu, matching original forward)
    h_dst = h[:N3]
    h = _sage(h, h_dst, src3, dst3, N3, W_self3, W_neigh3, b3)
    return h + zero

if __name__ == "__main__":
    import jax
    _d = setup_inputs()
    print(jax.jit(kernel)(*tuple(_d.values())))

</pallas_src>

<mosaic_0001>
#map = affine_map<(d0, d1) -> (0, 0)>
#map1 = affine_map<(d0, d1) -> (0, 0, 0)>
module attributes {stable_mosaic.version = 14 : i64} {
  func.func @k(%arg0: i32, %arg1: i32, %arg2: memref<16000x128xf32, #tpu.memory_space<hbm>>, %arg3: memref<16x32x128xi32, #tpu.memory_space<hbm>>, %arg4: memref<16x32x128xi32, #tpu.memory_space<hbm>>, %arg5: memref<256x128xf32, #tpu.memory_space<hbm>>, %arg6: memref<256x16xf32, #tpu.memory_space<hbm>>, %arg7: memref<128x16xf32, #tpu.memory_space<hbm>>, %arg8: memref<2x4096x128xf32, #tpu.memory_space<hbm>>, %arg9: memref<2x4096x16xf32, #tpu.memory_space<hbm>>, %arg10: memref<32x128xi32, #tpu.memory_space<vmem>>, %arg11: memref<32x128xi32, #tpu.memory_space<vmem>>, %arg12: memref<128x128xf32, #tpu.memory_space<vmem>>, %arg13: memref<128x128xf32, #tpu.memory_space<vmem>>, %arg14: memref<128x16xf32, #tpu.memory_space<vmem>>, %arg15: memref<4096x128xf32, #tpu.memory_space<vmem_shared>>, %arg16: memref<4096x16xf32, #tpu.memory_space<vmem_shared>>, %arg17: memref<!tpu.dma_semaphore, #tpu.memory_space<semaphore_mem>>, %arg18: memref<!tpu.dma_semaphore, #tpu.memory_space<semaphore_mem>>, %arg19: memref<!tpu.dma_semaphore, #tpu.memory_space<semaphore_mem>>) attributes {dimension_semantics = [#tpu.dimension_semantics<core_parallel>, #tpu.dimension_semantics<subcore_parallel>], iteration_bounds = array<i64: 2, 16>, scalar_prefetch = 0 : i64, scratch_operands = 10 : i64, tpu.core_type = #tpu.core_type<sc_vector_subcore>, window_params = [{transform_indices = #map}, {transform_indices = #map1}, {transform_indices = #map1}, {transform_indices = #map}, {transform_indices = #map}, {transform_indices = #map}, {transform_indices = #map1}, {transform_indices = #map1}]} {
    %mul3A = arith.constant 256 : i32
    %mul3A_0 = arith.muli %arg1, %mul3A : i32
    %dma_start3A = arith.constant 0 : i32
    %dma_start3A_1 = tpu.memref_slice %arg15[%mul3A_0, %dma_start3A] : memref<4096x128xf32, #tpu.memory_space<vmem_shared>> -> memref<256x128xf32, #tpu.memory_space<vmem_shared>>
    tpu.enqueue_dma source(%arg5 : memref<256x128xf32, #tpu.memory_space<hbm>>) target(%dma_start3A_1 : memref<256x128xf32, #tpu.memory_space<vmem_shared>>) target_semaphore(%arg17 : memref<!tpu.dma_semaphore, #tpu.memory_space<semaphore_mem>>)
    %dma_start3A_2 = arith.constant 0 : i32
    %dma_start3A_3 = tpu.memref_slice %arg16[%mul3A_0, %dma_start3A_2] : memref<4096x16xf32, #tpu.memory_space<vmem_shared>> -> memref<256x16xf32, #tpu.memory_space<vmem_shared>>
    tpu.enqueue_dma source(%arg6 : memref<256x16xf32, #tpu.memory_space<hbm>>) target(%dma_start3A_3 : memref<256x16xf32, #tpu.memory_space<vmem_shared>>) target_semaphore(%arg18 : memref<!tpu.dma_semaphore, #tpu.memory_space<semaphore_mem>>)
    "tpu.region"() ({
      %run_scoped3A = tpu.sem_alloc : memref<!tpu.dma_semaphore, #tpu.memory_space<semaphore_mem>>
      tpu.enqueue_dma source(%arg7 : memref<128x16xf32, #tpu.memory_space<hbm>>) target(%arg14 : memref<128x16xf32, #tpu.memory_space<vmem>>) target_semaphore(%run_scoped3A : memref<!tpu.dma_semaphore, #tpu.memory_space<semaphore_mem>>)
      tpu.wait_dma2 semaphore(%run_scoped3A : memref<!tpu.dma_semaphore, #tpu.memory_space<semaphore_mem>>) src(%arg7 : memref<128x16xf32, #tpu.memory_space<hbm>>) dst(%arg14 : memref<128x16xf32, #tpu.memory_space<vmem>>)
      tpu.yield
    }) : () -> ()
    %dma_wait3A = arith.constant 0 : i32
    %dma_wait3A_4 = tpu.memref_slice %arg15[%mul3A_0, %dma_wait3A] : memref<4096x128xf32, #tpu.memory_space<vmem_shared>> -> memref<256x128xf32, #tpu.memory_space<vmem_shared>>
    tpu.wait_dma2 semaphore(%arg17 : memref<!tpu.dma_semaphore, #tpu.memory_space<semaphore_mem>>) src(%arg5 : memref<256x128xf32, #tpu.memory_space<hbm>>) dst(%dma_wait3A_4 : memref<256x128xf32, #tpu.memory_space<vmem_shared>>)
    %dma_wait3A_5 = arith.constant 0 : i32
    %dma_wait3A_6 = tpu.memref_slice %arg16[%mul3A_0, %dma_wait3A_5] : memref<4096x16xf32, #tpu.memory_space<vmem_shared>> -> memref<256x16xf32, #tpu.memory_space<vmem_shared>>
    tpu.wait_dma2 semaphore(%arg18 : memref<!tpu.dma_semaphore, #tpu.memory_space<semaphore_mem>>) src(%arg6 : memref<256x16xf32, #tpu.memory_space<hbm>>) dst(%dma_wait3A_6 : memref<256x16xf32, #tpu.memory_space<vmem_shared>>)
    %barrier3A = arith.constant 0 : index
    tpu.barrier barrier_id(%barrier3A)
    %mul3A_7 = arith.constant 8000 : i32
    %mul3A_8 = arith.muli %arg0, %mul3A_7 : i32
    %scan3A = arith.constant 0 : i32
    %scan3A_9 = arith.constant 0 : i32
    %mul3A_10 = arith.constant 32 : i32
    %mul3A_11 = arith.muli %scan3A_9, %mul3A_10 : i32
    %dma_start3A_12 = arith.constant 0 : i32
    %dma_start3A_13 = tpu.memref_slice %arg3[%arg1, %mul3A_11, %dma_start3A_12] : memref<16x32x128xi32, #tpu.memory_space<hbm>> -> memref<1x32x128xi32, #tpu.memory_space<hbm>>
    %dma_start3A_14 = tpu.memref_squeeze %dma_start3A_13 : memref<1x32x128xi32, #tpu.memory_space<hbm>> -> memref<32x128xi32, #tpu.memory_space<hbm>>
    %dma_start3A_15 = arith.constant 0 : i32
    %dma_start3A_16 = tpu.memref_slice %arg3[%arg1, %mul3A_11, %dma_start3A_15] : memref<16x32x128xi32, #tpu.memory_space<hbm>> -> memref<1x32x128xi32, #tpu.memory_space<hbm>>
    %dma_start3A_17 = tpu.memref_squeeze %dma_start3A_16 : memref<1x32x128xi32, #tpu.memory_space<hbm>> -> memref<32x128xi32, #tpu.memory_space<hbm>>
    tpu.enqueue_dma source(%dma_start3A_17 : memref<32x128xi32, #tpu.memory_space<hbm>>) target(%arg10 : memref<32x128xi32, #tpu.memory_space<vmem>>) target_semaphore(%arg17 : memref<!tpu.dma_semaphore, #tpu.memory_space<semaphore_mem>>)
    %mul3A_18 = arith.constant 32 : i32
    %mul3A_19 = arith.muli %scan3A_9, %mul3A_18 : i32
    %dma_start3A_20 = arith.constant 0 : i32
    %dma_start3A_21 = tpu.memref_slice %arg4[%arg1, %mul3A_19, %dma_start3A_20] : memref<16x32x128xi32, #tpu.memory_space<hbm>> -> memref<1x32x128xi32, #tpu.memory_space<hbm>>
    %dma_start3A_22 = tpu.memref_squeeze %dma_start3A_21 : memref<1x32x128xi32, #tpu.memory_space<hbm>> -> memref<32x128xi32, #tpu.memory_space<hbm>>
    %dma_start3A_23 = arith.constant 0 : i32
    %dma_start3A_24 = tpu.memref_slice %arg4[%arg1, %mul3A_19, %dma_start3A_23] : memref<16x32x128xi32, #tpu.memory_space<hbm>> -> memref<1x32x128xi32, #tpu.memory_space<hbm>>
    %dma_start3A_25 = tpu.memref_squeeze %dma_start3A_24 : memref<1x32x128xi32, #tpu.memory_space<hbm>> -> memref<32x128xi32, #tpu.memory_space<hbm>>
    tpu.enqueue_dma source(%dma_start3A_25 : memref<32x128xi32, #tpu.memory_space<hbm>>) target(%arg11 : memref<32x128xi32, #tpu.memory_space<vmem>>) target_semaphore(%arg18 : memref<!tpu.dma_semaphore, #tpu.memory_space<semaphore_mem>>)
    %dma_wait3A_26 = arith.constant 0 : i32
    %dma_wait3A_27 = tpu.memref_slice %arg4[%arg1, %mul3A_19, %dma_wait3A_26] : memref<16x32x128xi32, #tpu.memory_space<hbm>> -> memref<1x32x128xi32, #tpu.memory_space<hbm>>
    %dma_wait3A_28 = tpu.memref_squeeze %dma_wait3A_27 : memref<1x32x128xi32, #tpu.memory_space<hbm>> -> memref<32x128xi32, #tpu.memory_space<hbm>>
    %dma_wait3A_29 = arith.constant 0 : i32
    %dma_wait3A_30 = tpu.memref_slice %arg4[%arg1, %mul3A_19, %dma_wait3A_29] : memref<16x32x128xi32, #tpu.memory_space<hbm>> -> memref<1x32x128xi32, #tpu.memory_space<hbm>>
    %dma_wait3A_31 = tpu.memref_squeeze %dma_wait3A_30 : memref<1x32x128xi32, #tpu.memory_space<hbm>> -> memref<32x128xi32, #tpu.memory_space<hbm>>
    tpu.wait_dma2 semaphore(%arg18 : memref<!tpu.dma_semaphore, #tpu.memory_space<semaphore_mem>>) src(%dma_wait3A_31 : memref<32x128xi32, #tpu.memory_space<hbm>>) dst(%arg11 : memref<32x128xi32, #tpu.memory_space<vmem>>)
    %dma_wait3A_32 = arith.constant 0 : i32
    %dma_wait3A_33 = tpu.memref_slice %arg3[%arg1, %mul3A_11, %dma_wait3A_32] : memref<16x32x128xi32, #tpu.memory_space<hbm>> -> memref<1x32x128xi32, #tpu.memory_space<hbm>>
    %dma_wait3A_34 = tpu.memref_squeeze %dma_wait3A_33 : memref<1x32x128xi32, #tpu.memory_space<hbm>> -> memref<32x128xi32, #tpu.memory_space<hbm>>
    %dma_wait3A_35 = arith.constant 0 : i32
    %dma_wait3A_36 = tpu.memref_slice %arg3[%arg1, %mul3A_11, %dma_wait3A_35] : memref<16x32x128xi32, #tpu.memory_space<hbm>> -> memref<1x32x128xi32, #tpu.memory_space<hbm>>
    %dma_wait3A_37 = tpu.memref_squeeze %dma_wait3A_36 : memref<1x32x128xi32, #tpu.memory_space<hbm>> -> memref<32x128xi32, #tpu.memory_space<hbm>>
    tpu.wait_dma2 semaphore(%arg17 : memref<!tpu.dma_semaphore, #tpu.memory_space<semaphore_mem>>) src(%dma_wait3A_37 : memref<32x128xi32, #tpu.memory_space<hbm>>) dst(%arg10 : memref<32x128xi32, #tpu.memory_space<vmem>>)
    %scan3A_38 = arith.constant 0 : i32
    %scan3A_39 = arith.constant 0 : i32
    %scan3A_40 = arith.constant 32 : i32
    %scan3A_41 = arith.addi %scan3A_39, %scan3A_40 : i32
    %scan3A_42 = arith.constant 1 : i32
    scf.for %scan3A_65 = %scan3A_39 to %scan3A_41 step %scan3A_42  : i32 {
      %get3A = arith.index_cast %scan3A_65 : i32 to index
      %get3A_66 = arith.constant 0 : index
      %get3A_67 = tpu.vector_load %arg10[%get3A, %get3A_66] {strides = array<i32>} : memref<32x128xi32, #tpu.memory_space<vmem>>, vector<1x16xi32>,
      %get3A_68 = vector.shape_cast %get3A_67 : vector<1x16xi32> to vector<16xi32>
      %add3A = vector.broadcast %mul3A_8 : i32 to vector<16xi32>
      %add3A_69 = arith.addi %get3A_68, %add3A : vector<16xi32>
      %swap3A = arith.index_cast %scan3A_65 : i32 to index
      %swap3A_70 = arith.constant 0 : index
      %swap3A_71 = tpu.vector_load %arg10[%swap3A, %swap3A_70] {strides = array<i32>} : memref<32x128xi32, #tpu.memory_space<vmem>>, vector<1x16xi32>,
      %swap3A_72 = vector.shape_cast %swap3A_71 : vector<1x16xi32> to vector<16xi32>
      %swap3A_73 = vector.shape_cast %add3A_69 : vector<16xi32> to vector<1x16xi32>
      tpu.vector_store %arg10[%swap3A, %swap3A_70], %swap3A_73 {strides = array<i32>} : memref<32x128xi32, #tpu.memory_space<vmem>>, vector<1x16xi32>,
      %get3A_74 = arith.index_cast %scan3A_65 : i32 to index
      %get3A_75 = arith.constant 16 : index
      %get3A_76 = tpu.vector_load %arg10[%get3A_74, %get3A_75] {strides = array<i32>} : memref<32x128xi32, #tpu.memory_space<vmem>>, vector<1x16xi32>,
      %get3A_77 = vector.shape_cast %get3A_76 : vector<1x16xi32> to vector<16xi32>
      %add3A_78 = vector.broadcast %mul3A_8 : i32 to vector<16xi32>
      %add3A_79 = arith.addi %get3A_77, %add3A_78 : vector<16xi32>
      %swap3A_80 = arith.index_cast %scan3A_65 : i32 to index
      %swap3A_81 = arith.constant 16 : index
      %swap3A_82 = tpu.vector_load %arg10[%swap3A_80, %swap3A_81] {strides = array<i32>} : memref<32x128xi32, #tpu.memory_space<vmem>>, vector<1x16xi32>,
      %swap3A_83 = vector.shape_cast %swap3A_82 : vector<1x16xi32> to vector<16xi32>
      %swap3A_84 = vector.shape_cast %add3A_79 : vector<16xi32> to vector<1x16xi32>
      tpu.vector_store %arg10[%swap3A_80, %swap3A_81], %swap3A_84 {strides = array<i32>} : memref<32x128xi32, #tpu.memory_space<vmem>>, vector<1x16xi32>,
      %get3A_85 = arith.index_cast %scan3A_65 : i32 to index
      %get3A_86 = arith.constant 32 : index
      %get3A_87 = tpu.vector_load %arg10[%get3A_85, %get3A_86] {strides = array<i32>} : memref<32x128xi32, #tpu.memory_space<vmem>>, vector<1x16xi32>,
      %get3A_88 = vector.shape_cast %get3A_87 : vector<1x16xi32> to vector<16xi32>
      %add3A_89 = vector.broadcast %mul3A_8 : i32 to vector<16xi32>
      %add3A_90 = arith.addi %get3A_88, %add3A_89 : vector<16xi32>
      %swap3A_91 = arith.index_cast %scan3A_65 : i32 to index
      %swap3A_92 = arith.constant 32 : index
      %swap3A_93 = tpu.vector_load %arg10[%swap3A_91, %swap3A_92] {strides = array<i32>} : memref<32x128xi32, #tpu.memory_space<vmem>>, vector<1x16xi32>,
      %swap3A_94 = vector.shape_cast %swap3A_93 : vector<1x16xi32> to vector<16xi32>
      %swap3A_95 = vector.shape_cast %add3A_90 : vector<16xi32> to vector<1x16xi32>
      tpu.vector_store %arg10[%swap3A_91, %swap3A_92], %swap3A_95 {strides = array<i32>} : memref<32x128xi32, #tpu.memory_space<vmem>>, vector<1x16xi32>,
      %get3A_96 = arith.index_cast %scan3A_65 : i32 to index
      %get3A_97 = arith.constant 48 : index
      %get3A_98 = tpu.vector_load %arg10[%get3A_96, %get3A_97] {strides = array<i32>} : memref<32x128xi32, #tpu.memory_space<vmem>>, vector<1x16xi32>,
      %get3A_99 = vector.shape_cast %get3A_98 : vector<1x16xi32> to vector<16xi32>
      %add3A_100 = vector.broadcast %mul3A_8 : i32 to vector<16xi32>
      %add3A_101 = arith.addi %get3A_99, %add3A_100 : vector<16xi32>
      %swap3A_102 = arith.index_cast %scan3A_65 : i32 to index
      %swap3A_103 = arith.constant 48 : index
      %swap3A_104 = tpu.vector_load %arg10[%swap3A_102, %swap3A_103] {strides = array<i32>} : memref<32x128xi32, #tpu.memory_space<vmem>>, vector<1x16xi32>,
      %swap3A_105 = vector.shape_cast %swap3A_104 : vector<1x16xi32> to vector<16xi32>
      %swap3A_106 = vector.shape_cast %add3A_101 : vector<16xi32> to vector<1x16xi32>
      tpu.vector_store %arg10[%swap3A_102, %swap3A_103], %swap3A_106 {strides = array<i32>} : memref<32x128xi32, #tpu.memory_space<vmem>>, vector<1x16xi32>,
      %get3A_107 = arith.index_cast %scan3A_65 : i32 to index
      %get3A_108 = arith.constant 64 : index
      %get3A_109 = tpu.vector_load %arg10[%get3A_107, %get3A_108] {strides = array<i32>} : memref<32x128xi32, #tpu.memory_space<vmem>>, vector<1x16xi32>,
      %get3A_110 = vector.shape_cast %get3A_109 : vector<1x16xi32> to vector<16xi32>
      %add3A_111 = vector.broadcast %mul3A_8 : i32 to vector<16xi32>
      %add3A_112 = arith.addi %get3A_110, %add3A_111 : vector<16xi32>
      %swap3A_113 = arith.index_cast %scan3A_65 : i32 to index
      %swap3A_114 = arith.constant 64 : index
      %swap3A_115 = tpu.vector_load %arg10[%swap3A_113, %swap3A_114] {strides = array<i32>} : memref<32x128xi32, #tpu.memory_space<vmem>>, vector<1x16xi32>,
      %swap3A_116 = vector.shape_cast %swap3A_115 : vector<1x16xi32> to vector<16xi32>
      %swap3A_117 = vector.shape_cast %add3A_112 : vector<16xi32> to vector<1x16xi32>
      tpu.vector_store %arg10[%swap3A_113, %swap3A_114], %swap3A_117 {strides = array<i32>} : memref<32x128xi32, #tpu.memory_space<vmem>>, vector<1x16xi32>,
      %get3A_118 = arith.index_cast %scan3A_65 : i32 to index
      %get3A_119 = arith.constant 80 : index
      %get3A_120 = tpu.vector_load %arg10[%get3A_118, %get3A_119] {strides = array<i32>} : memref<32x128xi32, #tpu.memory_space<vmem>>, vector<1x16xi32>,
      %get3A_121 = vector.shape_cast %get3A_120 : vector<1x16xi32> to vector<16xi32>
      %add3A_122 = vector.broadcast %mul3A_8 : i32 to vector<16xi32>
      %add3A_123 = arith.addi %get3A_121, %add3A_122 : vector<16xi32>
      %swap3A_124 = arith.index_cast %scan3A_65 : i32 to index
      %swap3A_125 = arith.constant 80 : index
      %swap3A_126 = tpu.vector_load %arg10[%swap3A_124, %swap3A_125] {strides = array<i32>} : memref<32x128xi32, #tpu.memory_space<vmem>>, vector<1x16xi32>,
      %swap3A_127 = vector.shape_cast %swap3A_126 : vector<1x16xi32> to vector<16xi32>
      %swap3A_128 = vector.shape_cast %add3A_123 : vector<16xi32> to vector<1x16xi32>
      tpu.vector_store %arg10[%swap3A_124, %swap3A_125], %swap3A_128 {strides = array<i32>} : memref<32x128xi32, #tpu.memory_space<vmem>>, vector<1x16xi32>,
      %get3A_129 = arith.index_cast %scan3A_65 : i32 to index
      %get3A_130 = arith.constant 96 : index
      %get3A_131 = tpu.vector_load %arg10[%get3A_129, %get3A_130] {strides = array<i32>} : memref<32x128xi32, #tpu.memory_space<vmem>>, vector<1x16xi32>,
      %get3A_132 = vector.shape_cast %get3A_131 : vector<1x16xi32> to vector<16xi32>
      %add3A_133 = vector.broadcast %mul3A_8 : i32 to vector<16xi32>
      %add3A_134 = arith.addi %get3A_132, %add3A_133 : vector<16xi32>
      %swap3A_135 = arith.index_cast %scan3A_65 : i32 to index
      %swap3A_136 = arith.constant 96 : index
      %swap3A_137 = tpu.vector_load %arg10[%swap3A_135, %swap3A_136] {strides = array<i32>} : memref<32x128xi32, #tpu.memory_space<vmem>>, vector<1x16xi32>,
      %swap3A_138 = vector.shape_cast %swap3A_137 : vector<1x16xi32> to vector<16xi32>
      %swap3A_139 = vector.shape_cast %add3A_134 : vector<16xi32> to vector<1x16xi32>
      tpu.vector_store %arg10[%swap3A_135, %swap3A_136], %swap3A_139 {strides = array<i32>} : memref<32x128xi32, #tpu.memory_space<vmem>>, vector<1x16xi32>,
      %get3A_140 = arith.index_cast %scan3A_65 : i32 to index
      %get3A_141 = arith.constant 112 : index
      %get3A_142 = tpu.vector_load %arg10[%get3A_140, %get3A_141] {strides = array<i32>} : memref<32x128xi32, #tpu.memory_space<vmem>>, vector<1x16xi32>,
      %get3A_143 = vector.shape_cast %get3A_142 : vector<1x16xi32> to vector<16xi32>
      %add3A_144 = vector.broadcast %mul3A_8 : i32 to vector<16xi32>
      %add3A_145 = arith.addi %get3A_143, %add3A_144 : vector<16xi32>
      %swap3A_146 = arith.index_cast %scan3A_65 : i32 to index
      %swap3A_147 = arith.constant 112 : index
      %swap3A_148 = tpu.vector_load %arg10[%swap3A_146, %swap3A_147] {strides = array<i32>} : memref<32x128xi32, #tpu.memory_space<vmem>>, vector<1x16xi32>,
      %swap3A_149 = vector.shape_cast %swap3A_148 : vector<1x16xi32> to vector<16xi32>
      %swap3A_150 = vector.shape_cast %add3A_145 : vector<16xi32> to vector<1x16xi32>
      tpu.vector_store %arg10[%swap3A_146, %swap3A_147], %swap3A_150 {strides = array<i32>} : memref<32x128xi32, #tpu.memory_space<vmem>>, vector<1x16xi32>,
    }
    %scan3A_43 = arith.constant 32 : i32
    %dma_start3A_44 = arith.constant 0 : i32
    %dma_start3A_45 = arith.constant 0 : i32
    %dma_start3A_46 = tpu.memref_slice %arg10[%dma_start3A_44, %dma_start3A_45] : memref<32x128xi32, #tpu.memory_space<vmem>> -> memref<1x128xi32, #tpu.memory_space<vmem>>
    %dma_start3A_47 = tpu.memref_squeeze %dma_start3A_46 : memref<1x128xi32, #tpu.memory_space<vmem>> -> memref<128xi32, #tpu.memory_space<vmem>>
    %dma_start3A_48 = arith.constant 0 : i32
    %dma_start3A_49 = arith.constant 0 : i32
    %dma_start3A_50 = tpu.memref_slice %arg2[%dma_start3A_48, %dma_start3A_49] : memref<16000x128xf32, #tpu.memory_space<hbm>> -> memref<16000x128xf32, #tpu.memory_space<hbm>>
    tpu.enqueue_indirect_dma source(%dma_start3A_50 : memref<16000x128xf32, #tpu.memory_space<hbm>>) target(%arg12 : memref<128x128xf32, #tpu.memory_space<vmem>>) offsets(%dma_start3A_47 : memref<128xi32, #tpu.memory_space<vmem>>) semaphore(%arg17 : memref<!tpu.dma_semaphore, #tpu.memory_space<semaphore_mem>>)
    %scan3A_51 = arith.constant 0 : i32
    %scan3A_52 = arith.constant 0 : i32
    %scan3A_53 = arith.constant 16 : i32
    %scan3A_54 = arith.addi %scan3A_52, %scan3A_53 : i32
    %scan3A_55 = arith.constant 1 : i32
    scf.for %scan3A_65 = %scan3A_52 to %scan3A_54 step %scan3A_55  : i32 {
      %mul3A_66 = arith.constant 2 : i32
      %mul3A_67 = arith.muli %mul3A_66, %scan3A_65 : i32
      %add3A = arith.constant 1 : i32
      %add3A_68 = arith.addi %mul3A_67, %add3A : i32
      %dma_start3A_69 = arith.constant 0 : i32
      %dma_start3A_70 = tpu.memref_slice %arg10[%add3A_68, %dma_start3A_69] : memref<32x128xi32, #tpu.memory_space<vmem>> -> memref<1x128xi32, #tpu.memory_space<vmem>>
      %dma_start3A_71 = tpu.memref_squeeze %dma_start3A_70 : memref<1x128xi32, #tpu.memory_space<vmem>> -> memref<128xi32, #tpu.memory_space<vmem>>
      %dma_start3A_72 = arith.constant 0 : i32
      %dma_start3A_73 = arith.constant 0 : i32
      %dma_start3A_74 = tpu.memref_slice %arg2[%dma_start3A_72, %dma_start3A_73] : memref<16000x128xf32, #tpu.memory_space<hbm>> -> memref<16000x128xf32, #tpu.memory_space<hbm>>
      tpu.enqueue_indirect_dma source(%dma_start3A_74 : memref<16000x128xf32, #tpu.memory_space<hbm>>) target(%arg13 : memref<128x128xf32, #tpu.memory_space<vmem>>) offsets(%dma_start3A_71 : memref<128xi32, #tpu.memory_space<vmem>>) semaphore(%arg18 : memref<!tpu.dma_semaphore, #tpu.memory_space<semaphore_mem>>)
      %lt3A = arith.constant 16 : i32
      %lt3A_75 = arith.cmpi slt, %mul3A_67, %lt3A : i32
      %eq3A = arith.constant 0 : i32
      %eq3A_76 = arith.cmpi eq, %arg0, %eq3A : i32
      %eq3A_77 = arith.xori %lt3A_75, %eq3A_76 : i1
      %eq3A_78 = arith.constant true
      %eq3A_79 = arith.xori %eq3A_77, %eq3A_78 : i1
      %convert_element_type3A = arith.extui %eq3A_79 : i1 to i32
      %cond3A = arith.constant 0 : i32
      %cond3A_80 = arith.cmpi ne, %convert_element_type3A, %cond3A : i32
      scf.if %cond3A_80 {
        %dma_start3A_116 = arith.constant 0 : i32
        %dma_start3A_117 = tpu.memref_slice %arg11[%mul3A_67, %dma_start3A_116] : memref<32x128xi32, #tpu.memory_space<vmem>> -> memref<1x128xi32, #tpu.memory_space<vmem>>
        %dma_start3A_118 = tpu.memref_squeeze %dma_start3A_117 : memref<1x128xi32, #tpu.memory_space<vmem>> -> memref<128xi32, #tpu.memory_space<vmem>>
        %dma_start3A_119 = arith.constant 0 : i32
        %dma_start3A_120 = arith.constant 0 : i32
        %dma_start3A_121 = tpu.memref_slice %arg16[%dma_start3A_119, %dma_start3A_120] : memref<4096x16xf32, #tpu.memory_space<vmem_shared>> -> memref<4096x16xf32, #tpu.memory_space<vmem_shared>>
        tpu.enqueue_indirect_dma source(%arg14 : memref<128x16xf32, #tpu.memory_space<vmem>>) target(%dma_start3A_121 : memref<4096x16xf32, #tpu.memory_space<vmem_shared>>) offsets(%dma_start3A_118 : memref<128xi32, #tpu.memory_space<vmem>>) semaphore(%arg19 : memref<!tpu.dma_semaphore, #tpu.memory_space<semaphore_mem>>) {add = true}
      } else {
      }
      %dma_wait3A_81 = arith.constant 0 : i32
      %dma_wait3A_82 = tpu.memref_slice %arg10[%mul3A_67, %dma_wait3A_81] : memref<32x128xi32, #tpu.memory_space<vmem>> -> memref<1x128xi32, #tpu.memory_space<vmem>>
      %dma_wait3A_83 = tpu.memref_squeeze %dma_wait3A_82 : memref<1x128xi32, #tpu.memory_space<vmem>> -> memref<128xi32, #tpu.memory_space<vmem>>
      %dma_wait3A_84 = arith.constant 0 : i32
      %dma_wait3A_85 = arith.constant 0 : i32
      %dma_wait3A_86 = tpu.memref_slice %arg2[%dma_wait3A_84, %dma_wait3A_85] : memref<16000x128xf32, #tpu.memory_space<hbm>> -> memref<16000x128xf32, #tpu.memory_space<hbm>>
      tpu.wait_indirect_dma semaphore(%arg17 : memref<!tpu.dma_semaphore, #tpu.memory_space<semaphore_mem>>) src(%dma_wait3A_86 : memref<16000x128xf32, #tpu.memory_space<hbm>>) dst(%arg12 : memref<128x128xf32, #tpu.memory_space<vmem>>)
      "tpu.region"() ({
        %run_scoped3A = tpu.sem_alloc : memref<!tpu.dma_semaphore, #tpu.memory_space<semaphore_mem>>
        %dma_start3A_116 = arith.constant 0 : i32
        %dma_start3A_117 = tpu.memref_slice %arg11[%mul3A_67, %dma_start3A_116] : memref<32x128xi32, #tpu.memory_space<vmem>> -> memref<1x128xi32, #tpu.memory_space<vmem>>
        %dma_start3A_118 = tpu.memref_squeeze %dma_start3A_117 : memref<1x128xi32, #tpu.memory_space<vmem>> -> memref<128xi32, #tpu.memory_space<vmem>>
        %dma_start3A_119 = arith.constant 0 : i32
        %dma_start3A_120 = arith.constant 0 : i32
        %dma_start3A_121 = tpu.memref_slice %arg15[%dma_start3A_119, %dma_start3A_120] : memref<4096x128xf32, #tpu.memory_space<vmem_shared>> -> memref<4096x128xf32, #tpu.memory_space<vmem_shared>>
        tpu.enqueue_indirect_dma source(%arg12 : memref<128x128xf32, #tpu.memory_space<vmem>>) target(%dma_start3A_121 : memref<4096x128xf32, #tpu.memory_space<vmem_shared>>) offsets(%dma_start3A_118 : memref<128xi32, #tpu.memory_space<vmem>>) semaphore(%run_scoped3A : memref<!tpu.dma_semaphore, #tpu.memory_space<semaphore_mem>>) {add = true}
        %dma_wait3A_122 = arith.constant 0 : i32
        %dma_wait3A_123 = tpu.memref_slice %arg11[%mul3A_67, %dma_wait3A_122] : memref<32x128xi32, #tpu.memory_space<vmem>> -> memref<1x128xi32, #tpu.memory_space<vmem>>
        %dma_wait3A_124 = tpu.memref_squeeze %dma_wait3A_123 : memref<1x128xi32, #tpu.memory_space<vmem>> -> memref<128xi32, #tpu.memory_space<vmem>>
        %dma_wait3A_125 = arith.constant 0 : i32
        %dma_wait3A_126 = arith.constant 0 : i32
        %dma_wait3A_127 = tpu.memref_slice %arg15[%dma_wait3A_125, %dma_wait3A_126] : memref<4096x128xf32, #tpu.memory_space<vmem_shared>> -> memref<4096x128xf32, #tpu.memory_space<vmem_shared>>
        tpu.wait_indirect_dma semaphore(%run_scoped3A : memref<!tpu.dma_semaphore, #tpu.memory_space<semaphore_mem>>) src(%arg12 : memref<128x128xf32, #tpu.memory_space<vmem>>) dst(%dma_wait3A_127 : memref<4096x128xf32, #tpu.memory_space<vmem_shared>>)
        tpu.yield
      }) : () -> ()
      %add3A_87 = arith.constant 2 : i32
      %add3A_88 = arith.addi %mul3A_67, %add3A_87 : i32
      %lt3A_89 = arith.constant 32 : i32
      %lt3A_90 = arith.cmpi slt, %add3A_88, %lt3A_89 : i32
      %convert_element_type3A_91 = arith.extui %lt3A_90 : i1 to i32
      %cond3A_92 = arith.constant 0 : i32
      %cond3A_93 = arith.cmpi ne, %convert_element_type3A_91, %cond3A_92 : i32
      scf.if %cond3A_93 {
        %add3A_116 = arith.constant 2 : i32
        %add3A_117 = arith.addi %mul3A_67, %add3A_116 : i32
        %dma_start3A_118 = arith.constant 0 : i32
        %dma_start3A_119 = tpu.memref_slice %arg10[%add3A_117, %dma_start3A_118] : memref<32x128xi32, #tpu.memory_space<vmem>> -> memref<1x128xi32, #tpu.memory_space<vmem>>
        %dma_start3A_120 = tpu.memref_squeeze %dma_start3A_119 : memref<1x128xi32, #tpu.memory_space<vmem>> -> memref<128xi32, #tpu.memory_space<vmem>>
        %dma_start3A_121 = arith.constant 0 : i32
        %dma_start3A_122 = arith.constant 0 : i32
        %dma_start3A_123 = tpu.memref_slice %arg2[%dma_start3A_121, %dma_start3A_122] : memref<16000x128xf32, #tpu.memory_space<hbm>> -> memref<16000x128xf32, #tpu.memory_space<hbm>>
        tpu.enqueue_indirect_dma source(%dma_start3A_123 : memref<16000x128xf32, #tpu.memory_space<hbm>>) target(%arg12 : memref<128x128xf32, #tpu.memory_space<vmem>>) offsets(%dma_start3A_120 : memref<128xi32, #tpu.memory_space<vmem>>) semaphore(%arg17 : memref<!tpu.dma_semaphore, #tpu.memory_space<semaphore_mem>>)
      } else {
      }
      %add3A_94 = arith.constant 1 : i32
      %add3A_95 = arith.addi %mul3A_67, %add3A_94 : i32
      %lt3A_96 = arith.constant 16 : i32
      %lt3A_97 = arith.cmpi slt, %add3A_95, %lt3A_96 : i32
      %eq3A_98 = arith.constant 0 : i32
      %eq3A_99 = arith.cmpi eq, %arg0, %eq3A_98 : i32
      %eq3A_100 = arith.xori %lt3A_97, %eq3A_99 : i1
      %eq3A_101 = arith.constant true
      %eq3A_102 = arith.xori %eq3A_100, %eq3A_101 : i1
      %convert_element_type3A_103 = arith.extui %eq3A_102 : i1 to i32
      %cond3A_104 = arith.constant 0 : i32
      %cond3A_105 = arith.cmpi ne, %convert_element_type3A_103, %cond3A_104 : i32
      scf.if %cond3A_105 {
        %add3A_116 = arith.constant 1 : i32
        %add3A_117 = arith.addi %mul3A_67, %add3A_116 : i32
        %dma_start3A_118 = arith.constant 0 : i32
        %dma_start3A_119 = tpu.memref_slice %arg11[%add3A_117, %dma_start3A_118] : memref<32x128xi32, #tpu.memory_space<vmem>> -> memref<1x128xi32, #tpu.memory_space<vmem>>
        %dma_start3A_120 = tpu.memref_squeeze %dma_start3A_119 : memref<1x128xi32, #tpu.memory_space<vmem>> -> memref<128xi32, #tpu.memory_space<vmem>>
        %dma_start3A_121 = arith.constant 0 : i32
        %dma_start3A_122 = arith.constant 0 : i32
        %dma_start3A_123 = tpu.memref_slice %arg16[%dma_start3A_121, %dma_start3A_122] : memref<4096x16xf32, #tpu.memory_space<vmem_shared>> -> memref<4096x16xf32, #tpu.memory_space<vmem_shared>>
        tpu.enqueue_indirect_dma source(%arg14 : memref<128x16xf32, #tpu.memory_space<vmem>>) target(%dma_start3A_123 : memref<4096x16xf32, #tpu.memory_space<vmem_shared>>) offsets(%dma_start3A_120 : memref<128xi32, #tpu.memory_space<vmem>>) semaphore(%arg19 : memref<!tpu.dma_semaphore, #tpu.memory_space<semaphore_mem>>) {add = true}
      } else {
      }
      %add3A_106 = arith.constant 1 : i32
      %add3A_107 = arith.addi %mul3A_67, %add3A_106 : i32
      %dma_wait3A_108 = arith.constant 0 : i32
      %dma_wait3A_109 = tpu.memref_slice %arg10[%add3A_107, %dma_wait3A_108] : memref<32x128xi32, #tpu.memory_space<vmem>> -> memref<1x128xi32, #tpu.memory_space<vmem>>
      %dma_wait3A_110 = tpu.memref_squeeze %dma_wait3A_109 : memref<1x128xi32, #tpu.memory_space<vmem>> -> memref<128xi32, #tpu.memory_space<vmem>>
      %dma_wait3A_111 = arith.constant 0 : i32
      %dma_wait3A_112 = arith.constant 0 : i32
      %dma_wait3A_113 = tpu.memref_slice %arg2[%dma_wait3A_111, %dma_wait3A_112] : memref<16000x128xf32, #tpu.memory_space<hbm>> -> memref<16000x128xf32, #tpu.memory_space<hbm>>
      tpu.wait_indirect_dma semaphore(%arg18 : memref<!tpu.dma_semaphore, #tpu.memory_space<semaphore_mem>>) src(%dma_wait3A_113 : memref<16000x128xf32, #tpu.memory_space<hbm>>) dst(%arg13 : memref<128x128xf32, #tpu.memory_space<vmem>>)
      %add3A_114 = arith.constant 1 : i32
      %add3A_115 = arith.addi %mul3A_67, %add3A_114 : i32
      "tpu.region"() ({
        %run_scoped3A = tpu.sem_alloc : memref<!tpu.dma_semaphore, #tpu.memory_space<semaphore_mem>>
        %dma_start3A_116 = arith.constant 0 : i32
        %dma_start3A_117 = tpu.memref_slice %arg11[%add3A_115, %dma_start3A_116] : memref<32x128xi32, #tpu.memory_space<vmem>> -> memref<1x128xi32, #tpu.memory_space<vmem>>
        %dma_start3A_118 = tpu.memref_squeeze %dma_start3A_117 : memref<1x128xi32, #tpu.memory_space<vmem>> -> memref<128xi32, #tpu.memory_space<vmem>>
        %dma_start3A_119 = arith.constant 0 : i32
        %dma_start3A_120 = arith.constant 0 : i32
        %dma_start3A_121 = tpu.memref_slice %arg15[%dma_start3A_119, %dma_start3A_120] : memref<4096x128xf32, #tpu.memory_space<vmem_shared>> -> memref<4096x128xf32, #tpu.memory_space<vmem_shared>>
        tpu.enqueue_indirect_dma source(%arg13 : memref<128x128xf32, #tpu.memory_space<vmem>>) target(%dma_start3A_121 : memref<4096x128xf32, #tpu.memory_space<vmem_shared>>) offsets(%dma_start3A_118 : memref<128xi32, #tpu.memory_space<vmem>>) semaphore(%run_scoped3A : memref<!tpu.dma_semaphore, #tpu.memory_space<semaphore_mem>>) {add = true}
        %dma_wait3A_122 = arith.constant 0 : i32
        %dma_wait3A_123 = tpu.memref_slice %arg11[%add3A_115, %dma_wait3A_122] : memref<32x128xi32, #tpu.memory_space<vmem>> -> memref<1x128xi32, #tpu.memory_space<vmem>>
        %dma_wait3A_124 = tpu.memref_squeeze %dma_wait3A_123 : memref<1x128xi32, #tpu.memory_space<vmem>> -> memref<128xi32, #tpu.memory_space<vmem>>
        %dma_wait3A_125 = arith.constant 0 : i32
        %dma_wait3A_126 = arith.constant 0 : i32
        %dma_wait3A_127 = tpu.memref_slice %arg15[%dma_wait3A_125, %dma_wait3A_126] : memref<4096x128xf32, #tpu.memory_space<vmem_shared>> -> memref<4096x128xf32, #tpu.memory_space<vmem_shared>>
        tpu.wait_indirect_dma semaphore(%run_scoped3A : memref<!tpu.dma_semaphore, #tpu.memory_space<semaphore_mem>>) src(%arg13 : memref<128x128xf32, #tpu.memory_space<vmem>>) dst(%dma_wait3A_127 : memref<4096x128xf32, #tpu.memory_space<vmem_shared>>)
        tpu.yield
      }) : () -> ()
    }
    %scan3A_56 = arith.constant 16 : i32
    %scan3A_57 = arith.constant 0 : i32
    %scan3A_58 = arith.constant 0 : i32
    %scan3A_59 = arith.constant 16 : i32
    %scan3A_60 = arith.addi %scan3A_58, %scan3A_59 : i32
    %scan3A_61 = arith.constant 1 : i32
    scf.for %scan3A_65 = %scan3A_58 to %scan3A_60 step %scan3A_61  : i32 {
      tpu.wait_dma2 semaphore(%arg19 : memref<!tpu.dma_semaphore, #tpu.memory_space<semaphore_mem>>) src(%arg7 : memref<128x16xf32, #tpu.memory_space<hbm>>) dst(%arg14 : memref<128x16xf32, #tpu.memory_space<vmem>>)
    }
    %scan3A_62 = arith.constant 16 : i32
    %scan3A_63 = arith.constant 1 : i32
    %barrier3A_64 = arith.constant 0 : index
    tpu.barrier barrier_id(%barrier3A_64)
    "tpu.region"() ({
      %run_scoped3A = tpu.sem_alloc : memref<!tpu.dma_semaphore, #tpu.memory_space<semaphore_mem>>
      %dma_start3A_65 = arith.constant 0 : i32
      %dma_start3A_66 = tpu.memref_slice %arg8[%arg0, %mul3A_0, %dma_start3A_65] : memref<2x4096x128xf32, #tpu.memory_space<hbm>> -> memref<1x256x128xf32, #tpu.memory_space<hbm>>
      %dma_start3A_67 = tpu.memref_squeeze %dma_start3A_66 : memref<1x256x128xf32, #tpu.memory_space<hbm>> -> memref<256x128xf32, #tpu.memory_space<hbm>>
      %dma_start3A_68 = arith.constant 0 : i32
      %dma_start3A_69 = tpu.memref_slice %arg15[%mul3A_0, %dma_start3A_68] : memref<4096x128xf32, #tpu.memory_space<vmem_shared>> -> memref<256x128xf32, #tpu.memory_space<vmem_shared>>
      tpu.enqueue_dma source(%dma_start3A_69 : memref<256x128xf32, #tpu.memory_space<vmem_shared>>) target(%dma_start3A_67 : memref<256x128xf32, #tpu.memory_space<hbm>>) target_semaphore(%run_scoped3A : memref<!tpu.dma_semaphore, #tpu.memory_space<semaphore_mem>>)
      %dma_wait3A_70 = arith.constant 0 : i32
      %dma_wait3A_71 = tpu.memref_slice %arg8[%arg0, %mul3A_0, %dma_wait3A_70] : memref<2x4096x128xf32, #tpu.memory_space<hbm>> -> memref<1x256x128xf32, #tpu.memory_space<hbm>>
      %dma_wait3A_72 = tpu.memref_squeeze %dma_wait3A_71 : memref<1x256x128xf32, #tpu.memory_space<hbm>> -> memref<256x128xf32, #tpu.memory_space<hbm>>
      %dma_wait3A_73 = arith.constant 0 : i32
      %dma_wait3A_74 = tpu.memref_slice %arg15[%mul3A_0, %dma_wait3A_73] : memref<4096x128xf32, #tpu.memory_space<vmem_shared>> -> memref<256x128xf32, #tpu.memory_space<vmem_shared>>
      tpu.wait_dma2 semaphore(%run_scoped3A : memref<!tpu.dma_semaphore, #tpu.memory_space<semaphore_mem>>) src(%dma_wait3A_74 : memref<256x128xf32, #tpu.memory_space<vmem_shared>>) dst(%dma_wait3A_72 : memref<256x128xf32, #tpu.memory_space<hbm>>)
      tpu.yield
    }) : () -> ()
    "tpu.region"() ({
      %run_scoped3A = tpu.sem_alloc : memref<!tpu.dma_semaphore, #tpu.memory_space<semaphore_mem>>
      %dma_start3A_65 = arith.constant 0 : i32
      %dma_start3A_66 = tpu.memref_slice %arg9[%arg0, %mul3A_0, %dma_start3A_65] : memref<2x4096x16xf32, #tpu.memory_space<hbm>> -> memref<1x256x16xf32, #tpu.memory_space<hbm>>
      %dma_start3A_67 = tpu.memref_squeeze %dma_start3A_66 : memref<1x256x16xf32, #tpu.memory_space<hbm>> -> memref<256x16xf32, #tpu.memory_space<hbm>>
      %dma_start3A_68 = arith.constant 0 : i32
      %dma_start3A_69 = tpu.memref_slice %arg16[%mul3A_0, %dma_start3A_68] : memref<4096x16xf32, #tpu.memory_space<vmem_shared>> -> memref<256x16xf32, #tpu.memory_space<vmem_shared>>
      tpu.enqueue_dma source(%dma_start3A_69 : memref<256x16xf32, #tpu.memory_space<vmem_shared>>) target(%dma_start3A_67 : memref<256x16xf32, #tpu.memory_space<hbm>>) target_semaphore(%run_scoped3A : memref<!tpu.dma_semaphore, #tpu.memory_space<semaphore_mem>>)
      %dma_wait3A_70 = arith.constant 0 : i32
      %dma_wait3A_71 = tpu.memref_slice %arg9[%arg0, %mul3A_0, %dma_wait3A_70] : memref<2x4096x16xf32, #tpu.memory_space<hbm>> -> memref<1x256x16xf32, #tpu.memory_space<hbm>>
      %dma_wait3A_72 = tpu.memref_squeeze %dma_wait3A_71 : memref<1x256x16xf32, #tpu.memory_space<hbm>> -> memref<256x16xf32, #tpu.memory_space<hbm>>
      %dma_wait3A_73 = arith.constant 0 : i32
      %dma_wait3A_74 = tpu.memref_slice %arg16[%mul3A_0, %dma_wait3A_73] : memref<4096x16xf32, #tpu.memory_space<vmem_shared>> -> memref<256x16xf32, #tpu.memory_space<vmem_shared>>
      tpu.wait_dma2 semaphore(%run_scoped3A : memref<!tpu.dma_semaphore, #tpu.memory_space<semaphore_mem>>) src(%dma_wait3A_74 : memref<256x16xf32, #tpu.memory_space<vmem_shared>>) dst(%dma_wait3A_72 : memref<256x16xf32, #tpu.memory_space<hbm>>)
      tpu.yield
    }) : () -> ()
    return
  }
}

#map = affine_map<(d0, d1) -> (0, 0)>
#map1 = affine_map<(d0, d1) -> (0, 0, 0)>
module attributes {stable_mosaic.version = 14 : i64} {
  func.func @k(%arg0: i32, %arg1: i32, %arg2: memref<40000x128xf32, #tpu.memory_space<hbm>>, %arg3: memref<16x100x80xi32, #tpu.memory_space<hbm>>, %arg4: memref<16x100x80xi32, #tpu.memory_space<hbm>>, %arg5: memref<504x128xf32, #tpu.memory_space<hbm>>, %arg6: memref<504x16xf32, #tpu.memory_space<hbm>>, %arg7: memref<80x16xf32, #tpu.memory_space<hbm>>, %arg8: memref<2x8064x128xf32, #tpu.memory_space<hbm>>, %arg9: memref<2x8064x16xf32, #tpu.memory_space<hbm>>, %arg10: memref<100x80xi32, #tpu.memory_space<vmem>>, %arg11: memref<100x80xi32, #tpu.memory_space<vmem>>, %arg12: memref<80x128xf32, #tpu.memory_space<vmem>>, %arg13: memref<80x128xf32, #tpu.memory_space<vmem>>, %arg14: memref<80x16xf32, #tpu.memory_space<vmem>>, %arg15: memref<8064x128xf32, #tpu.memory_space<vmem_shared>>, %arg16: memref<8064x16xf32, #tpu.memory_space<vmem_shared>>, %arg17: memref<!tpu.dma_semaphore, #tpu.memory_space<semaphore_mem>>, %arg18: memref<!tpu.dma_semaphore, #tpu.memory_space<semaphore_mem>>, %arg19: memref<!tpu.dma_semaphore, #tpu.memory_space<semaphore_mem>>) attributes {dimension_semantics = [#tpu.dimension_semantics<core_parallel>, #tpu.dimension_semantics<subcore_parallel>], iteration_bounds = array<i64: 2, 16>, scalar_prefetch = 0 : i64, scratch_operands = 10 : i64, tpu.core_type = #tpu.core_type<sc_vector_subcore>, window_params = [{transform_indices = #map}, {transform_indices = #map1}, {transform_indices = #map1}, {transform_indices = #map}, {transform_indices = #map}, {transform_indices = #map}, {transform_indices = #map1}, {transform_indices = #map1}]} {
    %mul3A = arith.constant 504 : i32
    %mul3A_0 = arith.muli %arg1, %mul3A : i32
    %dma_start3A = arith.constant 0 : i32
    %dma_start3A_1 = tpu.memref_slice %arg15[%mul3A_0, %dma_start3A] : memref<8064x128xf32, #tpu.memory_space<vmem_shared>> -> memref<504x128xf32, #tpu.memory_space<vmem_shared>>
    tpu.enqueue_dma source(%arg5 : memref<504x128xf32, #tpu.memory_space<hbm>>) target(%dma_start3A_1 : memref<504x128xf32, #tpu.memory_space<vmem_shared>>) target_semaphore(%arg17 : memref<!tpu.dma_semaphore, #tpu.memory_space<semaphore_mem>>)
    %dma_start3A_2 = arith.constant 0 : i32
    %dma_start3A_3 = tpu.memref_slice %arg16[%mul3A_0, %dma_start3A_2] : memref<8064x16xf32, #tpu.memory_space<vmem_shared>> -> memref<504x16xf32, #tpu.memory_space<vmem_shared>>
    tpu.enqueue_dma source(%arg6 : memref<504x16xf32, #tpu.memory_space<hbm>>) target(%dma_start3A_3 : memref<504x16xf32, #tpu.memory_space<vmem_shared>>) target_semaphore(%arg18 : memref<!tpu.dma_semaphore, #tpu.memory_space<semaphore_mem>>)
    "tpu.region"() ({
      %run_scoped3A = tpu.sem_alloc : memref<!tpu.dma_semaphore, #tpu.memory_space<semaphore_mem>>
      tpu.enqueue_dma source(%arg7 : memref<80x16xf32, #tpu.memory_space<hbm>>) target(%arg14 : memref<80x16xf32, #tpu.memory_space<vmem>>) target_semaphore(%run_scoped3A : memref<!tpu.dma_semaphore, #tpu.memory_space<semaphore_mem>>)
      tpu.wait_dma2 semaphore(%run_scoped3A : memref<!tpu.dma_semaphore, #tpu.memory_space<semaphore_mem>>) src(%arg7 : memref<80x16xf32, #tpu.memory_space<hbm>>) dst(%arg14 : memref<80x16xf32, #tpu.memory_space<vmem>>)
      tpu.yield
    }) : () -> ()
    %dma_wait3A = arith.constant 0 : i32
    %dma_wait3A_4 = tpu.memref_slice %arg15[%mul3A_0, %dma_wait3A] : memref<8064x128xf32, #tpu.memory_space<vmem_shared>> -> memref<504x128xf32, #tpu.memory_space<vmem_shared>>
    tpu.wait_dma2 semaphore(%arg17 : memref<!tpu.dma_semaphore, #tpu.memory_space<semaphore_mem>>) src(%arg5 : memref<504x128xf32, #tpu.memory_space<hbm>>) dst(%dma_wait3A_4 : memref<504x128xf32, #tpu.memory_space<vmem_shared>>)
    %dma_wait3A_5 = arith.constant 0 : i32
    %dma_wait3A_6 = tpu.memref_slice %arg16[%mul3A_0, %dma_wait3A_5] : memref<8064x16xf32, #tpu.memory_space<vmem_shared>> -> memref<504x16xf32, #tpu.memory_space<vmem_shared>>
    tpu.wait_dma2 semaphore(%arg18 : memref<!tpu.dma_semaphore, #tpu.memory_space<semaphore_mem>>) src(%arg6 : memref<504x16xf32, #tpu.memory_space<hbm>>) dst(%dma_wait3A_6 : memref<504x16xf32, #tpu.memory_space<vmem_shared>>)
    %barrier3A = arith.constant 0 : index
    tpu.barrier barrier_id(%barrier3A)
    %mul3A_7 = arith.constant 20000 : i32
    %mul3A_8 = arith.muli %arg0, %mul3A_7 : i32
    %scan3A = arith.constant 0 : i32
    %scan3A_9 = arith.constant 0 : i32
    %mul3A_10 = arith.constant 100 : i32
    %mul3A_11 = arith.muli %scan3A_9, %mul3A_10 : i32
    %dma_start3A_12 = arith.constant 0 : i32
    %dma_start3A_13 = tpu.memref_slice %arg3[%arg1, %mul3A_11, %dma_start3A_12] : memref<16x100x80xi32, #tpu.memory_space<hbm>> -> memref<1x100x80xi32, #tpu.memory_space<hbm>>
    %dma_start3A_14 = tpu.memref_squeeze %dma_start3A_13 : memref<1x100x80xi32, #tpu.memory_space<hbm>> -> memref<100x80xi32, #tpu.memory_space<hbm>>
    %dma_start3A_15 = arith.constant 0 : i32
    %dma_start3A_16 = tpu.memref_slice %arg3[%arg1, %mul3A_11, %dma_start3A_15] : memref<16x100x80xi32, #tpu.memory_space<hbm>> -> memref<1x100x80xi32, #tpu.memory_space<hbm>>
    %dma_start3A_17 = tpu.memref_squeeze %dma_start3A_16 : memref<1x100x80xi32, #tpu.memory_space<hbm>> -> memref<100x80xi32, #tpu.memory_space<hbm>>
    tpu.enqueue_dma source(%dma_start3A_17 : memref<100x80xi32, #tpu.memory_space<hbm>>) target(%arg10 : memref<100x80xi32, #tpu.memory_space<vmem>>) target_semaphore(%arg17 : memref<!tpu.dma_semaphore, #tpu.memory_space<semaphore_mem>>)
    %mul3A_18 = arith.constant 100 : i32
    %mul3A_19 = arith.muli %scan3A_9, %mul3A_18 : i32
    %dma_start3A_20 = arith.constant 0 : i32
    %dma_start3A_21 = tpu.memref_slice %arg4[%arg1, %mul3A_19, %dma_start3A_20] : memref<16x100x80xi32, #tpu.memory_space<hbm>> -> memref<1x100x80xi32, #tpu.memory_space<hbm>>
    %dma_start3A_22 = tpu.memref_squeeze %dma_start3A_21 : memref<1x100x80xi32, #tpu.memory_space<hbm>> -> memref<100x80xi32, #tpu.memory_space<hbm>>
    %dma_start3A_23 = arith.constant 0 : i32
    %dma_start3A_24 = tpu.memref_slice %arg4[%arg1, %mul3A_19, %dma_start3A_23] : memref<16x100x80xi32, #tpu.memory_space<hbm>> -> memref<1x100x80xi32, #tpu.memory_space<hbm>>
    %dma_start3A_25 = tpu.memref_squeeze %dma_start3A_24 : memref<1x100x80xi32, #tpu.memory_space<hbm>> -> memref<100x80xi32, #tpu.memory_space<hbm>>
    tpu.enqueue_dma source(%dma_start3A_25 : memref<100x80xi32, #tpu.memory_space<hbm>>) target(%arg11 : memref<100x80xi32, #tpu.memory_space<vmem>>) target_semaphore(%arg18 : memref<!tpu.dma_semaphore, #tpu.memory_space<semaphore_mem>>)
    %dma_wait3A_26 = arith.constant 0 : i32
    %dma_wait3A_27 = tpu.memref_slice %arg4[%arg1, %mul3A_19, %dma_wait3A_26] : memref<16x100x80xi32, #tpu.memory_space<hbm>> -> memref<1x100x80xi32, #tpu.memory_space<hbm>>
    %dma_wait3A_28 = tpu.memref_squeeze %dma_wait3A_27 : memref<1x100x80xi32, #tpu.memory_space<hbm>> -> memref<100x80xi32, #tpu.memory_space<hbm>>
    %dma_wait3A_29 = arith.constant 0 : i32
    %dma_wait3A_30 = tpu.memref_slice %arg4[%arg1, %mul3A_19, %dma_wait3A_29] : memref<16x100x80xi32, #tpu.memory_space<hbm>> -> memref<1x100x80xi32, #tpu.memory_space<hbm>>
    %dma_wait3A_31 = tpu.memref_squeeze %dma_wait3A_30 : memref<1x100x80xi32, #tpu.memory_space<hbm>> -> memref<100x80xi32, #tpu.memory_space<hbm>>
    tpu.wait_dma2 semaphore(%arg18 : memref<!tpu.dma_semaphore, #tpu.memory_space<semaphore_mem>>) src(%dma_wait3A_31 : memref<100x80xi32, #tpu.memory_space<hbm>>) dst(%arg11 : memref<100x80xi32, #tpu.memory_space<vmem>>)
    %dma_wait3A_32 = arith.constant 0 : i32
    %dma_wait3A_33 = tpu.memref_slice %arg3[%arg1, %mul3A_11, %dma_wait3A_32] : memref<16x100x80xi32, #tpu.memory_space<hbm>> -> memref<1x100x80xi32, #tpu.memory_space<hbm>>
    %dma_wait3A_34 = tpu.memref_squeeze %dma_wait3A_33 : memref<1x100x80xi32, #tpu.memory_space<hbm>> -> memref<100x80xi32, #tpu.memory_space<hbm>>
    %dma_wait3A_35 = arith.constant 0 : i32
    %dma_wait3A_36 = tpu.memref_slice %arg3[%arg1, %mul3A_11, %dma_wait3A_35] : memref<16x100x80xi32, #tpu.memory_space<hbm>> -> memref<1x100x80xi32, #tpu.memory_space<hbm>>
    %dma_wait3A_37 = tpu.memref_squeeze %dma_wait3A_36 : memref<1x100x80xi32, #tpu.memory_space<hbm>> -> memref<100x80xi32, #tpu.memory_space<hbm>>
    tpu.wait_dma2 semaphore(%arg17 : memref<!tpu.dma_semaphore, #tpu.memory_space<semaphore_mem>>) src(%dma_wait3A_37 : memref<100x80xi32, #tpu.memory_space<hbm>>) dst(%arg10 : memref<100x80xi32, #tpu.memory_space<vmem>>)
    %scan3A_38 = arith.constant 0 : i32
    %scan3A_39 = arith.constant 0 : i32
    %scan3A_40 = arith.constant 100 : i32
    %scan3A_41 = arith.addi %scan3A_39, %scan3A_40 : i32
    %scan3A_42 = arith.constant 1 : i32
    scf.for %scan3A_65 = %scan3A_39 to %scan3A_41 step %scan3A_42  : i32 {
      %get3A = arith.index_cast %scan3A_65 : i32 to index
      %get3A_66 = arith.constant 0 : index
      %get3A_67 = tpu.vector_load %arg10[%get3A, %get3A_66] {strides = array<i32>} : memref<100x80xi32, #tpu.memory_space<vmem>>, vector<1x16xi32>,
      %get3A_68 = vector.shape_cast %get3A_67 : vector<1x16xi32> to vector<16xi32>
      %add3A = vector.broadcast %mul3A_8 : i32 to vector<16xi32>
      %add3A_69 = arith.addi %get3A_68, %add3A : vector<16xi32>
      %swap3A = arith.index_cast %scan3A_65 : i32 to index
      %swap3A_70 = arith.constant 0 : index
      %swap3A_71 = tpu.vector_load %arg10[%swap3A, %swap3A_70] {strides = array<i32>} : memref<100x80xi32, #tpu.memory_space<vmem>>, vector<1x16xi32>,
      %swap3A_72 = vector.shape_cast %swap3A_71 : vector<1x16xi32> to vector<16xi32>
      %swap3A_73 = vector.shape_cast %add3A_69 : vector<16xi32> to vector<1x16xi32>
      tpu.vector_store %arg10[%swap3A, %swap3A_70], %swap3A_73 {strides = array<i32>} : memref<100x80xi32, #tpu.memory_space<vmem>>, vector<1x16xi32>,
      %get3A_74 = arith.index_cast %scan3A_65 : i32 to index
      %get3A_75 = arith.constant 16 : index
      %get3A_76 = tpu.vector_load %arg10[%get3A_74, %get3A_75] {strides = array<i32>} : memref<100x80xi32, #tpu.memory_space<vmem>>, vector<1x16xi32>,
      %get3A_77 = vector.shape_cast %get3A_76 : vector<1x16xi32> to vector<16xi32>
      %add3A_78 = vector.broadcast %mul3A_8 : i32 to vector<16xi32>
      %add3A_79 = arith.addi %get3A_77, %add3A_78 : vector<16xi32>
      %swap3A_80 = arith.index_cast %scan3A_65 : i32 to index
      %swap3A_81 = arith.constant 16 : index
      %swap3A_82 = tpu.vector_load %arg10[%swap3A_80, %swap3A_81] {strides = array<i32>} : memref<100x80xi32, #tpu.memory_space<vmem>>, vector<1x16xi32>,
      %swap3A_83 = vector.shape_cast %swap3A_82 : vector<1x16xi32> to vector<16xi32>
      %swap3A_84 = vector.shape_cast %add3A_79 : vector<16xi32> to vector<1x16xi32>
      tpu.vector_store %arg10[%swap3A_80, %swap3A_81], %swap3A_84 {strides = array<i32>} : memref<100x80xi32, #tpu.memory_space<vmem>>, vector<1x16xi32>,
      %get3A_85 = arith.index_cast %scan3A_65 : i32 to index
      %get3A_86 = arith.constant 32 : index
      %get3A_87 = tpu.vector_load %arg10[%get3A_85, %get3A_86] {strides = array<i32>} : memref<100x80xi32, #tpu.memory_space<vmem>>, vector<1x16xi32>,
      %get3A_88 = vector.shape_cast %get3A_87 : vector<1x16xi32> to vector<16xi32>
      %add3A_89 = vector.broadcast %mul3A_8 : i32 to vector<16xi32>
      %add3A_90 = arith.addi %get3A_88, %add3A_89 : vector<16xi32>
      %swap3A_91 = arith.index_cast %scan3A_65 : i32 to index
      %swap3A_92 = arith.constant 32 : index
      %swap3A_93 = tpu.vector_load %arg10[%swap3A_91, %swap3A_92] {strides = array<i32>} : memref<100x80xi32, #tpu.memory_space<vmem>>, vector<1x16xi32>,
      %swap3A_94 = vector.shape_cast %swap3A_93 : vector<1x16xi32> to vector<16xi32>
      %swap3A_95 = vector.shape_cast %add3A_90 : vector<16xi32> to vector<1x16xi32>
      tpu.vector_store %arg10[%swap3A_91, %swap3A_92], %swap3A_95 {strides = array<i32>} : memref<100x80xi32, #tpu.memory_space<vmem>>, vector<1x16xi32>,
      %get3A_96 = arith.index_cast %scan3A_65 : i32 to index
      %get3A_97 = arith.constant 48 : index
      %get3A_98 = tpu.vector_load %arg10[%get3A_96, %get3A_97] {strides = array<i32>} : memref<100x80xi32, #tpu.memory_space<vmem>>, vector<1x16xi32>,
      %get3A_99 = vector.shape_cast %get3A_98 : vector<1x16xi32> to vector<16xi32>
      %add3A_100 = vector.broadcast %mul3A_8 : i32 to vector<16xi32>
      %add3A_101 = arith.addi %get3A_99, %add3A_100 : vector<16xi32>
      %swap3A_102 = arith.index_cast %scan3A_65 : i32 to index
      %swap3A_103 = arith.constant 48 : index
      %swap3A_104 = tpu.vector_load %arg10[%swap3A_102, %swap3A_103] {strides = array<i32>} : memref<100x80xi32, #tpu.memory_space<vmem>>, vector<1x16xi32>,
      %swap3A_105 = vector.shape_cast %swap3A_104 : vector<1x16xi32> to vector<16xi32>
      %swap3A_106 = vector.shape_cast %add3A_101 : vector<16xi32> to vector<1x16xi32>
      tpu.vector_store %arg10[%swap3A_102, %swap3A_103], %swap3A_106 {strides = array<i32>} : memref<100x80xi32, #tpu.memory_space<vmem>>, vector<1x16xi32>,
      %get3A_107 = arith.index_cast %scan3A_65 : i32 to index
      %get3A_108 = arith.constant 64 : index
      %get3A_109 = tpu.vector_load %arg10[%get3A_107, %get3A_108] {strides = array<i32>} : memref<100x80xi32, #tpu.memory_space<vmem>>, vector<1x16xi32>,
      %get3A_110 = vector.shape_cast %get3A_109 : vector<1x16xi32> to vector<16xi32>
      %add3A_111 = vector.broadcast %mul3A_8 : i32 to vector<16xi32>
      %add3A_112 = arith.addi %get3A_110, %add3A_111 : vector<16xi32>
      %swap3A_113 = arith.index_cast %scan3A_65 : i32 to index
      %swap3A_114 = arith.constant 64 : index
      %swap3A_115 = tpu.vector_load %arg10[%swap3A_113, %swap3A_114] {strides = array<i32>} : memref<100x80xi32, #tpu.memory_space<vmem>>, vector<1x16xi32>,
      %swap3A_116 = vector.shape_cast %swap3A_115 : vector<1x16xi32> to vector<16xi32>
      %swap3A_117 = vector.shape_cast %add3A_112 : vector<16xi32> to vector<1x16xi32>
      tpu.vector_store %arg10[%swap3A_113, %swap3A_114], %swap3A_117 {strides = array<i32>} : memref<100x80xi32, #tpu.memory_space<vmem>>, vector<1x16xi32>,
    }
    %scan3A_43 = arith.constant 100 : i32
    %dma_start3A_44 = arith.constant 0 : i32
    %dma_start3A_45 = arith.constant 0 : i32
    %dma_start3A_46 = tpu.memref_slice %arg10[%dma_start3A_44, %dma_start3A_45] : memref<100x80xi32, #tpu.memory_space<vmem>> -> memref<1x80xi32, #tpu.memory_space<vmem>>
    %dma_start3A_47 = tpu.memref_squeeze %dma_start3A_46 : memref<1x80xi32, #tpu.memory_space<vmem>> -> memref<80xi32, #tpu.memory_space<vmem>>
    %dma_start3A_48 = arith.constant 0 : i32
    %dma_start3A_49 = arith.constant 0 : i32
    %dma_start3A_50 = tpu.memref_slice %arg2[%dma_start3A_48, %dma_start3A_49] : memref<40000x128xf32, #tpu.memory_space<hbm>> -> memref<40000x128xf32, #tpu.memory_space<hbm>>
    tpu.enqueue_indirect_dma source(%dma_start3A_50 : memref<40000x128xf32, #tpu.memory_space<hbm>>) target(%arg12 : memref<80x128xf32, #tpu.memory_space<vmem>>) offsets(%dma_start3A_47 : memref<80xi32, #tpu.memory_space<vmem>>) semaphore(%arg17 : memref<!tpu.dma_semaphore, #tpu.memory_space<semaphore_mem>>)
    %scan3A_51 = arith.constant 0 : i32
    %scan3A_52 = arith.constant 0 : i32
    %scan3A_53 = arith.constant 50 : i32
    %scan3A_54 = arith.addi %scan3A_52, %scan3A_53 : i32
    %scan3A_55 = arith.constant 1 : i32
    scf.for %scan3A_65 = %scan3A_52 to %scan3A_54 step %scan3A_55  : i32 {
      %mul3A_66 = arith.constant 2 : i32
      %mul3A_67 = arith.muli %mul3A_66, %scan3A_65 : i32
      %add3A = arith.constant 1 : i32
      %add3A_68 = arith.addi %mul3A_67, %add3A : i32
      %dma_start3A_69 = arith.constant 0 : i32
      %dma_start3A_70 = tpu.memref_slice %arg10[%add3A_68, %dma_start3A_69] : memref<100x80xi32, #tpu.memory_space<vmem>> -> memref<1x80xi32, #tpu.memory_space<vmem>>
      %dma_start3A_71 = tpu.memref_squeeze %dma_start3A_70 : memref<1x80xi32, #tpu.memory_space<vmem>> -> memref<80xi32, #tpu.memory_space<vmem>>
      %dma_start3A_72 = arith.constant 0 : i32
      %dma_start3A_73 = arith.constant 0 : i32
      %dma_start3A_74 = tpu.memref_slice %arg2[%dma_start3A_72, %dma_start3A_73] : memref<40000x128xf32, #tpu.memory_space<hbm>> -> memref<40000x128xf32, #tpu.memory_space<hbm>>
      tpu.enqueue_indirect_dma source(%dma_start3A_74 : memref<40000x128xf32, #tpu.memory_space<hbm>>) target(%arg13 : memref<80x128xf32, #tpu.memory_space<vmem>>) offsets(%dma_start3A_71 : memref<80xi32, #tpu.memory_space<vmem>>) semaphore(%arg18 : memref<!tpu.dma_semaphore, #tpu.memory_space<semaphore_mem>>)
      %lt3A = arith.constant 50 : i32
      %lt3A_75 = arith.cmpi slt, %mul3A_67, %lt3A : i32
      %eq3A = arith.constant 0 : i32
      %eq3A_76 = arith.cmpi eq, %arg0, %eq3A : i32
      %eq3A_77 = arith.xori %lt3A_75, %eq3A_76 : i1
      %eq3A_78 = arith.constant true
      %eq3A_79 = arith.xori %eq3A_77, %eq3A_78 : i1
      %convert_element_type3A = arith.extui %eq3A_79 : i1 to i32
      %cond3A = arith.constant 0 : i32
      %cond3A_80 = arith.cmpi ne, %convert_element_type3A, %cond3A : i32
      scf.if %cond3A_80 {
        %dma_start3A_116 = arith.constant 0 : i32
        %dma_start3A_117 = tpu.memref_slice %arg11[%mul3A_67, %dma_start3A_116] : memref<100x80xi32, #tpu.memory_space<vmem>> -> memref<1x80xi32, #tpu.memory_space<vmem>>
        %dma_start3A_118 = tpu.memref_squeeze %dma_start3A_117 : memref<1x80xi32, #tpu.memory_space<vmem>> -> memref<80xi32, #tpu.memory_space<vmem>>
        %dma_start3A_119 = arith.constant 0 : i32
        %dma_start3A_120 = arith.constant 0 : i32
        %dma_start3A_121 = tpu.memref_slice %arg16[%dma_start3A_119, %dma_start3A_120] : memref<8064x16xf32, #tpu.memory_space<vmem_shared>> -> memref<8064x16xf32, #tpu.memory_space<vmem_shared>>
        tpu.enqueue_indirect_dma source(%arg14 : memref<80x16xf32, #tpu.memory_space<vmem>>) target(%dma_start3A_121 : memref<8064x16xf32, #tpu.memory_space<vmem_shared>>) offsets(%dma_start3A_118 : memref<80xi32, #tpu.memory_space<vmem>>) semaphore(%arg19 : memref<!tpu.dma_semaphore, #tpu.memory_space<semaphore_mem>>) {add = true}
      } else {
      }
      %dma_wait3A_81 = arith.constant 0 : i32
      %dma_wait3A_82 = tpu.memref_slice %arg10[%mul3A_67, %dma_wait3A_81] : memref<100x80xi32, #tpu.memory_space<vmem>> -> memref<1x80xi32, #tpu.memory_space<vmem>>
      %dma_wait3A_83 = tpu.memref_squeeze %dma_wait3A_82 : memref<1x80xi32, #tpu.memory_space<vmem>> -> memref<80xi32, #tpu.memory_space<vmem>>
      %dma_wait3A_84 = arith.constant 0 : i32
      %dma_wait3A_85 = arith.constant 0 : i32
      %dma_wait3A_86 = tpu.memref_slice %arg2[%dma_wait3A_84, %dma_wait3A_85] : memref<40000x128xf32, #tpu.memory_space<hbm>> -> memref<40000x128xf32, #tpu.memory_space<hbm>>
      tpu.wait_indirect_dma semaphore(%arg17 : memref<!tpu.dma_semaphore, #tpu.memory_space<semaphore_mem>>) src(%dma_wait3A_86 : memref<40000x128xf32, #tpu.memory_space<hbm>>) dst(%arg12 : memref<80x128xf32, #tpu.memory_space<vmem>>)
      "tpu.region"() ({
        %run_scoped3A = tpu.sem_alloc : memref<!tpu.dma_semaphore, #tpu.memory_space<semaphore_mem>>
        %dma_start3A_116 = arith.constant 0 : i32
        %dma_start3A_117 = tpu.memref_slice %arg11[%mul3A_67, %dma_start3A_116] : memref<100x80xi32, #tpu.memory_space<vmem>> -> memref<1x80xi32, #tpu.memory_space<vmem>>
        %dma_start3A_118 = tpu.memref_squeeze %dma_start3A_117 : memref<1x80xi32, #tpu.memory_space<vmem>> -> memref<80xi32, #tpu.memory_space<vmem>>
        %dma_start3A_119 = arith.constant 0 : i32
        %dma_start3A_120 = arith.constant 0 : i32
        %dma_start3A_121 = tpu.memref_slice %arg15[%dma_start3A_119, %dma_start3A_120] : memref<8064x128xf32, #tpu.memory_space<vmem_shared>> -> memref<8064x128xf32, #tpu.memory_space<vmem_shared>>
        tpu.enqueue_indirect_dma source(%arg12 : memref<80x128xf32, #tpu.memory_space<vmem>>) target(%dma_start3A_121 : memref<8064x128xf32, #tpu.memory_space<vmem_shared>>) offsets(%dma_start3A_118 : memref<80xi32, #tpu.memory_space<vmem>>) semaphore(%run_scoped3A : memref<!tpu.dma_semaphore, #tpu.memory_space<semaphore_mem>>) {add = true}
        %dma_wait3A_122 = arith.constant 0 : i32
        %dma_wait3A_123 = tpu.memref_slice %arg11[%mul3A_67, %dma_wait3A_122] : memref<100x80xi32, #tpu.memory_space<vmem>> -> memref<1x80xi32, #tpu.memory_space<vmem>>
        %dma_wait3A_124 = tpu.memref_squeeze %dma_wait3A_123 : memref<1x80xi32, #tpu.memory_space<vmem>> -> memref<80xi32, #tpu.memory_space<vmem>>
        %dma_wait3A_125 = arith.constant 0 : i32
        %dma_wait3A_126 = arith.constant 0 : i32
        %dma_wait3A_127 = tpu.memref_slice %arg15[%dma_wait3A_125, %dma_wait3A_126] : memref<8064x128xf32, #tpu.memory_space<vmem_shared>> -> memref<8064x128xf32, #tpu.memory_space<vmem_shared>>
        tpu.wait_indirect_dma semaphore(%run_scoped3A : memref<!tpu.dma_semaphore, #tpu.memory_space<semaphore_mem>>) src(%arg12 : memref<80x128xf32, #tpu.memory_space<vmem>>) dst(%dma_wait3A_127 : memref<8064x128xf32, #tpu.memory_space<vmem_shared>>)
        tpu.yield
      }) : () -> ()
      %add3A_87 = arith.constant 2 : i32
      %add3A_88 = arith.addi %mul3A_67, %add3A_87 : i32
      %lt3A_89 = arith.constant 100 : i32
      %lt3A_90 = arith.cmpi slt, %add3A_88, %lt3A_89 : i32
      %convert_element_type3A_91 = arith.extui %lt3A_90 : i1 to i32
      %cond3A_92 = arith.constant 0 : i32
      %cond3A_93 = arith.cmpi ne, %convert_element_type3A_91, %cond3A_92 : i32
      scf.if %cond3A_93 {
        %add3A_116 = arith.constant 2 : i32
        %add3A_117 = arith.addi %mul3A_67, %add3A_116 : i32
        %dma_start3A_118 = arith.constant 0 : i32
        %dma_start3A_119 = tpu.memref_slice %arg10[%add3A_117, %dma_start3A_118] : memref<100x80xi32, #tpu.memory_space<vmem>> -> memref<1x80xi32, #tpu.memory_space<vmem>>
        %dma_start3A_120 = tpu.memref_squeeze %dma_start3A_119 : memref<1x80xi32, #tpu.memory_space<vmem>> -> memref<80xi32, #tpu.memory_space<vmem>>
        %dma_start3A_121 = arith.constant 0 : i32
        %dma_start3A_122 = arith.constant 0 : i32
        %dma_start3A_123 = tpu.memref_slice %arg2[%dma_start3A_121, %dma_start3A_122] : memref<40000x128xf32, #tpu.memory_space<hbm>> -> memref<40000x128xf32, #tpu.memory_space<hbm>>
        tpu.enqueue_indirect_dma source(%dma_start3A_123 : memref<40000x128xf32, #tpu.memory_space<hbm>>) target(%arg12 : memref<80x128xf32, #tpu.memory_space<vmem>>) offsets(%dma_start3A_120 : memref<80xi32, #tpu.memory_space<vmem>>) semaphore(%arg17 : memref<!tpu.dma_semaphore, #tpu.memory_space<semaphore_mem>>)
      } else {
      }
      %add3A_94 = arith.constant 1 : i32
      %add3A_95 = arith.addi %mul3A_67, %add3A_94 : i32
      %lt3A_96 = arith.constant 50 : i32
      %lt3A_97 = arith.cmpi slt, %add3A_95, %lt3A_96 : i32
      %eq3A_98 = arith.constant 0 : i32
      %eq3A_99 = arith.cmpi eq, %arg0, %eq3A_98 : i32
      %eq3A_100 = arith.xori %lt3A_97, %eq3A_99 : i1
      %eq3A_101 = arith.constant true
      %eq3A_102 = arith.xori %eq3A_100, %eq3A_101 : i1
      %convert_element_type3A_103 = arith.extui %eq3A_102 : i1 to i32
      %cond3A_104 = arith.constant 0 : i32
      %cond3A_105 = arith.cmpi ne, %convert_element_type3A_103, %cond3A_104 : i32
      scf.if %cond3A_105 {
        %add3A_116 = arith.constant 1 : i32
        %add3A_117 = arith.addi %mul3A_67, %add3A_116 : i32
        %dma_start3A_118 = arith.constant 0 : i32
        %dma_start3A_119 = tpu.memref_slice %arg11[%add3A_117, %dma_start3A_118] : memref<100x80xi32, #tpu.memory_space<vmem>> -> memref<1x80xi32, #tpu.memory_space<vmem>>
        %dma_start3A_120 = tpu.memref_squeeze %dma_start3A_119 : memref<1x80xi32, #tpu.memory_space<vmem>> -> memref<80xi32, #tpu.memory_space<vmem>>
        %dma_start3A_121 = arith.constant 0 : i32
        %dma_start3A_122 = arith.constant 0 : i32
        %dma_start3A_123 = tpu.memref_slice %arg16[%dma_start3A_121, %dma_start3A_122] : memref<8064x16xf32, #tpu.memory_space<vmem_shared>> -> memref<8064x16xf32, #tpu.memory_space<vmem_shared>>
        tpu.enqueue_indirect_dma source(%arg14 : memref<80x16xf32, #tpu.memory_space<vmem>>) target(%dma_start3A_123 : memref<8064x16xf32, #tpu.memory_space<vmem_shared>>) offsets(%dma_start3A_120 : memref<80xi32, #tpu.memory_space<vmem>>) semaphore(%arg19 : memref<!tpu.dma_semaphore, #tpu.memory_space<semaphore_mem>>) {add = true}
      } else {
      }
      %add3A_106 = arith.constant 1 : i32
      %add3A_107 = arith.addi %mul3A_67, %add3A_106 : i32
      %dma_wait3A_108 = arith.constant 0 : i32
      %dma_wait3A_109 = tpu.memref_slice %arg10[%add3A_107, %dma_wait3A_108] : memref<100x80xi32, #tpu.memory_space<vmem>> -> memref<1x80xi32, #tpu.memory_space<vmem>>
      %dma_wait3A_110 = tpu.memref_squeeze %dma_wait3A_109 : memref<1x80xi32, #tpu.memory_space<vmem>> -> memref<80xi32, #tpu.memory_space<vmem>>
      %dma_wait3A_111 = arith.constant 0 : i32
      %dma_wait3A_112 = arith.constant 0 : i32
      %dma_wait3A_113 = tpu.memref_slice %arg2[%dma_wait3A_111, %dma_wait3A_112] : memref<40000x128xf32, #tpu.memory_space<hbm>> -> memref<40000x128xf32, #tpu.memory_space<hbm>>
      tpu.wait_indirect_dma semaphore(%arg18 : memref<!tpu.dma_semaphore, #tpu.memory_space<semaphore_mem>>) src(%dma_wait3A_113 : memref<40000x128xf32, #tpu.memory_space<hbm>>) dst(%arg13 : memref<80x128xf32, #tpu.memory_space<vmem>>)
      %add3A_114 = arith.constant 1 : i32
      %add3A_115 = arith.addi %mul3A_67, %add3A_114 : i32
      "tpu.region"() ({
        %run_scoped3A = tpu.sem_alloc : memref<!tpu.dma_semaphore, #tpu.memory_space<semaphore_mem>>
        %dma_start3A_116 = arith.constant 0 : i32
        %dma_start3A_117 = tpu.memref_slice %arg11[%add3A_115, %dma_start3A_116] : memref<100x80xi32, #tpu.memory_space<vmem>> -> memref<1x80xi32, #tpu.memory_space<vmem>>
        %dma_start3A_118 = tpu.memref_squeeze %dma_start3A_117 : memref<1x80xi32, #tpu.memory_space<vmem>> -> memref<80xi32, #tpu.memory_space<vmem>>
        %dma_start3A_119 = arith.constant 0 : i32
        %dma_start3A_120 = arith.constant 0 : i32
        %dma_start3A_121 = tpu.memref_slice %arg15[%dma_start3A_119, %dma_start3A_120] : memref<8064x128xf32, #tpu.memory_space<vmem_shared>> -> memref<8064x128xf32, #tpu.memory_space<vmem_shared>>
        tpu.enqueue_indirect_dma source(%arg13 : memref<80x128xf32, #tpu.memory_space<vmem>>) target(%dma_start3A_121 : memref<8064x128xf32, #tpu.memory_space<vmem_shared>>) offsets(%dma_start3A_118 : memref<80xi32, #tpu.memory_space<vmem>>) semaphore(%run_scoped3A : memref<!tpu.dma_semaphore, #tpu.memory_space<semaphore_mem>>) {add = true}
        %dma_wait3A_122 = arith.constant 0 : i32
        %dma_wait3A_123 = tpu.memref_slice %arg11[%add3A_115, %dma_wait3A_122] : memref<100x80xi32, #tpu.memory_space<vmem>> -> memref<1x80xi32, #tpu.memory_space<vmem>>
        %dma_wait3A_124 = tpu.memref_squeeze %dma_wait3A_123 : memref<1x80xi32, #tpu.memory_space<vmem>> -> memref<80xi32, #tpu.memory_space<vmem>>
        %dma_wait3A_125 = arith.constant 0 : i32
        %dma_wait3A_126 = arith.constant 0 : i32
        %dma_wait3A_127 = tpu.memref_slice %arg15[%dma_wait3A_125, %dma_wait3A_126] : memref<8064x128xf32, #tpu.memory_space<vmem_shared>> -> memref<8064x128xf32, #tpu.memory_space<vmem_shared>>
        tpu.wait_indirect_dma semaphore(%run_scoped3A : memref<!tpu.dma_semaphore, #tpu.memory_space<semaphore_mem>>) src(%arg13 : memref<80x128xf32, #tpu.memory_space<vmem>>) dst(%dma_wait3A_127 : memref<8064x128xf32, #tpu.memory_space<vmem_shared>>)
        tpu.yield
      }) : () -> ()
    }
    %scan3A_56 = arith.constant 50 : i32
    %scan3A_57 = arith.constant 0 : i32
    %scan3A_58 = arith.constant 0 : i32
    %scan3A_59 = arith.constant 50 : i32
    %scan3A_60 = arith.addi %scan3A_58, %scan3A_59 : i32
    %scan3A_61 = arith.constant 1 : i32
    scf.for %scan3A_65 = %scan3A_58 to %scan3A_60 step %scan3A_61  : i32 {
      tpu.wait_dma2 semaphore(%arg19 : memref<!tpu.dma_semaphore, #tpu.memory_space<semaphore_mem>>) src(%arg7 : memref<80x16xf32, #tpu.memory_space<hbm>>) dst(%arg14 : memref<80x16xf32, #tpu.memory_space<vmem>>)
    }
    %scan3A_62 = arith.constant 50 : i32
    %scan3A_63 = arith.constant 1 : i32
    %barrier3A_64 = arith.constant 0 : index
    tpu.barrier barrier_id(%barrier3A_64)
    "tpu.region"() ({
      %run_scoped3A = tpu.sem_alloc : memref<!tpu.dma_semaphore, #tpu.memory_space<semaphore_mem>>
      %dma_start3A_65 = arith.constant 0 : i32
      %dma_start3A_66 = tpu.memref_slice %arg8[%arg0, %mul3A_0, %dma_start3A_65] : memref<2x8064x128xf32, #tpu.memory_space<hbm>> -> memref<1x504x128xf32, #tpu.memory_space<hbm>>
      %dma_start3A_67 = tpu.memref_squeeze %dma_start3A_66 : memref<1x504x128xf32, #tpu.memory_space<hbm>> -> memref<504x128xf32, #tpu.memory_space<hbm>>
      %dma_start3A_68 = arith.constant 0 : i32
      %dma_start3A_69 = tpu.memref_slice %arg15[%mul3A_0, %dma_start3A_68] : memref<8064x128xf32, #tpu.memory_space<vmem_shared>> -> memref<504x128xf32, #tpu.memory_space<vmem_shared>>
      tpu.enqueue_dma source(%dma_start3A_69 : memref<504x128xf32, #tpu.memory_space<vmem_shared>>) target(%dma_start3A_67 : memref<504x128xf32, #tpu.memory_space<hbm>>) target_semaphore(%run_scoped3A : memref<!tpu.dma_semaphore, #tpu.memory_space<semaphore_mem>>)
      %dma_wait3A_70 = arith.constant 0 : i32
      %dma_wait3A_71 = tpu.memref_slice %arg8[%arg0, %mul3A_0, %dma_wait3A_70] : memref<2x8064x128xf32, #tpu.memory_space<hbm>> -> memref<1x504x128xf32, #tpu.memory_space<hbm>>
      %dma_wait3A_72 = tpu.memref_squeeze %dma_wait3A_71 : memref<1x504x128xf32, #tpu.memory_space<hbm>> -> memref<504x128xf32, #tpu.memory_space<hbm>>
      %dma_wait3A_73 = arith.constant 0 : i32
      %dma_wait3A_74 = tpu.memref_slice %arg15[%mul3A_0, %dma_wait3A_73] : memref<8064x128xf32, #tpu.memory_space<vmem_shared>> -> memref<504x128xf32, #tpu.memory_space<vmem_shared>>
      tpu.wait_dma2 semaphore(%run_scoped3A : memref<!tpu.dma_semaphore, #tpu.memory_space<semaphore_mem>>) src(%dma_wait3A_74 : memref<504x128xf32, #tpu.memory_space<vmem_shared>>) dst(%dma_wait3A_72 : memref<504x128xf32, #tpu.memory_space<hbm>>)
      tpu.yield
    }) : () -> ()
    "tpu.region"() ({
      %run_scoped3A = tpu.sem_alloc : memref<!tpu.dma_semaphore, #tpu.memory_space<semaphore_mem>>
      %dma_start3A_65 = arith.constant 0 : i32
      %dma_start3A_66 = tpu.memref_slice %arg9[%arg0, %mul3A_0, %dma_start3A_65] : memref<2x8064x16xf32, #tpu.memory_space<hbm>> -> memref<1x504x16xf32, #tpu.memory_space<hbm>>
      %dma_start3A_67 = tpu.memref_squeeze %dma_start3A_66 : memref<1x504x16xf32, #tpu.memory_space<hbm>> -> memref<504x16xf32, #tpu.memory_space<hbm>>
      %dma_start3A_68 = arith.constant 0 : i32
      %dma_start3A_69 = tpu.memref_slice %arg16[%mul3A_0, %dma_start3A_68] : memref<8064x16xf32, #tpu.memory_space<vmem_shared>> -> memref<504x16xf32, #tpu.memory_space<vmem_shared>>
      tpu.enqueue_dma source(%dma_start3A_69 : memref<504x16xf32, #tpu.memory_space<vmem_shared>>) target(%dma_start3A_67 : memref<504x16xf32, #tpu.memory_space<hbm>>) target_semaphore(%run_scoped3A : memref<!tpu.dma_semaphore, #tpu.memory_space<semaphore_mem>>)
      %dma_wait3A_70 = arith.constant 0 : i32
      %dma_wait3A_71 = tpu.memref_slice %arg9[%arg0, %mul3A_0, %dma_wait3A_70] : memref<2x8064x16xf32, #tpu.memory_space<hbm>> -> memref<1x504x16xf32, #tpu.memory_space<hbm>>
      %dma_wait3A_72 = tpu.memref_squeeze %dma_wait3A_71 : memref<1x504x16xf32, #tpu.memory_space<hbm>> -> memref<504x16xf32, #tpu.memory_space<hbm>>
      %dma_wait3A_73 = arith.constant 0 : i32
      %dma_wait3A_74 = tpu.memref_slice %arg16[%mul3A_0, %dma_wait3A_73] : memref<8064x16xf32, #tpu.memory_space<vmem_shared>> -> memref<504x16xf32, #tpu.memory_space<vmem_shared>>
      tpu.wait_dma2 semaphore(%run_scoped3A : memref<!tpu.dma_semaphore, #tpu.memory_space<semaphore_mem>>) src(%dma_wait3A_74 : memref<504x16xf32, #tpu.memory_space<vmem_shared>>) dst(%dma_wait3A_72 : memref<504x16xf32, #tpu.memory_space<hbm>>)
      tpu.yield
    }) : () -> ()
    return
  }
}

#map = affine_map<(d0, d1) -> (0, 0)>
#map1 = affine_map<(d0, d1) -> (0, 0, 0)>
module attributes {stable_mosaic.version = 14 : i64} {
  func.func @k(%arg0: i32, %arg1: i32, %arg2: memref<100000x64xf32, #tpu.memory_space<hbm>>, %arg3: memref<16x250x80xi32, #tpu.memory_space<hbm>>, %arg4: memref<16x250x80xi32, #tpu.memory_space<hbm>>, %arg5: memref<1256x64xf32, #tpu.memory_space<hbm>>, %arg6: memref<1256x16xf32, #tpu.memory_space<hbm>>, %arg7: memref<80x16xf32, #tpu.memory_space<hbm>>, %arg8: memref<20096x128xf32, #tpu.memory_space<hbm>>, %arg9: memref<2x20096x16xf32, #tpu.memory_space<hbm>>, %arg10: memref<50x80xi32, #tpu.memory_space<vmem>>, %arg11: memref<50x80xi32, #tpu.memory_space<vmem>>, %arg12: memref<80x64xf32, #tpu.memory_space<vmem>>, %arg13: memref<80x64xf32, #tpu.memory_space<vmem>>, %arg14: memref<80x16xf32, #tpu.memory_space<vmem>>, %arg15: memref<20096x64xf32, #tpu.memory_space<vmem_shared>>, %arg16: memref<20096x16xf32, #tpu.memory_space<vmem_shared>>, %arg17: memref<!tpu.dma_semaphore, #tpu.memory_space<semaphore_mem>>, %arg18: memref<!tpu.dma_semaphore, #tpu.memory_space<semaphore_mem>>, %arg19: memref<!tpu.dma_semaphore, #tpu.memory_space<semaphore_mem>>) attributes {dimension_semantics = [#tpu.dimension_semantics<core_parallel>, #tpu.dimension_semantics<subcore_parallel>], iteration_bounds = array<i64: 2, 16>, scalar_prefetch = 0 : i64, scratch_operands = 10 : i64, tpu.core_type = #tpu.core_type<sc_vector_subcore>, window_params = [{transform_indices = #map}, {transform_indices = #map1}, {transform_indices = #map1}, {transform_indices = #map}, {transform_indices = #map}, {transform_indices = #map}, {transform_indices = #map}, {transform_indices = #map1}]} {
    %mul3A = arith.constant 1256 : i32
    %mul3A_0 = arith.muli %arg1, %mul3A : i32
    %dma_start3A = arith.constant 0 : i32
    %dma_start3A_1 = tpu.memref_slice %arg15[%mul3A_0, %dma_start3A] : memref<20096x64xf32, #tpu.memory_space<vmem_shared>> -> memref<1256x64xf32, #tpu.memory_space<vmem_shared>>
    tpu.enqueue_dma source(%arg5 : memref<1256x64xf32, #tpu.memory_space<hbm>>) target(%dma_start3A_1 : memref<1256x64xf32, #tpu.memory_space<vmem_shared>>) target_semaphore(%arg17 : memref<!tpu.dma_semaphore, #tpu.memory_space<semaphore_mem>>)
    %dma_start3A_2 = arith.constant 0 : i32
    %dma_start3A_3 = tpu.memref_slice %arg16[%mul3A_0, %dma_start3A_2] : memref<20096x16xf32, #tpu.memory_space<vmem_shared>> -> memref<1256x16xf32, #tpu.memory_space<vmem_shared>>
    tpu.enqueue_dma source(%arg6 : memref<1256x16xf32, #tpu.memory_space<hbm>>) target(%dma_start3A_3 : memref<1256x16xf32, #tpu.memory_space<vmem_shared>>) target_semaphore(%arg18 : memref<!tpu.dma_semaphore, #tpu.memory_space<semaphore_mem>>)
    "tpu.region"() ({
      %run_scoped3A = tpu.sem_alloc : memref<!tpu.dma_semaphore, #tpu.memory_space<semaphore_mem>>
      tpu.enqueue_dma source(%arg7 : memref<80x16xf32, #tpu.memory_space<hbm>>) target(%arg14 : memref<80x16xf32, #tpu.memory_space<vmem>>) target_semaphore(%run_scoped3A : memref<!tpu.dma_semaphore, #tpu.memory_space<semaphore_mem>>)
      tpu.wait_dma2 semaphore(%run_scoped3A : memref<!tpu.dma_semaphore, #tpu.memory_space<semaphore_mem>>) src(%arg7 : memref<80x16xf32, #tpu.memory_space<hbm>>) dst(%arg14 : memref<80x16xf32, #tpu.memory_space<vmem>>)
      tpu.yield
    }) : () -> ()
    %dma_wait3A = arith.constant 0 : i32
    %dma_wait3A_4 = tpu.memref_slice %arg15[%mul3A_0, %dma_wait3A] : memref<20096x64xf32, #tpu.memory_space<vmem_shared>> -> memref<1256x64xf32, #tpu.memory_space<vmem_shared>>
    tpu.wait_dma2 semaphore(%arg17 : memref<!tpu.dma_semaphore, #tpu.memory_space<semaphore_mem>>) src(%arg5 : memref<1256x64xf32, #tpu.memory_space<hbm>>) dst(%dma_wait3A_4 : memref<1256x64xf32, #tpu.memory_space<vmem_shared>>)
    %dma_wait3A_5 = arith.constant 0 : i32
    %dma_wait3A_6 = tpu.memref_slice %arg16[%mul3A_0, %dma_wait3A_5] : memref<20096x16xf32, #tpu.memory_space<vmem_shared>> -> memref<1256x16xf32, #tpu.memory_space<vmem_shared>>
    tpu.wait_dma2 semaphore(%arg18 : memref<!tpu.dma_semaphore, #tpu.memory_space<semaphore_mem>>) src(%arg6 : memref<1256x16xf32, #tpu.memory_space<hbm>>) dst(%dma_wait3A_6 : memref<1256x16xf32, #tpu.memory_space<vmem_shared>>)
    %barrier3A = arith.constant 0 : index
    tpu.barrier barrier_id(%barrier3A)
    %scan3A = arith.constant 0 : i32
    %scan3A_7 = arith.constant 0 : i32
    %scan3A_8 = arith.constant 5 : i32
    %scan3A_9 = arith.addi %scan3A_7, %scan3A_8 : i32
    %scan3A_10 = arith.constant 1 : i32
    scf.for %scan3A_15 = %scan3A_7 to %scan3A_9 step %scan3A_10  : i32 {
      %mul3A_16 = arith.constant 50 : i32
      %mul3A_17 = arith.muli %scan3A_15, %mul3A_16 : i32
      %dma_start3A_18 = arith.constant 0 : i32
      %dma_start3A_19 = tpu.memref_slice %arg3[%arg1, %mul3A_17, %dma_start3A_18] : memref<16x250x80xi32, #tpu.memory_space<hbm>> -> memref<1x50x80xi32, #tpu.memory_space<hbm>>
      %dma_start3A_20 = tpu.memref_squeeze %dma_start3A_19 : memref<1x50x80xi32, #tpu.memory_space<hbm>> -> memref<50x80xi32, #tpu.memory_space<hbm>>
      %dma_start3A_21 = arith.constant 0 : i32
      %dma_start3A_22 = tpu.memref_slice %arg3[%arg1, %mul3A_17, %dma_start3A_21] : memref<16x250x80xi32, #tpu.memory_space<hbm>> -> memref<1x50x80xi32, #tpu.memory_space<hbm>>
      %dma_start3A_23 = tpu.memref_squeeze %dma_start3A_22 : memref<1x50x80xi32, #tpu.memory_space<hbm>> -> memref<50x80xi32, #tpu.memory_space<hbm>>
      tpu.enqueue_dma source(%dma_start3A_23 : memref<50x80xi32, #tpu.memory_space<hbm>>) target(%arg10 : memref<50x80xi32, #tpu.memory_space<vmem>>) target_semaphore(%arg17 : memref<!tpu.dma_semaphore, #tpu.memory_space<semaphore_mem>>)
      %mul3A_24 = arith.constant 50 : i32
      %mul3A_25 = arith.muli %scan3A_15, %mul3A_24 : i32
      %dma_start3A_26 = arith.constant 0 : i32
      %dma_start3A_27 = tpu.memref_slice %arg4[%arg1, %mul3A_25, %dma_start3A_26] : memref<16x250x80xi32, #tpu.memory_space<hbm>> -> memref<1x50x80xi32, #tpu.memory_space<hbm>>
      %dma_start3A_28 = tpu.memref_squeeze %dma_start3A_27 : memref<1x50x80xi32, #tpu.memory_space<hbm>> -> memref<50x80xi32, #tpu.memory_space<hbm>>
      %dma_start3A_29 = arith.constant 0 : i32
      %dma_start3A_30 = tpu.memref_slice %arg4[%arg1, %mul3A_25, %dma_start3A_29] : memref<16x250x80xi32, #tpu.memory_space<hbm>> -> memref<1x50x80xi32, #tpu.memory_space<hbm>>
      %dma_start3A_31 = tpu.memref_squeeze %dma_start3A_30 : memref<1x50x80xi32, #tpu.memory_space<hbm>> -> memref<50x80xi32, #tpu.memory_space<hbm>>
      tpu.enqueue_dma source(%dma_start3A_31 : memref<50x80xi32, #tpu.memory_space<hbm>>) target(%arg11 : memref<50x80xi32, #tpu.memory_space<vmem>>) target_semaphore(%arg18 : memref<!tpu.dma_semaphore, #tpu.memory_space<semaphore_mem>>)
      %dma_wait3A_32 = arith.constant 0 : i32
      %dma_wait3A_33 = tpu.memref_slice %arg4[%arg1, %mul3A_25, %dma_wait3A_32] : memref<16x250x80xi32, #tpu.memory_space<hbm>> -> memref<1x50x80xi32, #tpu.memory_space<hbm>>
      %dma_wait3A_34 = tpu.memref_squeeze %dma_wait3A_33 : memref<1x50x80xi32, #tpu.memory_space<hbm>> -> memref<50x80xi32, #tpu.memory_space<hbm>>
      %dma_wait3A_35 = arith.constant 0 : i32
      %dma_wait3A_36 = tpu.memref_slice %arg4[%arg1, %mul3A_25, %dma_wait3A_35] : memref<16x250x80xi32, #tpu.memory_space<hbm>> -> memref<1x50x80xi32, #tpu.memory_space<hbm>>
      %dma_wait3A_37 = tpu.memref_squeeze %dma_wait3A_36 : memref<1x50x80xi32, #tpu.memory_space<hbm>> -> memref<50x80xi32, #tpu.memory_space<hbm>>
      tpu.wait_dma2 semaphore(%arg18 : memref<!tpu.dma_semaphore, #tpu.memory_space<semaphore_mem>>) src(%dma_wait3A_37 : memref<50x80xi32, #tpu.memory_space<hbm>>) dst(%arg11 : memref<50x80xi32, #tpu.memory_space<vmem>>)
      %dma_wait3A_38 = arith.constant 0 : i32
      %dma_wait3A_39 = tpu.memref_slice %arg3[%arg1, %mul3A_17, %dma_wait3A_38] : memref<16x250x80xi32, #tpu.memory_space<hbm>> -> memref<1x50x80xi32, #tpu.memory_space<hbm>>
      %dma_wait3A_40 = tpu.memref_squeeze %dma_wait3A_39 : memref<1x50x80xi32, #tpu.memory_space<hbm>> -> memref<50x80xi32, #tpu.memory_space<hbm>>
      %dma_wait3A_41 = arith.constant 0 : i32
      %dma_wait3A_42 = tpu.memref_slice %arg3[%arg1, %mul3A_17, %dma_wait3A_41] : memref<16x250x80xi32, #tpu.memory_space<hbm>> -> memref<1x50x80xi32, #tpu.memory_space<hbm>>
      %dma_wait3A_43 = tpu.memref_squeeze %dma_wait3A_42 : memref<1x50x80xi32, #tpu.memory_space<hbm>> -> memref<50x80xi32, #tpu.memory_space<hbm>>
      tpu.wait_dma2 semaphore(%arg17 : memref<!tpu.dma_semaphore, #tpu.memory_space<semaphore_mem>>) src(%dma_wait3A_43 : memref<50x80xi32, #tpu.memory_space<hbm>>) dst(%arg10 : memref<50x80xi32, #tpu.memory_space<vmem>>)
      %scan3A_44 = arith.constant 0 : i32
      %scan3A_45 = arith.constant 0 : i32
      %scan3A_46 = arith.constant 50 : i32
      %scan3A_47 = arith.addi %scan3A_45, %scan3A_46 : i32
      %scan3A_48 = arith.constant 1 : i32
      scf.for %scan3A_69 = %scan3A_45 to %scan3A_47 step %scan3A_48  : i32 {
        %get3A = arith.index_cast %scan3A_69 : i32 to index
        %get3A_70 = arith.constant 0 : index
        %get3A_71 = tpu.vector_load %arg10[%get3A, %get3A_70] {strides = array<i32>} : memref<50x80xi32, #tpu.memory_space<vmem>>, vector<1x16xi32>,
        %get3A_72 = vector.shape_cast %get3A_71 : vector<1x16xi32> to vector<16xi32>
        %mul3A_73 = arith.constant 2 : i32
        %mul3A_74 = vector.broadcast %mul3A_73 : i32 to vector<16xi32>
        %mul3A_75 = arith.muli %get3A_72, %mul3A_74 : vector<16xi32>
        %add3A = vector.broadcast %arg0 : i32 to vector<16xi32>
        %add3A_76 = arith.addi %mul3A_75, %add3A : vector<16xi32>
        %swap3A = arith.index_cast %scan3A_69 : i32 to index
        %swap3A_77 = arith.constant 0 : index
        %swap3A_78 = tpu.vector_load %arg10[%swap3A, %swap3A_77] {strides = array<i32>} : memref<50x80xi32, #tpu.memory_space<vmem>>, vector<1x16xi32>,
        %swap3A_79 = vector.shape_cast %swap3A_78 : vector<1x16xi32> to vector<16xi32>
        %swap3A_80 = vector.shape_cast %add3A_76 : vector<16xi32> to vector<1x16xi32>
        tpu.vector_store %arg10[%swap3A, %swap3A_77], %swap3A_80 {strides = array<i32>} : memref<50x80xi32, #tpu.memory_space<vmem>>, vector<1x16xi32>,
        %get3A_81 = arith.index_cast %scan3A_69 : i32 to index
        %get3A_82 = arith.constant 16 : index
        %get3A_83 = tpu.vector_load %arg10[%get3A_81, %get3A_82] {strides = array<i32>} : memref<50x80xi32, #tpu.memory_space<vmem>>, vector<1x16xi32>,
        %get3A_84 = vector.shape_cast %get3A_83 : vector<1x16xi32> to vector<16xi32>
        %mul3A_85 = arith.constant 2 : i32
        %mul3A_86 = vector.broadcast %mul3A_85 : i32 to vector<16xi32>
        %mul3A_87 = arith.muli %get3A_84, %mul3A_86 : vector<16xi32>
        %add3A_88 = vector.broadcast %arg0 : i32 to vector<16xi32>
        %add3A_89 = arith.addi %mul3A_87, %add3A_88 : vector<16xi32>
        %swap3A_90 = arith.index_cast %scan3A_69 : i32 to index
        %swap3A_91 = arith.constant 16 : index
        %swap3A_92 = tpu.vector_load %arg10[%swap3A_90, %swap3A_91] {strides = array<i32>} : memref<50x80xi32, #tpu.memory_space<vmem>>, vector<1x16xi32>,
        %swap3A_93 = vector.shape_cast %swap3A_92 : vector<1x16xi32> to vector<16xi32>
        %swap3A_94 = vector.shape_cast %add3A_89 : vector<16xi32> to vector<1x16xi32>
        tpu.vector_store %arg10[%swap3A_90, %swap3A_91], %swap3A_94 {strides = array<i32>} : memref<50x80xi32, #tpu.memory_space<vmem>>, vector<1x16xi32>,
        %get3A_95 = arith.index_cast %scan3A_69 : i32 to index
        %get3A_96 = arith.constant 32 : index
        %get3A_97 = tpu.vector_load %arg10[%get3A_95, %get3A_96] {strides = array<i32>} : memref<50x80xi32, #tpu.memory_space<vmem>>, vector<1x16xi32>,
        %get3A_98 = vector.shape_cast %get3A_97 : vector<1x16xi32> to vector<16xi32>
        %mul3A_99 = arith.constant 2 : i32
        %mul3A_100 = vector.broadcast %mul3A_99 : i32 to vector<16xi32>
        %mul3A_101 = arith.muli %get3A_98, %mul3A_100 : vector<16xi32>
        %add3A_102 = vector.broadcast %arg0 : i32 to vector<16xi32>
        %add3A_103 = arith.addi %mul3A_101, %add3A_102 : vector<16xi32>
        %swap3A_104 = arith.index_cast %scan3A_69 : i32 to index
        %swap3A_105 = arith.constant 32 : index
        %swap3A_106 = tpu.vector_load %arg10[%swap3A_104, %swap3A_105] {strides = array<i32>} : memref<50x80xi32, #tpu.memory_space<vmem>>, vector<1x16xi32>,
        %swap3A_107 = vector.shape_cast %swap3A_106 : vector<1x16xi32> to vector<16xi32>
        %swap3A_108 = vector.shape_cast %add3A_103 : vector<16xi32> to vector<1x16xi32>
        tpu.vector_store %arg10[%swap3A_104, %swap3A_105], %swap3A_108 {strides = array<i32>} : memref<50x80xi32, #tpu.memory_space<vmem>>, vector<1x16xi32>,
        %get3A_109 = arith.index_cast %scan3A_69 : i32 to index
        %get3A_110 = arith.constant 48 : index
        %get3A_111 = tpu.vector_load %arg10[%get3A_109, %get3A_110] {strides = array<i32>} : memref<50x80xi32, #tpu.memory_space<vmem>>, vector<1x16xi32>,
        %get3A_112 = vector.shape_cast %get3A_111 : vector<1x16xi32> to vector<16xi32>
        %mul3A_113 = arith.constant 2 : i32
        %mul3A_114 = vector.broadcast %mul3A_113 : i32 to vector<16xi32>
        %mul3A_115 = arith.muli %get3A_112, %mul3A_114 : vector<16xi32>
        %add3A_116 = vector.broadcast %arg0 : i32 to vector<16xi32>
        %add3A_117 = arith.addi %mul3A_115, %add3A_116 : vector<16xi32>
        %swap3A_118 = arith.index_cast %scan3A_69 : i32 to index
        %swap3A_119 = arith.constant 48 : index
        %swap3A_120 = tpu.vector_load %arg10[%swap3A_118, %swap3A_119] {strides = array<i32>} : memref<50x80xi32, #tpu.memory_space<vmem>>, vector<1x16xi32>,
        %swap3A_121 = vector.shape_cast %swap3A_120 : vector<1x16xi32> to vector<16xi32>
        %swap3A_122 = vector.shape_cast %add3A_117 : vector<16xi32> to vector<1x16xi32>
        tpu.vector_store %arg10[%swap3A_118, %swap3A_119], %swap3A_122 {strides = array<i32>} : memref<50x80xi32, #tpu.memory_space<vmem>>, vector<1x16xi32>,
        %get3A_123 = arith.index_cast %scan3A_69 : i32 to index
        %get3A_124 = arith.constant 64 : index
        %get3A_125 = tpu.vector_load %arg10[%get3A_123, %get3A_124] {strides = array<i32>} : memref<50x80xi32, #tpu.memory_space<vmem>>, vector<1x16xi32>,
        %get3A_126 = vector.shape_cast %get3A_125 : vector<1x16xi32> to vector<16xi32>
        %mul3A_127 = arith.constant 2 : i32
        %mul3A_128 = vector.broadcast %mul3A_127 : i32 to vector<16xi32>
        %mul3A_129 = arith.muli %get3A_126, %mul3A_128 : vector<16xi32>
        %add3A_130 = vector.broadcast %arg0 : i32 to vector<16xi32>
        %add3A_131 = arith.addi %mul3A_129, %add3A_130 : vector<16xi32>
        %swap3A_132 = arith.index_cast %scan3A_69 : i32 to index
        %swap3A_133 = arith.constant 64 : index
        %swap3A_134 = tpu.vector_load %arg10[%swap3A_132, %swap3A_133] {strides = array<i32>} : memref<50x80xi32, #tpu.memory_space<vmem>>, vector<1x16xi32>,
        %swap3A_135 = vector.shape_cast %swap3A_134 : vector<1x16xi32> to vector<16xi32>
        %swap3A_136 = vector.shape_cast %add3A_131 : vector<16xi32> to vector<1x16xi32>
        tpu.vector_store %arg10[%swap3A_132, %swap3A_133], %swap3A_136 {strides = array<i32>} : memref<50x80xi32, #tpu.memory_space<vmem>>, vector<1x16xi32>,
      }
      %scan3A_49 = arith.constant 50 : i32
      %dma_start3A_50 = arith.constant 0 : i32
      %dma_start3A_51 = arith.constant 0 : i32
      %dma_start3A_52 = tpu.memref_slice %arg10[%dma_start3A_50, %dma_start3A_51] : memref<50x80xi32, #tpu.memory_space<vmem>> -> memref<1x80xi32, #tpu.memory_space<vmem>>
      %dma_start3A_53 = tpu.memref_squeeze %dma_start3A_52 : memref<1x80xi32, #tpu.memory_space<vmem>> -> memref<80xi32, #tpu.memory_space<vmem>>
      %dma_start3A_54 = arith.constant 0 : i32
      %dma_start3A_55 = arith.constant 0 : i32
      %dma_start3A_56 = tpu.memref_slice %arg2[%dma_start3A_54, %dma_start3A_55] : memref<100000x64xf32, #tpu.memory_space<hbm>> -> memref<100000x64xf32, #tpu.memory_space<hbm>>
      tpu.enqueue_indirect_dma source(%dma_start3A_56 : memref<100000x64xf32, #tpu.memory_space<hbm>>) target(%arg12 : memref<80x64xf32, #tpu.memory_space<vmem>>) offsets(%dma_start3A_53 : memref<80xi32, #tpu.memory_space<vmem>>) semaphore(%arg17 : memref<!tpu.dma_semaphore, #tpu.memory_space<semaphore_mem>>)
      %scan3A_57 = arith.constant 0 : i32
      %scan3A_58 = arith.constant 0 : i32
      %scan3A_59 = arith.constant 25 : i32
      %scan3A_60 = arith.addi %scan3A_58, %scan3A_59 : i32
      %scan3A_61 = arith.constant 1 : i32
      scf.for %scan3A_69 = %scan3A_58 to %scan3A_60 step %scan3A_61  : i32 {
        %mul3A_70 = arith.constant 2 : i32
        %mul3A_71 = arith.muli %mul3A_70, %scan3A_69 : i32
        %add3A = arith.constant 1 : i32
        %add3A_72 = arith.addi %mul3A_71, %add3A : i32
        %dma_start3A_73 = arith.constant 0 : i32
        %dma_start3A_74 = tpu.memref_slice %arg10[%add3A_72, %dma_start3A_73] : memref<50x80xi32, #tpu.memory_space<vmem>> -> memref<1x80xi32, #tpu.memory_space<vmem>>
        %dma_start3A_75 = tpu.memref_squeeze %dma_start3A_74 : memref<1x80xi32, #tpu.memory_space<vmem>> -> memref<80xi32, #tpu.memory_space<vmem>>
        %dma_start3A_76 = arith.constant 0 : i32
        %dma_start3A_77 = arith.constant 0 : i32
        %dma_start3A_78 = tpu.memref_slice %arg2[%dma_start3A_76, %dma_start3A_77] : memref<100000x64xf32, #tpu.memory_space<hbm>> -> memref<100000x64xf32, #tpu.memory_space<hbm>>
        tpu.enqueue_indirect_dma source(%dma_start3A_78 : memref<100000x64xf32, #tpu.memory_space<hbm>>) target(%arg13 : memref<80x64xf32, #tpu.memory_space<vmem>>) offsets(%dma_start3A_75 : memref<80xi32, #tpu.memory_space<vmem>>) semaphore(%arg18 : memref<!tpu.dma_semaphore, #tpu.memory_space<semaphore_mem>>)
        %lt3A = arith.constant 25 : i32
        %lt3A_79 = arith.cmpi slt, %mul3A_71, %lt3A : i32
        %eq3A = arith.constant 0 : i32
        %eq3A_80 = arith.cmpi eq, %arg0, %eq3A : i32
        %eq3A_81 = arith.xori %lt3A_79, %eq3A_80 : i1
        %eq3A_82 = arith.constant true
        %eq3A_83 = arith.xori %eq3A_81, %eq3A_82 : i1
        %convert_element_type3A = arith.extui %eq3A_83 : i1 to i32
        %cond3A = arith.constant 0 : i32
        %cond3A_84 = arith.cmpi ne, %convert_element_type3A, %cond3A : i32
        scf.if %cond3A_84 {
          %dma_start3A_120 = arith.constant 0 : i32
          %dma_start3A_121 = tpu.memref_slice %arg11[%mul3A_71, %dma_start3A_120] : memref<50x80xi32, #tpu.memory_space<vmem>> -> memref<1x80xi32, #tpu.memory_space<vmem>>
          %dma_start3A_122 = tpu.memref_squeeze %dma_start3A_121 : memref<1x80xi32, #tpu.memory_space<vmem>> -> memref<80xi32, #tpu.memory_space<vmem>>
          %dma_start3A_123 = arith.constant 0 : i32
          %dma_start3A_124 = arith.constant 0 : i32
          %dma_start3A_125 = tpu.memref_slice %arg16[%dma_start3A_123, %dma_start3A_124] : memref<20096x16xf32, #tpu.memory_space<vmem_shared>> -> memref<20096x16xf32, #tpu.memory_space<vmem_shared>>
          tpu.enqueue_indirect_dma source(%arg14 : memref<80x16xf32, #tpu.memory_space<vmem>>) target(%dma_start3A_125 : memref<20096x16xf32, #tpu.memory_space<vmem_shared>>) offsets(%dma_start3A_122 : memref<80xi32, #tpu.memory_space<vmem>>) semaphore(%arg19 : memref<!tpu.dma_semaphore, #tpu.memory_space<semaphore_mem>>) {add = true}
        } else {
        }
        %dma_wait3A_85 = arith.constant 0 : i32
        %dma_wait3A_86 = tpu.memref_slice %arg10[%mul3A_71, %dma_wait3A_85] : memref<50x80xi32, #tpu.memory_space<vmem>> -> memref<1x80xi32, #tpu.memory_space<vmem>>
        %dma_wait3A_87 = tpu.memref_squeeze %dma_wait3A_86 : memref<1x80xi32, #tpu.memory_space<vmem>> -> memref<80xi32, #tpu.memory_space<vmem>>
        %dma_wait3A_88 = arith.constant 0 : i32
        %dma_wait3A_89 = arith.constant 0 : i32
        %dma_wait3A_90 = tpu.memref_slice %arg2[%dma_wait3A_88, %dma_wait3A_89] : memref<100000x64xf32, #tpu.memory_space<hbm>> -> memref<100000x64xf32, #tpu.memory_space<hbm>>
        tpu.wait_indirect_dma semaphore(%arg17 : memref<!tpu.dma_semaphore, #tpu.memory_space<semaphore_mem>>) src(%dma_wait3A_90 : memref<100000x64xf32, #tpu.memory_space<hbm>>) dst(%arg12 : memref<80x64xf32, #tpu.memory_space<vmem>>)
        "tpu.region"() ({
          %run_scoped3A = tpu.sem_alloc : memref<!tpu.dma_semaphore, #tpu.memory_space<semaphore_mem>>
          %dma_start3A_120 = arith.constant 0 : i32
          %dma_start3A_121 = tpu.memref_slice %arg11[%mul3A_71, %dma_start3A_120] : memref<50x80xi32, #tpu.memory_space<vmem>> -> memref<1x80xi32, #tpu.memory_space<vmem>>
          %dma_start3A_122 = tpu.memref_squeeze %dma_start3A_121 : memref<1x80xi32, #tpu.memory_space<vmem>> -> memref<80xi32, #tpu.memory_space<vmem>>
          %dma_start3A_123 = arith.constant 0 : i32
          %dma_start3A_124 = arith.constant 0 : i32
          %dma_start3A_125 = tpu.memref_slice %arg15[%dma_start3A_123, %dma_start3A_124] : memref<20096x64xf32, #tpu.memory_space<vmem_shared>> -> memref<20096x64xf32, #tpu.memory_space<vmem_shared>>
          tpu.enqueue_indirect_dma source(%arg12 : memref<80x64xf32, #tpu.memory_space<vmem>>) target(%dma_start3A_125 : memref<20096x64xf32, #tpu.memory_space<vmem_shared>>) offsets(%dma_start3A_122 : memref<80xi32, #tpu.memory_space<vmem>>) semaphore(%run_scoped3A : memref<!tpu.dma_semaphore, #tpu.memory_space<semaphore_mem>>) {add = true}
          %dma_wait3A_126 = arith.constant 0 : i32
          %dma_wait3A_127 = tpu.memref_slice %arg11[%mul3A_71, %dma_wait3A_126] : memref<50x80xi32, #tpu.memory_space<vmem>> -> memref<1x80xi32, #tpu.memory_space<vmem>>
          %dma_wait3A_128 = tpu.memref_squeeze %dma_wait3A_127 : memref<1x80xi32, #tpu.memory_space<vmem>> -> memref<80xi32, #tpu.memory_space<vmem>>
          %dma_wait3A_129 = arith.constant 0 : i32
          %dma_wait3A_130 = arith.constant 0 : i32
          %dma_wait3A_131 = tpu.memref_slice %arg15[%dma_wait3A_129, %dma_wait3A_130] : memref<20096x64xf32, #tpu.memory_space<vmem_shared>> -> memref<20096x64xf32, #tpu.memory_space<vmem_shared>>
          tpu.wait_indirect_dma semaphore(%run_scoped3A : memref<!tpu.dma_semaphore, #tpu.memory_space<semaphore_mem>>) src(%arg12 : memref<80x64xf32, #tpu.memory_space<vmem>>) dst(%dma_wait3A_131 : memref<20096x64xf32, #tpu.memory_space<vmem_shared>>)
          tpu.yield
        }) : () -> ()
        %add3A_91 = arith.constant 2 : i32
        %add3A_92 = arith.addi %mul3A_71, %add3A_91 : i32
        %lt3A_93 = arith.constant 50 : i32
        %lt3A_94 = arith.cmpi slt, %add3A_92, %lt3A_93 : i32
        %convert_element_type3A_95 = arith.extui %lt3A_94 : i1 to i32
        %cond3A_96 = arith.constant 0 : i32
        %cond3A_97 = arith.cmpi ne, %convert_element_type3A_95, %cond3A_96 : i32
        scf.if %cond3A_97 {
          %add3A_120 = arith.constant 2 : i32
          %add3A_121 = arith.addi %mul3A_71, %add3A_120 : i32
          %dma_start3A_122 = arith.constant 0 : i32
          %dma_start3A_123 = tpu.memref_slice %arg10[%add3A_121, %dma_start3A_122] : memref<50x80xi32, #tpu.memory_space<vmem>> -> memref<1x80xi32, #tpu.memory_space<vmem>>
          %dma_start3A_124 = tpu.memref_squeeze %dma_start3A_123 : memref<1x80xi32, #tpu.memory_space<vmem>> -> memref<80xi32, #tpu.memory_space<vmem>>
          %dma_start3A_125 = arith.constant 0 : i32
          %dma_start3A_126 = arith.constant 0 : i32
          %dma_start3A_127 = tpu.memref_slice %arg2[%dma_start3A_125, %dma_start3A_126] : memref<100000x64xf32, #tpu.memory_space<hbm>> -> memref<100000x64xf32, #tpu.memory_space<hbm>>
          tpu.enqueue_indirect_dma source(%dma_start3A_127 : memref<100000x64xf32, #tpu.memory_space<hbm>>) target(%arg12 : memref<80x64xf32, #tpu.memory_space<vmem>>) offsets(%dma_start3A_124 : memref<80xi32, #tpu.memory_space<vmem>>) semaphore(%arg17 : memref<!tpu.dma_semaphore, #tpu.memory_space<semaphore_mem>>)
        } else {
        }
        %add3A_98 = arith.constant 1 : i32
        %add3A_99 = arith.addi %mul3A_71, %add3A_98 : i32
        %lt3A_100 = arith.constant 25 : i32
        %lt3A_101 = arith.cmpi slt, %add3A_99, %lt3A_100 : i32
        %eq3A_102 = arith.constant 0 : i32
        %eq3A_103 = arith.cmpi eq, %arg0, %eq3A_102 : i32
        %eq3A_104 = arith.xori %lt3A_101, %eq3A_103 : i1
        %eq3A_105 = arith.constant true
        %eq3A_106 = arith.xori %eq3A_104, %eq3A_105 : i1
        %convert_element_type3A_107 = arith.extui %eq3A_106 : i1 to i32
        %cond3A_108 = arith.constant 0 : i32
        %cond3A_109 = arith.cmpi ne, %convert_element_type3A_107, %cond3A_108 : i32
        scf.if %cond3A_109 {
          %add3A_120 = arith.constant 1 : i32
          %add3A_121 = arith.addi %mul3A_71, %add3A_120 : i32
          %dma_start3A_122 = arith.constant 0 : i32
          %dma_start3A_123 = tpu.memref_slice %arg11[%add3A_121, %dma_start3A_122] : memref<50x80xi32, #tpu.memory_space<vmem>> -> memref<1x80xi32, #tpu.memory_space<vmem>>
          %dma_start3A_124 = tpu.memref_squeeze %dma_start3A_123 : memref<1x80xi32, #tpu.memory_space<vmem>> -> memref<80xi32, #tpu.memory_space<vmem>>
          %dma_start3A_125 = arith.constant 0 : i32
          %dma_start3A_126 = arith.constant 0 : i32
          %dma_start3A_127 = tpu.memref_slice %arg16[%dma_start3A_125, %dma_start3A_126] : memref<20096x16xf32, #tpu.memory_space<vmem_shared>> -> memref<20096x16xf32, #tpu.memory_space<vmem_shared>>
          tpu.enqueue_indirect_dma source(%arg14 : memref<80x16xf32, #tpu.memory_space<vmem>>) target(%dma_start3A_127 : memref<20096x16xf32, #tpu.memory_space<vmem_shared>>) offsets(%dma_start3A_124 : memref<80xi32, #tpu.memory_space<vmem>>) semaphore(%arg19 : memref<!tpu.dma_semaphore, #tpu.memory_space<semaphore_mem>>) {add = true}
        } else {
        }
        %add3A_110 = arith.constant 1 : i32
        %add3A_111 = arith.addi %mul3A_71, %add3A_110 : i32
        %dma_wait3A_112 = arith.constant 0 : i32
        %dma_wait3A_113 = tpu.memref_slice %arg10[%add3A_111, %dma_wait3A_112] : memref<50x80xi32, #tpu.memory_space<vmem>> -> memref<1x80xi32, #tpu.memory_space<vmem>>
        %dma_wait3A_114 = tpu.memref_squeeze %dma_wait3A_113 : memref<1x80xi32, #tpu.memory_space<vmem>> -> memref<80xi32, #tpu.memory_space<vmem>>
        %dma_wait3A_115 = arith.constant 0 : i32
        %dma_wait3A_116 = arith.constant 0 : i32
        %dma_wait3A_117 = tpu.memref_slice %arg2[%dma_wait3A_115, %dma_wait3A_116] : memref<100000x64xf32, #tpu.memory_space<hbm>> -> memref<100000x64xf32, #tpu.memory_space<hbm>>
        tpu.wait_indirect_dma semaphore(%arg18 : memref<!tpu.dma_semaphore, #tpu.memory_space<semaphore_mem>>) src(%dma_wait3A_117 : memref<100000x64xf32, #tpu.memory_space<hbm>>) dst(%arg13 : memref<80x64xf32, #tpu.memory_space<vmem>>)
        %add3A_118 = arith.constant 1 : i32
        %add3A_119 = arith.addi %mul3A_71, %add3A_118 : i32
        "tpu.region"() ({
          %run_scoped3A = tpu.sem_alloc : memref<!tpu.dma_semaphore, #tpu.memory_space<semaphore_mem>>
          %dma_start3A_120 = arith.constant 0 : i32
          %dma_start3A_121 = tpu.memref_slice %arg11[%add3A_119, %dma_start3A_120] : memref<50x80xi32, #tpu.memory_space<vmem>> -> memref<1x80xi32, #tpu.memory_space<vmem>>
          %dma_start3A_122 = tpu.memref_squeeze %dma_start3A_121 : memref<1x80xi32, #tpu.memory_space<vmem>> -> memref<80xi32, #tpu.memory_space<vmem>>
          %dma_start3A_123 = arith.constant 0 : i32
          %dma_start3A_124 = arith.constant 0 : i32
          %dma_start3A_125 = tpu.memref_slice %arg15[%dma_start3A_123, %dma_start3A_124] : memref<20096x64xf32, #tpu.memory_space<vmem_shared>> -> memref<20096x64xf32, #tpu.memory_space<vmem_shared>>
          tpu.enqueue_indirect_dma source(%arg13 : memref<80x64xf32, #tpu.memory_space<vmem>>) target(%dma_start3A_125 : memref<20096x64xf32, #tpu.memory_space<vmem_shared>>) offsets(%dma_start3A_122 : memref<80xi32, #tpu.memory_space<vmem>>) semaphore(%run_scoped3A : memref<!tpu.dma_semaphore, #tpu.memory_space<semaphore_mem>>) {add = true}
          %dma_wait3A_126 = arith.constant 0 : i32
          %dma_wait3A_127 = tpu.memref_slice %arg11[%add3A_119, %dma_wait3A_126] : memref<50x80xi32, #tpu.memory_space<vmem>> -> memref<1x80xi32, #tpu.memory_space<vmem>>
          %dma_wait3A_128 = tpu.memref_squeeze %dma_wait3A_127 : memref<1x80xi32, #tpu.memory_space<vmem>> -> memref<80xi32, #tpu.memory_space<vmem>>
          %dma_wait3A_129 = arith.constant 0 : i32
          %dma_wait3A_130 = arith.constant 0 : i32
          %dma_wait3A_131 = tpu.memref_slice %arg15[%dma_wait3A_129, %dma_wait3A_130] : memref<20096x64xf32, #tpu.memory_space<vmem_shared>> -> memref<20096x64xf32, #tpu.memory_space<vmem_shared>>
          tpu.wait_indirect_dma semaphore(%run_scoped3A : memref<!tpu.dma_semaphore, #tpu.memory_space<semaphore_mem>>) src(%arg13 : memref<80x64xf32, #tpu.memory_space<vmem>>) dst(%dma_wait3A_131 : memref<20096x64xf32, #tpu.memory_space<vmem_shared>>)
          tpu.yield
        }) : () -> ()
      }
      %scan3A_62 = arith.constant 25 : i32
      %scan3A_63 = arith.constant 0 : i32
      %scan3A_64 = arith.constant 0 : i32
      %scan3A_65 = arith.constant 25 : i32
      %scan3A_66 = arith.addi %scan3A_64, %scan3A_65 : i32
      %scan3A_67 = arith.constant 1 : i32
      scf.for %scan3A_69 = %scan3A_64 to %scan3A_66 step %scan3A_67  : i32 {
        tpu.wait_dma2 semaphore(%arg19 : memref<!tpu.dma_semaphore, #tpu.memory_space<semaphore_mem>>) src(%arg7 : memref<80x16xf32, #tpu.memory_space<hbm>>) dst(%arg14 : memref<80x16xf32, #tpu.memory_space<vmem>>)
      }
      %scan3A_68 = arith.constant 25 : i32
    }
    %scan3A_11 = arith.constant 5 : i32
    %barrier3A_12 = arith.constant 0 : index
    tpu.barrier barrier_id(%barrier3A_12)
    %mul3A_13 = arith.constant 64 : i32
    %mul3A_14 = arith.muli %arg0, %mul3A_13 : i32
    "tpu.region"() ({
      %run_scoped3A = tpu.sem_alloc : memref<!tpu.dma_semaphore, #tpu.memory_space<semaphore_mem>>
      %dma_start3A_15 = tpu.memref_slice %arg8[%mul3A_0, %mul3A_14] : memref<20096x128xf32, #tpu.memory_space<hbm>> -> memref<1256x64xf32, #tpu.memory_space<hbm>>
      %dma_start3A_16 = arith.constant 0 : i32
      %dma_start3A_17 = tpu.memref_slice %arg15[%mul3A_0, %dma_start3A_16] : memref<20096x64xf32, #tpu.memory_space<vmem_shared>> -> memref<1256x64xf32, #tpu.memory_space<vmem_shared>>
      tpu.enqueue_dma source(%dma_start3A_17 : memref<1256x64xf32, #tpu.memory_space<vmem_shared>>) target(%dma_start3A_15 : memref<1256x64xf32, #tpu.memory_space<hbm>>) target_semaphore(%run_scoped3A : memref<!tpu.dma_semaphore, #tpu.memory_space<semaphore_mem>>)
      %dma_wait3A_18 = tpu.memref_slice %arg8[%mul3A_0, %mul3A_14] : memref<20096x128xf32, #tpu.memory_space<hbm>> -> memref<1256x64xf32, #tpu.memory_space<hbm>>
      %dma_wait3A_19 = arith.constant 0 : i32
      %dma_wait3A_20 = tpu.memref_slice %arg15[%mul3A_0, %dma_wait3A_19] : memref<20096x64xf32, #tpu.memory_space<vmem_shared>> -> memref<1256x64xf32, #tpu.memory_space<vmem_shared>>
      tpu.wait_dma2 semaphore(%run_scoped3A : memref<!tpu.dma_semaphore, #tpu.memory_space<semaphore_mem>>) src(%dma_wait3A_20 : memref<1256x64xf32, #tpu.memory_space<vmem_shared>>) dst(%dma_wait3A_18 : memref<1256x64xf32, #tpu.memory_space<hbm>>)
      tpu.yield
    }) : () -> ()
    "tpu.region"() ({
      %run_scoped3A = tpu.sem_alloc : memref<!tpu.dma_semaphore, #tpu.memory_space<semaphore_mem>>
      %dma_start3A_15 = arith.constant 0 : i32
      %dma_start3A_16 = tpu.memref_slice %arg9[%arg0, %mul3A_0, %dma_start3A_15] : memref<2x20096x16xf32, #tpu.memory_space<hbm>> -> memref<1x1256x16xf32, #tpu.memory_space<hbm>>
      %dma_start3A_17 = tpu.memref_squeeze %dma_start3A_16 : memref<1x1256x16xf32, #tpu.memory_space<hbm>> -> memref<1256x16xf32, #tpu.memory_space<hbm>>
      %dma_start3A_18 = arith.constant 0 : i32
      %dma_start3A_19 = tpu.memref_slice %arg16[%mul3A_0, %dma_start3A_18] : memref<20096x16xf32, #tpu.memory_space<vmem_shared>> -> memref<1256x16xf32, #tpu.memory_space<vmem_shared>>
      tpu.enqueue_dma source(%dma_start3A_19 : memref<1256x16xf32, #tpu.memory_space<vmem_shared>>) target(%dma_start3A_17 : memref<1256x16xf32, #tpu.memory_space<hbm>>) target_semaphore(%run_scoped3A : memref<!tpu.dma_semaphore, #tpu.memory_space<semaphore_mem>>)
      %dma_wait3A_20 = arith.constant 0 : i32
      %dma_wait3A_21 = tpu.memref_slice %arg9[%arg0, %mul3A_0, %dma_wait3A_20] : memref<2x20096x16xf32, #tpu.memory_space<hbm>> -> memref<1x1256x16xf32, #tpu.memory_space<hbm>>
      %dma_wait3A_22 = tpu.memref_squeeze %dma_wait3A_21 : memref<1x1256x16xf32, #tpu.memory_space<hbm>> -> memref<1256x16xf32, #tpu.memory_space<hbm>>
      %dma_wait3A_23 = arith.constant 0 : i32
      %dma_wait3A_24 = tpu.memref_slice %arg16[%mul3A_0, %dma_wait3A_23] : memref<20096x16xf32, #tpu.memory_space<vmem_shared>> -> memref<1256x16xf32, #tpu.memory_space<vmem_shared>>
      tpu.wait_dma2 semaphore(%run_scoped3A : memref<!tpu.dma_semaphore, #tpu.memory_space<semaphore_mem>>) src(%dma_wait3A_24 : memref<1256x16xf32, #tpu.memory_space<vmem_shared>>) dst(%dma_wait3A_22 : memref<1256x16xf32, #tpu.memory_space<hbm>>)
      tpu.yield
    }) : () -> ()
    return
  }
}

module attributes {stable_mosaic.version = 14 : i64} {
  func.func @body(%arg0: i32, %arg1: memref<800x128xf32, #tpu.memory_space<vmem>>, %arg2: memref<800x128xf32, #tpu.memory_space<vmem>>, %arg3: memref<2x800x16xf32, #tpu.memory_space<vmem>>, %arg4: memref<128x256xf32, #tpu.memory_space<vmem>>, %arg5: memref<128x256xf32, #tpu.memory_space<vmem>>, %arg6: memref<1x256xf32, #tpu.memory_space<vmem>>, %arg7: memref<2x800x128xf32, #tpu.memory_space<vmem>>) attributes {dimension_semantics = [#tpu.dimension_semantics<arbitrary>], iteration_bounds = array<i64: 25>, scalar_prefetch = 0 : i64, scratch_operands = 0 : i64, tpu.core_type = #tpu.core_type<tc>, window_params = [{transform_indices = @transform_0, window_bounds = array<i64: 800, 128>}, {transform_indices = @transform_1, window_bounds = array<i64: 800, 128>}, {transform_indices = @transform_2, window_bounds = array<i64: 2, 800, 16>}, {pipeline_mode = #tpu.pipeline_mode<synchronous>, transform_indices = @transform_3, window_bounds = array<i64: 128, 256>}, {pipeline_mode = #tpu.pipeline_mode<synchronous>, transform_indices = @transform_4, window_bounds = array<i64: 128, 256>}, {pipeline_mode = #tpu.pipeline_mode<synchronous>, transform_indices = @transform_5, window_bounds = array<i64: 1, 256>}, {transform_indices = @transform_6, window_bounds = array<i64: 2, 800, 128>}]} {
    %get3A = arith.constant 0 : index
    %get3A_0 = arith.constant 0 : index
    %get3A_1 = arith.constant 0 : index
    %get3A_2 = vector.load %arg3[%get3A, %get3A_0, %get3A_1] : memref<2x800x16xf32, #tpu.memory_space<vmem>>, vector<1x800x1xf32>
    %get3A_3 = vector.shape_cast %get3A_2 : vector<1x800x1xf32> to vector<800x1xf32>
    %get3A_4 = arith.constant 1 : index
    %get3A_5 = arith.constant 0 : index
    %get3A_6 = arith.constant 0 : index
    %get3A_7 = vector.load %arg3[%get3A_4, %get3A_5, %get3A_6] : memref<2x800x16xf32, #tpu.memory_space<vmem>>, vector<1x800x1xf32>
    %get3A_8 = vector.shape_cast %get3A_7 : vector<1x800x1xf32> to vector<800x1xf32>
    %add3A = arith.addf %get3A_3, %get3A_8 : vector<800x1xf32>
    %max3A = arith.constant 1.000000e+00 : f32
    %max3A_9 = vector.broadcast %max3A : f32 to vector<800x1xf32>
    %max3A_10 = arith.maximumf %add3A, %max3A_9 : vector<800x1xf32>
    %get3A_11 = arith.constant 0 : index
    %get3A_12 = arith.constant 0 : index
    %get3A_13 = vector.load %arg2[%get3A_11, %get3A_12] : memref<800x128xf32, #tpu.memory_space<vmem>>, vector<800x128xf32>
    %get3A_14 = arith.constant 0 : index
    %get3A_15 = arith.constant 0 : index
    %get3A_16 = vector.load %arg5[%get3A_14, %get3A_15] : memref<128x256xf32, #tpu.memory_space<vmem>>, vector<128x256xf32>
    %dot_general3A = arith.constant dense<0.000000e+00> : vector<800x256xf32>
    %dot_general3A_17 = tpu.matmul %get3A_13, %get3A_16, %dot_general3A {dimension_numbers = #tpu.dot_dimension_numbers<[1], [0], [0], [1], [0, 0, 1, 1], [], []>, transpose_lhs_hint = false} : vector<800x128xf32>, vector<128x256xf32>, vector<800x256xf32> -> vector<800x256xf32>
    %get3A_18 = arith.constant 0 : index
    %get3A_19 = arith.constant 0 : index
    %get3A_20 = vector.load %arg1[%get3A_18, %get3A_19] : memref<800x128xf32, #tpu.memory_space<vmem>>, vector<800x128xf32>
    %get3A_21 = arith.constant 0 : index
    %get3A_22 = arith.constant 0 : index
    %get3A_23 = vector.load %arg4[%get3A_21, %get3A_22] : memref<128x256xf32, #tpu.memory_space<vmem>>, vector<128x256xf32>
    %dot_general3A_24 = arith.constant dense<0.000000e+00> : vector<800x256xf32>
    %dot_general3A_25 = tpu.matmul %get3A_20, %get3A_23, %dot_general3A_24 {dimension_numbers = #tpu.dot_dimension_numbers<[1], [0], [0], [1], [0, 0, 1, 1], [], []>, transpose_lhs_hint = false} : vector<800x128xf32>, vector<128x256xf32>, vector<800x256xf32> -> vector<800x256xf32>
    %div3A = vector.broadcast %max3A_10 : vector<800x1xf32> to vector<800x256xf32>
    %div3A_26 = arith.divf %dot_general3A_17, %div3A : vector<800x256xf32>
    %add3A_27 = arith.addf %dot_general3A_25, %div3A_26 : vector<800x256xf32>
    %get3A_28 = arith.constant 0 : index
    %get3A_29 = arith.constant 0 : index
    %get3A_30 = vector.load %arg6[%get3A_28, %get3A_29] : memref<1x256xf32, #tpu.memory_space<vmem>>, vector<1x256xf32>
    %add3A_31 = vector.broadcast %get3A_30 : vector<1x256xf32> to vector<800x256xf32>
    %add3A_32 = arith.addf %add3A_27, %add3A_31 : vector<800x256xf32>
    %max3A_33 = arith.constant 0.000000e+00 : f32
    %max3A_34 = vector.broadcast %max3A_33 : f32 to vector<800x256xf32>
    %max3A_35 = arith.maximumf %add3A_32, %max3A_34 : vector<800x256xf32>
    %slice3A = vector.extract_strided_slice %max3A_35 {offsets = [0, 0], sizes = [800, 128], strides = [1, 1]} : vector<800x256xf32> to vector<800x128xf32>
    %swap3A = arith.constant 0 : index
    %swap3A_36 = arith.constant 0 : index
    %swap3A_37 = arith.constant 0 : index
    %swap3A_38 = vector.load %arg7[%swap3A, %swap3A_36, %swap3A_37] : memref<2x800x128xf32, #tpu.memory_space<vmem>>, vector<1x800x128xf32>
    %swap3A_39 = vector.shape_cast %swap3A_38 : vector<1x800x128xf32> to vector<800x128xf32>
    %swap3A_40 = vector.shape_cast %slice3A : vector<800x128xf32> to vector<1x800x128xf32>
    tpu.vector_store %arg7[%swap3A, %swap3A_36, %swap3A_37], %swap3A_40 {strides = array<i32>} : memref<2x800x128xf32, #tpu.memory_space<vmem>>, vector<1x800x128xf32>,
    %slice3A_41 = vector.extract_strided_slice %max3A_35 {offsets = [0, 128], sizes = [800, 128], strides = [1, 1]} : vector<800x256xf32> to vector<800x128xf32>
    %swap3A_42 = arith.constant 1 : index
    %swap3A_43 = arith.constant 0 : index
    %swap3A_44 = arith.constant 0 : index
    %swap3A_45 = vector.load %arg7[%swap3A_42, %swap3A_43, %swap3A_44] : memref<2x800x128xf32, #tpu.memory_space<vmem>>, vector<1x800x128xf32>
    %swap3A_46 = vector.shape_cast %swap3A_45 : vector<1x800x128xf32> to vector<800x128xf32>
    %swap3A_47 = vector.shape_cast %slice3A_41 : vector<800x128xf32> to vector<1x800x128xf32>
    tpu.vector_store %arg7[%swap3A_42, %swap3A_43, %swap3A_44], %swap3A_47 {strides = array<i32>} : memref<2x800x128xf32, #tpu.memory_space<vmem>>, vector<1x800x128xf32>,
    return
  }
  func.func @transform_0(%arg0: i32) -> (i32, i32) {
    %c0_i32 = arith.constant 0 : i32
    %c0_i32_0 = arith.constant 0 : i32
    return %arg0, %c0_i32 : i32, i32
  }
  func.func @transform_1(%arg0: i32) -> (i32, i32) {
    %c0_i32 = arith.constant 0 : i32
    %c0_i32_0 = arith.constant 0 : i32
    return %arg0, %c0_i32 : i32, i32
  }
  func.func @transform_2(%arg0: i32) -> (i32, i32, i32) {
    %c0_i32 = arith.constant 0 : i32
    %c0_i32_0 = arith.constant 0 : i32
    %c0_i32_1 = arith.constant 0 : i32
    return %c0_i32, %arg0, %c0_i32_0 : i32, i32, i32
  }
  func.func @transform_3(%arg0: i32) -> (i32, i32) {
    %c0_i32 = arith.constant 0 : i32
    %c0_i32_0 = arith.constant 0 : i32
    %c0_i32_1 = arith.constant 0 : i32
    return %c0_i32, %c0_i32_0 : i32, i32
  }
  func.func @transform_4(%arg0: i32) -> (i32, i32) {
    %c0_i32 = arith.constant 0 : i32
    %c0_i32_0 = arith.constant 0 : i32
    %c0_i32_1 = arith.constant 0 : i32
    return %c0_i32, %c0_i32_0 : i32, i32
  }
  func.func @transform_5(%arg0: i32) -> (i32, i32) {
    %c0_i32 = arith.constant 0 : i32
    %c0_i32_0 = arith.constant 0 : i32
    %c0_i32_1 = arith.constant 0 : i32
    return %c0_i32, %c0_i32_0 : i32, i32
  }
  func.func @transform_6(%arg0: i32) -> (i32, i32, i32) {
    %c0_i32 = arith.constant 0 : i32
    %c0_i32_0 = arith.constant 0 : i32
    %c0_i32_1 = arith.constant 0 : i32
    return %c0_i32, %arg0, %c0_i32_0 : i32, i32, i32
  }
}

module attributes {stable_mosaic.version = 14 : i64} {
  func.func @body(%arg0: i32, %arg1: memref<2x800x128xf32, #tpu.memory_space<vmem>>, %arg2: memref<2x800x128xf32, #tpu.memory_space<vmem>>, %arg3: memref<2x800x16xf32, #tpu.memory_space<vmem>>, %arg4: memref<2x128x256xf32, #tpu.memory_space<vmem>>, %arg5: memref<2x128x256xf32, #tpu.memory_space<vmem>>, %arg6: memref<1x256xf32, #tpu.memory_space<vmem>>, %arg7: memref<2x800x128xf32, #tpu.memory_space<vmem>>) attributes {dimension_semantics = [#tpu.dimension_semantics<arbitrary>], iteration_bounds = array<i64: 10>, scalar_prefetch = 0 : i64, scratch_operands = 0 : i64, tpu.core_type = #tpu.core_type<tc>, window_params = [{transform_indices = @transform_0, window_bounds = array<i64: 2, 800, 128>}, {transform_indices = @transform_1, window_bounds = array<i64: 2, 800, 128>}, {transform_indices = @transform_2, window_bounds = array<i64: 2, 800, 16>}, {pipeline_mode = #tpu.pipeline_mode<synchronous>, transform_indices = @transform_3, window_bounds = array<i64: 2, 128, 256>}, {pipeline_mode = #tpu.pipeline_mode<synchronous>, transform_indices = @transform_4, window_bounds = array<i64: 2, 128, 256>}, {pipeline_mode = #tpu.pipeline_mode<synchronous>, transform_indices = @transform_5, window_bounds = array<i64: 1, 256>}, {transform_indices = @transform_6, window_bounds = array<i64: 2, 800, 128>}]} {
    %get3A = arith.constant 0 : index
    %get3A_0 = arith.constant 0 : index
    %get3A_1 = arith.constant 0 : index
    %get3A_2 = vector.load %arg3[%get3A, %get3A_0, %get3A_1] : memref<2x800x16xf32, #tpu.memory_space<vmem>>, vector<1x800x1xf32>
    %get3A_3 = vector.shape_cast %get3A_2 : vector<1x800x1xf32> to vector<800x1xf32>
    %get3A_4 = arith.constant 1 : index
    %get3A_5 = arith.constant 0 : index
    %get3A_6 = arith.constant 0 : index
    %get3A_7 = vector.load %arg3[%get3A_4, %get3A_5, %get3A_6] : memref<2x800x16xf32, #tpu.memory_space<vmem>>, vector<1x800x1xf32>
    %get3A_8 = vector.shape_cast %get3A_7 : vector<1x800x1xf32> to vector<800x1xf32>
    %add3A = arith.addf %get3A_3, %get3A_8 : vector<800x1xf32>
    %max3A = arith.constant 1.000000e+00 : f32
    %max3A_9 = vector.broadcast %max3A : f32 to vector<800x1xf32>
    %max3A_10 = arith.maximumf %add3A, %max3A_9 : vector<800x1xf32>
    %get3A_11 = arith.constant 0 : index
    %get3A_12 = arith.constant 0 : index
    %get3A_13 = arith.constant 0 : index
    %get3A_14 = vector.load %arg2[%get3A_11, %get3A_12, %get3A_13] : memref<2x800x128xf32, #tpu.memory_space<vmem>>, vector<1x800x128xf32>
    %get3A_15 = vector.shape_cast %get3A_14 : vector<1x800x128xf32> to vector<800x128xf32>
    %get3A_16 = arith.constant 0 : index
    %get3A_17 = arith.constant 0 : index
    %get3A_18 = arith.constant 0 : index
    %get3A_19 = vector.load %arg5[%get3A_16, %get3A_17, %get3A_18] : memref<2x128x256xf32, #tpu.memory_space<vmem>>, vector<1x128x256xf32>
    %get3A_20 = vector.shape_cast %get3A_19 : vector<1x128x256xf32> to vector<128x256xf32>
    %dot_general3A = arith.constant dense<0.000000e+00> : vector<800x256xf32>
    %dot_general3A_21 = tpu.matmul %get3A_15, %get3A_20, %dot_general3A {dimension_numbers = #tpu.dot_dimension_numbers<[1], [0], [0], [1], [0, 0, 1, 1], [], []>, transpose_lhs_hint = false} : vector<800x128xf32>, vector<128x256xf32>, vector<800x256xf32> -> vector<800x256xf32>
    %get3A_22 = arith.constant 1 : index
    %get3A_23 = arith.constant 0 : index
    %get3A_24 = arith.constant 0 : index
    %get3A_25 = vector.load %arg2[%get3A_22, %get3A_23, %get3A_24] : memref<2x800x128xf32, #tpu.memory_space<vmem>>, vector<1x800x128xf32>
    %get3A_26 = vector.shape_cast %get3A_25 : vector<1x800x128xf32> to vector<800x128xf32>
    %get3A_27 = arith.constant 1 : index
    %get3A_28 = arith.constant 0 : index
    %get3A_29 = arith.constant 0 : index
    %get3A_30 = vector.load %arg5[%get3A_27, %get3A_28, %get3A_29] : memref<2x128x256xf32, #tpu.memory_space<vmem>>, vector<1x128x256xf32>
    %get3A_31 = vector.shape_cast %get3A_30 : vector<1x128x256xf32> to vector<128x256xf32>
    %dot_general3A_32 = arith.constant dense<0.000000e+00> : vector<800x256xf32>
    %dot_general3A_33 = tpu.matmul %get3A_26, %get3A_31, %dot_general3A_32 {dimension_numbers = #tpu.dot_dimension_numbers<[1], [0], [0], [1], [0, 0, 1, 1], [], []>, transpose_lhs_hint = false} : vector<800x128xf32>, vector<128x256xf32>, vector<800x256xf32> -> vector<800x256xf32>
    %add3A_34 = arith.addf %dot_general3A_21, %dot_general3A_33 : vector<800x256xf32>
    %get3A_35 = arith.constant 0 : index
    %get3A_36 = arith.constant 0 : index
    %get3A_37 = arith.constant 0 : index
    %get3A_38 = vector.load %arg1[%get3A_35, %get3A_36, %get3A_37] : memref<2x800x128xf32, #tpu.memory_space<vmem>>, vector<1x800x128xf32>
    %get3A_39 = vector.shape_cast %get3A_38 : vector<1x800x128xf32> to vector<800x128xf32>
    %get3A_40 = arith.constant 0 : index
    %get3A_41 = arith.constant 0 : index
    %get3A_42 = arith.constant 0 : index
    %get3A_43 = vector.load %arg4[%get3A_40, %get3A_41, %get3A_42] : memref<2x128x256xf32, #tpu.memory_space<vmem>>, vector<1x128x256xf32>
    %get3A_44 = vector.shape_cast %get3A_43 : vector<1x128x256xf32> to vector<128x256xf32>
    %dot_general3A_45 = arith.constant dense<0.000000e+00> : vector<800x256xf32>
    %dot_general3A_46 = tpu.matmul %get3A_39, %get3A_44, %dot_general3A_45 {dimension_numbers = #tpu.dot_dimension_numbers<[1], [0], [0], [1], [0, 0, 1, 1], [], []>, transpose_lhs_hint = false} : vector<800x128xf32>, vector<128x256xf32>, vector<800x256xf32> -> vector<800x256xf32>
    %get3A_47 = arith.constant 1 : index
    %get3A_48 = arith.constant 0 : index
    %get3A_49 = arith.constant 0 : index
    %get3A_50 = vector.load %arg1[%get3A_47, %get3A_48, %get3A_49] : memref<2x800x128xf32, #tpu.memory_space<vmem>>, vector<1x800x128xf32>
    %get3A_51 = vector.shape_cast %get3A_50 : vector<1x800x128xf32> to vector<800x128xf32>
    %get3A_52 = arith.constant 1 : index
    %get3A_53 = arith.constant 0 : index
    %get3A_54 = arith.constant 0 : index
    %get3A_55 = vector.load %arg4[%get3A_52, %get3A_53, %get3A_54] : memref<2x128x256xf32, #tpu.memory_space<vmem>>, vector<1x128x256xf32>
    %get3A_56 = vector.shape_cast %get3A_55 : vector<1x128x256xf32> to vector<128x256xf32>
    %dot_general3A_57 = arith.constant dense<0.000000e+00> : vector<800x256xf32>
    %dot_general3A_58 = tpu.matmul %get3A_51, %get3A_56, %dot_general3A_57 {dimension_numbers = #tpu.dot_dimension_numbers<[1], [0], [0], [1], [0, 0, 1, 1], [], []>, transpose_lhs_hint = false} : vector<800x128xf32>, vector<128x256xf32>, vector<800x256xf32> -> vector<800x256xf32>
    %add3A_59 = arith.addf %dot_general3A_46, %dot_general3A_58 : vector<800x256xf32>
    %div3A = vector.broadcast %max3A_10 : vector<800x1xf32> to vector<800x256xf32>
    %div3A_60 = arith.divf %add3A_34, %div3A : vector<800x256xf32>
    %add3A_61 = arith.addf %add3A_59, %div3A_60 : vector<800x256xf32>
    %get3A_62 = arith.constant 0 : index
    %get3A_63 = arith.constant 0 : index
    %get3A_64 = vector.load %arg6[%get3A_62, %get3A_63] : memref<1x256xf32, #tpu.memory_space<vmem>>, vector<1x256xf32>
    %add3A_65 = vector.broadcast %get3A_64 : vector<1x256xf32> to vector<800x256xf32>
    %add3A_66 = arith.addf %add3A_61, %add3A_65 : vector<800x256xf32>
    %max3A_67 = arith.constant 0.000000e+00 : f32
    %max3A_68 = vector.broadcast %max3A_67 : f32 to vector<800x256xf32>
    %max3A_69 = arith.maximumf %add3A_66, %max3A_68 : vector<800x256xf32>
    %slice3A = vector.extract_strided_slice %max3A_69 {offsets = [0, 0], sizes = [800, 128], strides = [1, 1]} : vector<800x256xf32> to vector<800x128xf32>
    %swap3A = arith.constant 0 : index
    %swap3A_70 = arith.constant 0 : index
    %swap3A_71 = arith.constant 0 : index
    %swap3A_72 = vector.load %arg7[%swap3A, %swap3A_70, %swap3A_71] : memref<2x800x128xf32, #tpu.memory_space<vmem>>, vector<1x800x128xf32>
    %swap3A_73 = vector.shape_cast %swap3A_72 : vector<1x800x128xf32> to vector<800x128xf32>
    %swap3A_74 = vector.shape_cast %slice3A : vector<800x128xf32> to vector<1x800x128xf32>
    tpu.vector_store %arg7[%swap3A, %swap3A_70, %swap3A_71], %swap3A_74 {strides = array<i32>} : memref<2x800x128xf32, #tpu.memory_space<vmem>>, vector<1x800x128xf32>,
    %slice3A_75 = vector.extract_strided_slice %max3A_69 {offsets = [0, 128], sizes = [800, 128], strides = [1, 1]} : vector<800x256xf32> to vector<800x128xf32>
    %swap3A_76 = arith.constant 1 : index
    %swap3A_77 = arith.constant 0 : index
    %swap3A_78 = arith.constant 0 : index
    %swap3A_79 = vector.load %arg7[%swap3A_76, %swap3A_77, %swap3A_78] : memref<2x800x128xf32, #tpu.memory_space<vmem>>, vector<1x800x128xf32>
    %swap3A_80 = vector.shape_cast %swap3A_79 : vector<1x800x128xf32> to vector<800x128xf32>
    %swap3A_81 = vector.shape_cast %slice3A_75 : vector<800x128xf32> to vector<1x800x128xf32>
    tpu.vector_store %arg7[%swap3A_76, %swap3A_77, %swap3A_78], %swap3A_81 {strides = array<i32>} : memref<2x800x128xf32, #tpu.memory_space<vmem>>, vector<1x800x128xf32>,
    return
  }
  func.func @transform_0(%arg0: i32) -> (i32, i32, i32) {
    %c0_i32 = arith.constant 0 : i32
    %c0_i32_0 = arith.constant 0 : i32
    %c0_i32_1 = arith.constant 0 : i32
    return %c0_i32, %arg0, %c0_i32_0 : i32, i32, i32
  }
  func.func @transform_1(%arg0: i32) -> (i32, i32, i32) {
    %c0_i32 = arith.constant 0 : i32
    %c0_i32_0 = arith.constant 0 : i32
    %c0_i32_1 = arith.constant 0 : i32
    return %c0_i32, %arg0, %c0_i32_0 : i32, i32, i32
  }
  func.func @transform_2(%arg0: i32) -> (i32, i32, i32) {
    %c0_i32 = arith.constant 0 : i32
    %c0_i32_0 = arith.constant 0 : i32
    %c0_i32_1 = arith.constant 0 : i32
    return %c0_i32, %arg0, %c0_i32_0 : i32, i32, i32
  }
  func.func @transform_3(%arg0: i32) -> (i32, i32, i32) {
    %c0_i32 = arith.constant 0 : i32
    %c0_i32_0 = arith.constant 0 : i32
    %c0_i32_1 = arith.constant 0 : i32
    %c0_i32_2 = arith.constant 0 : i32
    return %c0_i32, %c0_i32_0, %c0_i32_1 : i32, i32, i32
  }
  func.func @transform_4(%arg0: i32) -> (i32, i32, i32) {
    %c0_i32 = arith.constant 0 : i32
    %c0_i32_0 = arith.constant 0 : i32
    %c0_i32_1 = arith.constant 0 : i32
    %c0_i32_2 = arith.constant 0 : i32
    return %c0_i32, %c0_i32_0, %c0_i32_1 : i32, i32, i32
  }
  func.func @transform_5(%arg0: i32) -> (i32, i32) {
    %c0_i32 = arith.constant 0 : i32
    %c0_i32_0 = arith.constant 0 : i32
    %c0_i32_1 = arith.constant 0 : i32
    return %c0_i32, %c0_i32_0 : i32, i32
  }
  func.func @transform_6(%arg0: i32) -> (i32, i32, i32) {
    %c0_i32 = arith.constant 0 : i32
    %c0_i32_0 = arith.constant 0 : i32
    %c0_i32_1 = arith.constant 0 : i32
    return %c0_i32, %arg0, %c0_i32_0 : i32, i32, i32
  }
}

module attributes {stable_mosaic.version = 14 : i64} {
  func.func @body(%arg0: i32, %arg1: memref<2x1024x128xf32, #tpu.memory_space<vmem>>, %arg2: memref<2x1024x128xf32, #tpu.memory_space<vmem>>, %arg3: memref<2x1024x16xf32, #tpu.memory_space<vmem>>, %arg4: memref<2x128x256xf32, #tpu.memory_space<vmem>>, %arg5: memref<2x128x256xf32, #tpu.memory_space<vmem>>, %arg6: memref<1x256xf32, #tpu.memory_space<vmem>>, %arg7: memref<1024x256xf32, #tpu.memory_space<vmem>>) attributes {dimension_semantics = [#tpu.dimension_semantics<arbitrary>], iteration_bounds = array<i64: 4>, scalar_prefetch = 0 : i64, scratch_operands = 0 : i64, tpu.core_type = #tpu.core_type<tc>, window_params = [{transform_indices = @transform_0, window_bounds = array<i64: 2, 1024, 128>}, {transform_indices = @transform_1, window_bounds = array<i64: 2, 1024, 128>}, {transform_indices = @transform_2, window_bounds = array<i64: 2, 1024, 16>}, {pipeline_mode = #tpu.pipeline_mode<synchronous>, transform_indices = @transform_3, window_bounds = array<i64: 2, 128, 256>}, {pipeline_mode = #tpu.pipeline_mode<synchronous>, transform_indices = @transform_4, window_bounds = array<i64: 2, 128, 256>}, {pipeline_mode = #tpu.pipeline_mode<synchronous>, transform_indices = @transform_5, window_bounds = array<i64: 1, 256>}, {transform_indices = @transform_6, window_bounds = array<i64: 1024, 256>}]} {
    %get3A = arith.constant 0 : index
    %get3A_0 = arith.constant 0 : index
    %get3A_1 = arith.constant 0 : index
    %get3A_2 = vector.load %arg3[%get3A, %get3A_0, %get3A_1] : memref<2x1024x16xf32, #tpu.memory_space<vmem>>, vector<1x1024x1xf32>
    %get3A_3 = vector.shape_cast %get3A_2 : vector<1x1024x1xf32> to vector<1024x1xf32>
    %get3A_4 = arith.constant 1 : index
    %get3A_5 = arith.constant 0 : index
    %get3A_6 = arith.constant 0 : index
    %get3A_7 = vector.load %arg3[%get3A_4, %get3A_5, %get3A_6] : memref<2x1024x16xf32, #tpu.memory_space<vmem>>, vector<1x1024x1xf32>
    %get3A_8 = vector.shape_cast %get3A_7 : vector<1x1024x1xf32> to vector<1024x1xf32>
    %add3A = arith.addf %get3A_3, %get3A_8 : vector<1024x1xf32>
    %max3A = arith.constant 1.000000e+00 : f32
    %max3A_9 = vector.broadcast %max3A : f32 to vector<1024x1xf32>
    %max3A_10 = arith.maximumf %add3A, %max3A_9 : vector<1024x1xf32>
    %get3A_11 = arith.constant 0 : index
    %get3A_12 = arith.constant 0 : index
    %get3A_13 = arith.constant 0 : index
    %get3A_14 = vector.load %arg2[%get3A_11, %get3A_12, %get3A_13] : memref<2x1024x128xf32, #tpu.memory_space<vmem>>, vector<1x1024x128xf32>
    %get3A_15 = vector.shape_cast %get3A_14 : vector<1x1024x128xf32> to vector<1024x128xf32>
    %get3A_16 = arith.constant 0 : index
    %get3A_17 = arith.constant 0 : index
    %get3A_18 = arith.constant 0 : index
    %get3A_19 = vector.load %arg5[%get3A_16, %get3A_17, %get3A_18] : memref<2x128x256xf32, #tpu.memory_space<vmem>>, vector<1x128x256xf32>
    %get3A_20 = vector.shape_cast %get3A_19 : vector<1x128x256xf32> to vector<128x256xf32>
    %dot_general3A = arith.constant dense<0.000000e+00> : vector<1024x256xf32>
    %dot_general3A_21 = tpu.matmul %get3A_15, %get3A_20, %dot_general3A {dimension_numbers = #tpu.dot_dimension_numbers<[1], [0], [0], [1], [0, 0, 1, 1], [], []>, transpose_lhs_hint = false} : vector<1024x128xf32>, vector<128x256xf32>, vector<1024x256xf32> -> vector<1024x256xf32>
    %get3A_22 = arith.constant 1 : index
    %get3A_23 = arith.constant 0 : index
    %get3A_24 = arith.constant 0 : index
    %get3A_25 = vector.load %arg2[%get3A_22, %get3A_23, %get3A_24] : memref<2x1024x128xf32, #tpu.memory_space<vmem>>, vector<1x1024x128xf32>
    %get3A_26 = vector.shape_cast %get3A_25 : vector<1x1024x128xf32> to vector<1024x128xf32>
    %get3A_27 = arith.constant 1 : index
    %get3A_28 = arith.constant 0 : index
    %get3A_29 = arith.constant 0 : index
    %get3A_30 = vector.load %arg5[%get3A_27, %get3A_28, %get3A_29] : memref<2x128x256xf32, #tpu.memory_space<vmem>>, vector<1x128x256xf32>
    %get3A_31 = vector.shape_cast %get3A_30 : vector<1x128x256xf32> to vector<128x256xf32>
    %dot_general3A_32 = arith.constant dense<0.000000e+00> : vector<1024x256xf32>
    %dot_general3A_33 = tpu.matmul %get3A_26, %get3A_31, %dot_general3A_32 {dimension_numbers = #tpu.dot_dimension_numbers<[1], [0], [0], [1], [0, 0, 1, 1], [], []>, transpose_lhs_hint = false} : vector<1024x128xf32>, vector<128x256xf32>, vector<1024x256xf32> -> vector<1024x256xf32>
    %add3A_34 = arith.addf %dot_general3A_21, %dot_general3A_33 : vector<1024x256xf32>
    %get3A_35 = arith.constant 0 : index
    %get3A_36 = arith.constant 0 : index
    %get3A_37 = arith.constant 0 : index
    %get3A_38 = vector.load %arg1[%get3A_35, %get3A_36, %get3A_37] : memref<2x1024x128xf32, #tpu.memory_space<vmem>>, vector<1x1024x128xf32>
    %get3A_39 = vector.shape_cast %get3A_38 : vector<1x1024x128xf32> to vector<1024x128xf32>
    %get3A_40 = arith.constant 0 : index
    %get3A_41 = arith.constant 0 : index
    %get3A_42 = arith.constant 0 : index
    %get3A_43 = vector.load %arg4[%get3A_40, %get3A_41, %get3A_42] : memref<2x128x256xf32, #tpu.memory_space<vmem>>, vector<1x128x256xf32>
    %get3A_44 = vector.shape_cast %get3A_43 : vector<1x128x256xf32> to vector<128x256xf32>
    %dot_general3A_45 = arith.constant dense<0.000000e+00> : vector<1024x256xf32>
    %dot_general3A_46 = tpu.matmul %get3A_39, %get3A_44, %dot_general3A_45 {dimension_numbers = #tpu.dot_dimension_numbers<[1], [0], [0], [1], [0, 0, 1, 1], [], []>, transpose_lhs_hint = false} : vector<1024x128xf32>, vector<128x256xf32>, vector<1024x256xf32> -> vector<1024x256xf32>
    %get3A_47 = arith.constant 1 : index
    %get3A_48 = arith.constant 0 : index
    %get3A_49 = arith.constant 0 : index
    %get3A_50 = vector.load %arg1[%get3A_47, %get3A_48, %get3A_49] : memref<2x1024x128xf32, #tpu.memory_space<vmem>>, vector<1x1024x128xf32>
    %get3A_51 = vector.shape_cast %get3A_50 : vector<1x1024x128xf32> to vector<1024x128xf32>
    %get3A_52 = arith.constant 1 : index
    %get3A_53 = arith.constant 0 : index
    %get3A_54 = arith.constant 0 : index
    %get3A_55 = vector.load %arg4[%get3A_52, %get3A_53, %get3A_54] : memref<2x128x256xf32, #tpu.memory_space<vmem>>, vector<1x128x256xf32>
    %get3A_56 = vector.shape_cast %get3A_55 : vector<1x128x256xf32> to vector<128x256xf32>
    %dot_general3A_57 = arith.constant dense<0.000000e+00> : vector<1024x256xf32>
    %dot_general3A_58 = tpu.matmul %get3A_51, %get3A_56, %dot_general3A_57 {dimension_numbers = #tpu.dot_dimension_numbers<[1], [0], [0], [1], [0, 0, 1, 1], [], []>, transpose_lhs_hint = false} : vector<1024x128xf32>, vector<128x256xf32>, vector<1024x256xf32> -> vector<1024x256xf32>
    %add3A_59 = arith.addf %dot_general3A_46, %dot_general3A_58 : vector<1024x256xf32>
    %div3A = vector.broadcast %max3A_10 : vector<1024x1xf32> to vector<1024x256xf32>
    %div3A_60 = arith.divf %add3A_34, %div3A : vector<1024x256xf32>
    %add3A_61 = arith.addf %add3A_59, %div3A_60 : vector<1024x256xf32>
    %get3A_62 = arith.constant 0 : index
    %get3A_63 = arith.constant 0 : index
    %get3A_64 = vector.load %arg6[%get3A_62, %get3A_63] : memref<1x256xf32, #tpu.memory_space<vmem>>, vector<1x256xf32>
    %add3A_65 = vector.broadcast %get3A_64 : vector<1x256xf32> to vector<1024x256xf32>
    %add3A_66 = arith.addf %add3A_61, %add3A_65 : vector<1024x256xf32>
    %swap3A = arith.constant 0 : index
    %swap3A_67 = arith.constant 0 : index
    %swap3A_68 = vector.load %arg7[%swap3A, %swap3A_67] : memref<1024x256xf32, #tpu.memory_space<vmem>>, vector<1024x256xf32>
    tpu.vector_store %arg7[%swap3A, %swap3A_67], %add3A_66 {strides = array<i32>} : memref<1024x256xf32, #tpu.memory_space<vmem>>, vector<1024x256xf32>,
    return
  }
  func.func @transform_0(%arg0: i32) -> (i32, i32, i32) {
    %c0_i32 = arith.constant 0 : i32
    %c0_i32_0 = arith.constant 0 : i32
    %c0_i32_1 = arith.constant 0 : i32
    return %c0_i32, %arg0, %c0_i32_0 : i32, i32, i32
  }
  func.func @transform_1(%arg0: i32) -> (i32, i32, i32) {
    %c0_i32 = arith.constant 0 : i32
    %c0_i32_0 = arith.constant 0 : i32
    %c0_i32_1 = arith.constant 0 : i32
    return %c0_i32, %arg0, %c0_i32_0 : i32, i32, i32
  }
  func.func @transform_2(%arg0: i32) -> (i32, i32, i32) {
    %c0_i32 = arith.constant 0 : i32
    %c0_i32_0 = arith.constant 0 : i32
    %c0_i32_1 = arith.constant 0 : i32
    return %c0_i32, %arg0, %c0_i32_0 : i32, i32, i32
  }
  func.func @transform_3(%arg0: i32) -> (i32, i32, i32) {
    %c0_i32 = arith.constant 0 : i32
    %c0_i32_0 = arith.constant 0 : i32
    %c0_i32_1 = arith.constant 0 : i32
    %c0_i32_2 = arith.constant 0 : i32
    return %c0_i32, %c0_i32_0, %c0_i32_1 : i32, i32, i32
  }
  func.func @transform_4(%arg0: i32) -> (i32, i32, i32) {
    %c0_i32 = arith.constant 0 : i32
    %c0_i32_0 = arith.constant 0 : i32
    %c0_i32_1 = arith.constant 0 : i32
    %c0_i32_2 = arith.constant 0 : i32
    return %c0_i32, %c0_i32_0, %c0_i32_1 : i32, i32, i32
  }
  func.func @transform_5(%arg0: i32) -> (i32, i32) {
    %c0_i32 = arith.constant 0 : i32
    %c0_i32_0 = arith.constant 0 : i32
    %c0_i32_1 = arith.constant 0 : i32
    return %c0_i32, %c0_i32_0 : i32, i32
  }
  func.func @transform_6(%arg0: i32) -> (i32, i32) {
    %c0_i32 = arith.constant 0 : i32
    %c0_i32_0 = arith.constant 0 : i32
    return %arg0, %c0_i32 : i32, i32
  }
}

</mosaic_0001>

<sc_bundles>
// kernel: kernel.11.cloned.1.call-start
scs
__scs_entry_jumppad:
0x0: {  	(pc) =	sbr.rel $0x88, $3  }
0x1: {  	(tag) =	ssettag $0x0;
	lr =	simm.s32 $0x1  }
0x2: {  	[smem:$0x3F8E] =	sst lr;
	_ =	strace $0xD0000000  }
0x3: {  	_ = 	snop  }
0x4: {  	_ = 	snop  }
0x5: {  	_ = 	snop  }
0x6: {  	_ = 	snop  }
0x7: {  	_ = 	snop  }
__scs_overlays_trampoline_lowered:
0x8: {  	[smem:$0x3F9D] =	sst s0  }
0x9: {  	[smem:$0x3F9E] =	sst s1  }
0xa: {  	[smem:$0x3F9F] =	sst s2  }
0xb: {  	[smem:$0x3FA0] =	sst s3  }
0xc: {  	[smem:$0x3FA1] =	sst s4  }
0xd: {  	[smem:$0x3FA2] =	sst s5  }
0xe: {  	[smem:$0x3FA3] =	sst s6  }
0xf: {  	[smem:$0x3FA4] =	sst s7  }
0x10: {  	[smem:$0x3FA5] =	sst s8  }
0x11: {  	[smem:$0x3FA6] =	sst s9;
	s0 =	simm.s32 @!p0 $0x0  }
0x12: {  	s1 =	sld [smem:$0x3F8C];
	s0 =	simm.s32 @p0 $0x1  }
0x13: {  	[smem:$0x3FA7] =	sst s0;
	s0 =	simm.s32 @!p1 $0x0  }
0x14: {  	s2 =	sld [smem:$0x3F8B];
	s0 =	simm.s32 @p1 $0x1  }
0x15: {  	[smem:$0x3FA8] =	sst s0;
	s0 =	simm.s32 @!p2 $0x0  }
0x16: {  	s3 =	sld [smem:$0x3FDB];
	s0 =	simm.s32 @p2 $0x1  }
0x17: {  	s4 =	simm.s32 $0x1BF5;
	[smem:$0x3FAA] =	sst s0  }
0x18: {  	s0 =	sld [smem:$0x3F8D];
	_ =	swait.ge [sflag:s4], $0x0  }
0x19: {  	s7 =	sld [smem:$0x3F8E]  }
0x1a: {  	s8 =	sadd.s32 $0xFFFFE003, lr  }
0x1b: {  	s9 =	sadd.s32 $0xFFFFFEF7, lr;
	s5 =	simm.s32 $0xFFFFFFFF;
	p2 =	slt.u32 s8, $0xFFFFF086  }
0x1c: {  	p1 =	slt.u32 s9, $0xF7A;
	s5 =	simm.s32 @!p2 $0x0  }
0x1d: {  	s5 =	simm.s32 @p1 $0x1;
	p0 =	seq.s32 s7, s2  }
0x1e: {  	s7 =	smul.u32 @!p0 $0xF7A, s2;
	p2 =	seq.s32 @!p0 s5, $0x0  }
0x1f: {  	s9 =	smul.u32 $0xF7A, s1;
	s8 =	simm.s32 @!p0 $0x1BF5;
	p2 =	por !p2, p0  }
0x20: {  	[sflag:s8] =	ssyncset.s32 @!p0 $0xFFFFF086;
	s6 =	sadd.s32 @!p0 s3, s7;
	s7 =	simm.s32 @!p0 $0x108  }
0x21: {  	s3 =	sadd.s32 s3, s9;
	s6 =	sadd.s32 @!p0 $0x88, s6;
	s7 =	simm.s32 @p2 $0x1082  }
0x22: {  	[simem:s7], [sflag:s8] =	dma.local @!p0 [hbm:s6], $0xF7A  }
0x23: {  	s9 =	sor.u32 $0xD0000000, s2;
	s6 =	simm.s32 $0x108;
	_ =	swait.ge @!p0 [sflag:s8], $0x0  }
0x24: {  	s3 =	sadd.s32 $0x88, s3;
	s6 =	simm.s32 @!p1 $0x1082;
	[sflag:s4] =	ssyncset.s32 $0xFFFFF086  }
0x25: {  	[simem:s6], [sflag:s4] =	dma.local [hbm:s3], $0xF7A  }
0x26: {  	[smem:$0x3F8E] =	sst s1;
	(tag) =	ssettag s2;
	_ =	strace s9  }
0x27: {  	s1 =	sld [smem:$0x3F9E]  }
0x28: {  	s2 =	sld [smem:$0x3F9F]  }
0x29: {  	s4 =	sld [smem:$0x3FA1]  }
0x2a: {  	p0 =	seq.s32 s5, $0x0;
	s5 =	sld [smem:$0x3FA2]  }
0x2b: {  	s6 =	sld [smem:$0x3FA3]  }
0x2c: {  	s7 =	sld [smem:$0x3FA4]  }
0x2d: {  	s3 =	simm.s32 $0x108;
	s8 =	sld [smem:$0x3FA5]  }
0x2e: {  	s3 =	simm.s32 @!p0 $0x1082;
	s9 =	sld [smem:$0x3FA6]  }
0x2f: {  	lr =	sadd.s32 s0, s3;
	s0 =	sld [smem:$0x3F9D]  }
0x30: {  	s3 =	sld [smem:$0x3FA0]  }
0x31: {  	[smem:$0x3FA9] =	sst s10  }
0x32: {  	s10 =	sld [smem:$0x3FA7];
	_ =	sdelay $0x3  }
0x33: {  	p0 =	seq.s32 s10, $0x1;
	s10 =	sld [smem:$0x3FA9];
	_ =	sdelay $0x3  }
0x34: {  	[smem:$0x3FA9] =	sst s10  }
0x35: {  	s10 =	sld [smem:$0x3FA8];
	_ =	sdelay $0x3  }
0x36: {  	p1 =	seq.s32 s10, $0x1;
	s10 =	sld [smem:$0x3FA9];
	_ =	sdelay $0x3  }
0x37: {  	[smem:$0x3FA9] =	sst s10  }
0x38: {  	s10 =	sld [smem:$0x3FAA]  }
0x39: {  	_ = 	snop;
	(pc) =	sbr.ind lr, $3  }
0x3a: {  	_ = 	snop  }
0x3b: {  	_ = 	snop  }
0x3c: {  	p2 =	seq.s32 s10, $0x1;
	s10 =	sld [smem:$0x3FA9]  }
0x3d: {  	_ =	shalt  }
0x3e: {  	_ =	shalt  }
0x3f: {  	_ =	shalt  }
0x40: {  	_ =	shalt  }
0x41: {  	_ =	shalt  }
0x42: {  	_ =	shalt  }
0x43: {  	_ =	shalt  }
0x44: {  	_ =	shalt  }
0x45: {  	_ =	shalt  }
0x46: {  	_ =	shalt  }
0x47: {  	_ =	shalt  }
0x48: {  	_ =	shalt  }
0x49: {  	_ =	shalt  }
0x4a: {  	_ =	shalt  }
0x4b: {  	_ =	shalt  }
0x4c: {  	_ =	shalt  }
0x4d: {  	_ =	shalt  }
0x4e: {  	_ =	shalt  }
0x4f: {  	_ =	shalt  }
0x50: {  	_ =	shalt  }
0x51: {  	_ =	shalt  }
0x52: {  	_ =	shalt  }
0x53: {  	_ =	shalt  }
0x54: {  	_ =	shalt  }
0x55: {  	_ =	shalt  }
0x56: {  	_ =	shalt  }
0x57: {  	_ =	shalt  }
0x58: {  	_ =	shalt  }
0x59: {  	_ =	shalt  }
0x5a: {  	_ =	shalt  }
0x5b: {  	_ =	shalt  }
0x5c: {  	_ =	shalt  }
0x5d: {  	_ =	shalt  }
0x5e: {  	_ =	shalt  }
0x5f: {  	_ =	shalt  }
0x60: {  	_ =	shalt  }
0x61: {  	_ =	shalt  }
0x62: {  	_ =	shalt  }
0x63: {  	_ =	shalt  }
0x64: {  	_ =	shalt  }
0x65: {  	_ =	shalt  }
0x66: {  	_ =	shalt  }
0x67: {  	_ =	shalt  }
0x68: {  	_ =	shalt  }
0x69: {  	_ =	shalt  }
0x6a: {  	_ =	shalt  }
0x6b: {  	_ =	shalt  }
0x6c: {  	_ =	shalt  }
0x6d: {  	_ =	shalt  }
0x6e: {  	_ =	shalt  }
0x6f: {  	_ =	shalt  }
0x70: {  	_ =	shalt  }
0x71: {  	_ =	shalt  }
0x72: {  	_ =	shalt  }
0x73: {  	_ =	shalt  }
0x74: {  	_ =	shalt  }
0x75: {  	_ =	shalt  }
0x76: {  	_ =	shalt  }
0x77: {  	_ =	shalt  }
0x78: {  	_ =	shalt  }
0x79: {  	_ =	shalt  }
0x7a: {  	_ =	shalt  }
0x7b: {  	_ =	shalt  }
0x7c: {  	_ =	shalt  }
0x7d: {  	_ =	shalt  }
0x7e: {  	_ =	shalt  }
0x7f: {  	_ =	shalt  }
0x80: {  	_ =	shalt  }
0x81: {  	_ =	shalt  }
0x82: {  	_ =	shalt  }
0x83: {  	_ =	shalt  }
0x84: {  	_ =	shalt  }
0x85: {  	_ =	shalt  }
0x86: {  	_ =	shalt  }
0x87: {  	_ =	shalt  }
.Lfunc_end0:
.L_simem_size_0:
called_computation.1_lowered:
.L_overlay_start_0:
0x88: {  	s2 =	sld [smem:$0x3FD9]  }
0x89: {  	s3 =	sld [smem:$0x3FFE];
	_ =	sdelay $0x1  }
0x8a: {  	s1 =	srdreg.scid  }
0x8b: {  	s0 =	sand.u32 $0x1, s1  }
0x8c: {  	s17 =	sshll.u32 s0, $0xA;
	s2 =	sadd.s32 s3, s2  }
0x8d: {  	s2 =	sadd.s32 s2, s17  }
0x8e: {  	[smem:$0x3FB5] =	sst s2  }
0x8f: {  	_ = 	snop  }
0x90: {  	s2 =	sld [smem:$0x3FC6]  }
0x91: {  	s18 =	sld [smem:$0x3FC5]  }
0x92: {  	s4 =	sld [smem:$0x3FD0];
	(tm) =	ssettm $0x1  }
0x93: {  	s5 =	sld [smem:$0x3FFB];
	_ =	sdelay $0x3  }
0x94: {  	_ =	strace s5  }
0x95: {  	s5 =	sld [smem:$0x3FFC];
	_ =	sdelay $0x3  }
0x96: {  	_ =	strace s5  }
0x97: {  	s5 =	sld [smem:$0x3FFD];
	_ =	sdelay $0x3  }
0x98: {  	_ =	strace s5  }
0x99: {  	_ =	strace $0x8FFFFFFF  }
0x9a: {  	s19 =	sld [smem:$0x3FDB];
	_ =	sdelay $0x1  }
0x9b: {  	s6 =	simm.s32 $_scs_section_size  }
0x9c: {  	s7 =	simm.s32 $_size__tile_overlayer_lowered;
	s8 =	simm.s32 $_tile_overlayer_lowered  }
0x9d: {  	s22 =	simm.s32 $0x1BFF;
	s21 =	sshll.u32 s8, $0x1;
	s5 =	sadd.s32 s6, s19  }
0x9e: {  	s9 =	simm.s32 $0x0;
	s20 =	sshll.u32 s7, $0x1;
	s7 =	sadd.s32 s21, s5  }
0x9f: {  	[timem:s9], [sflag:s22] =	dma.local [hbm:s7], s20  }
0xa0: {  	_ =	swait.ge [sflag:s22], s20  }
0xa1: {  	s6 =	ssub.s32 $0x0, s20;
	[sflag:s22] =	ssyncset.done $0x0  }
0xa2: {  	[sflag:s22] =	ssyncadd.s32 s6;
	_ =	sdelay $0x1  }
0xa3: {  	s23 =	simm.s32 $0x1B8B  }
0xa4: {  	_ =	swait.ge [sflag:s23], $0x1  }
0xa5: {  	[sflag:s23] =	ssyncset.done $0x0  }
0xa6: {  	s25 =	simm.s32 $0x1B8E;
	s24 =	sld [smem:$0x3FFE];
	[sflag:s23] =	ssyncadd.s32 $0xFFFFFFFF  }
0xa7: {  	s26 =	simm.s32 $execute0_lowered;
	[smem:$0x3FD2] =	sst s25  }
0xa8: {  	s7 =	sshll.u32 s26, $0x1;
	_ =	strace $0x80000049;
	[dreg:$0x1] =	wrdreg $0xFFFFFFFF  }
0xa9: {  	s28 =	simm.s32 $_size_execute0_lowered;
	s5 =	sadd.s32 s5, s7;
	[dreg:$0x0] =	wrdreg $0x0  }
0xaa: {  	s7 =	sshll.u32 s28, $0x1;
	[dreg:$0x2] =	wrdreg s5  }
0xab: {  	[dreg:$0x3] =	wrdreg s7  }
0xac: {  	[dreg:$0x4] =	wrdreg $0xC0  }
0xad: {  	_ =	task [dreg:s9], $0x5FFFF  }
0xae: {  	[dreg:$0x1] =	wrdreg $0xFFFFFFFF  }
0xaf: {  	[dreg:$0x0] =	wrdreg $0x60  }
0xb0: {  	[dreg:$0x2] =	wrdreg s24  }
0xb1: {  	[dreg:$0x3] =	wrdreg s2  }
0xb2: {  	[dreg:$0x4] =	wrdreg s18  }
0xb3: {  	[dreg:$0x5] =	wrdreg s4  }
0xb4: {  	[dreg:$0x6] =	wrdreg $0x93800  }
0xb5: {  	[dreg:$0x7] =	wrdreg $0x18F800  }
0xb6: {  	[dreg:$0x8] =	wrdreg $0x9  }
0xb7: {  	_ =	task.clear_ibuf [dreg:s9], $0x9FFFF;
	_ =	strace $0x90000049  }
0xb8: {  	s29 =	simm.s32 $0x9;
	_ =	strace $0x8000004B  }
0xb9: {  	_ =	swait.ge [sflag:s29], $0x1  }
0xba: {  	[sflag:s29] =	ssyncadd.s32 $0xFFFFFFFF  }
0xbb: {  	_ =	strace $0x9000004B  }
0xbc: {  	_ =	sfence  }
0xbd: {  	s30 =	sld [smem:$0x0];
	_ =	sdelay $0x2  }
0xbe: {  	s31 =	sshll.u32 s1, $0xD;
	s1 =	sshrl.u32 s1, $0x2  }
0xbf: {  	s3 =	sand.u32 $0x4000, s31;
	s1 =	sadd.s32 s1, s30  }
0xc0: {  	s0 =	sor.u32 s3, s0;
	s1 =	sshll.u32 s1, $0x11  }
0xc1: {  	s0 =	sor.u32 s1, s0  }
0xc2: {  	s0 =	sadd.s32 $0x8F2B, s0  }
0xc3: {  	[sflag:s0] =	ssyncadd.remote.s32 $0x1  }
0xc4: {  	_ =	sfence.sel $0xFFFF  }
0xc5: {  	[dreg:$0x0] =	wrdreg $0xFFFFFFFF;
	(pc) =	sbr.abs _section_cstart, $3  }
0xc6: {  	[dreg:$0x1] =	wrdreg $0xFFFFFFFF  }
0xc7: {  	_ =	task.clear_ibuf [dreg:s9], $0x2FFFF;
	_ =	strace $0x9FFFFFFF  }
0xc8: {  	(tm) =	ssettm $0x7FFFFFFF  }
0xc9: {  	_ =	shalt  }
tec
execute0_lowered:
.L_overlay_start_1:
0x0: {  	(tag) =	ssettag $0x1  }
0x1: {  	s0 =	rddreg [dreg:$0x0]  }
0x2: {  	s1 =	rddreg [dreg:$0x1]  }
0x3: {  	s12 =	rddreg [dreg:$0x2]  }
0x4: {  	s14 =	rddreg [dreg:$0x3]  }
0x5: {  	s2 =	rddreg [dreg:$0x4]  }
0x6: {  	s3 =	rddreg [dreg:$0x5]  }
0x7: {  	s5 =	srdreg.scid;
	s6 =	stileid.u32;
	s4 =	simm.s32 $0x0  }
0x8: {  	s21 =	simm.s32 $0x1;
	s22 =	simm.s32 $0x2;
	s30 =	simm.s32 $0x3  }
0x9: {  	s31 =	simm.s32 $0x0;
	s19 =	sand.u32 $0x1, s5;
	s10 =	smul.u32 $0xFC00, s6  }
0xa: {  	[smem:$0x7FF] =	sst s4;
	s5 =	sadd.s32 $0xF2600, s0;
	s13 =	smul.u32 $0x1F80, s6  }
0xb: {  	s7 =	sadd.s32 $0x3C00, s0;
	s24 =	sadd.s32 $0x5C00, s0;
	s15 =	smul.u32 $0x3E8, s6  }
0xc: {  	s9 =	smul.u32 $0xFC000, s19;
	_ =	strace $0x8000004A;
	[dreg:$0x7] =	wrdreg s7  }
0xd: {  	s25 =	sadd.s32 $0x3A00, s0;
	[dreg:$0x8] =	wrdreg s24;
	s17 =	smul.u32 $0x1F800, s19  }
0xe: {  	[dreg:$0x9] =	wrdreg s25;
	s11 =	ssub.s32 $0x2, s19;
	s23 =	smul.u32 $0x4E20, s19  }
0xf: {  	p0 =	seq.s32 s19, $0x0;
	s24 =	simm.s32 $0x50;
	s26 =	sshrl.u32 s11, $0x1  }
0x10: {  	s18 =	sadd.s32 s10, s2;
	s20 =	sadd.s32 s13, s3;
	s12 =	sadd.s32 s12, s15  }
0x11: {  	s9 =	sadd.s32 s10, s9;
	s16 =	ssub.s32 s11, s26;
	s11 =	sadd.s32 s1, s15  }
0x12: {  	s28 =	sadd.s32 s13, s17;
	s26 =	simm.s32 $0x6680;
	s9 =	sshrl.u32 s9, $0x3  }
0x13: {  	s29 =	sshrl.u32 s28, $0x3;
	s15 =	smax.u32 s16, $0x1;
	s16 =	sshrl.u32 s18, $0x3  }
0x14: {  	s18 =	sshrl.u32 s20, $0x3;
	s0 =	sadd.s32 s9, s0;
	s9 =	sshll.u32 s6, $0x6  }
0x15: {  	s20 =	simm.s32 $0x4;
	s14 =	sadd.s32 s14, s29;
	s6 =	sor.u32 $0x1C01, s9  }
0x16: {  	v0 =	vmov s23;
	s13 =	sadd.s32 $0x6000, s0;
	s17 =	sor.u32 $0x1C02, s9;
	[dreg:$0xa] =	wrdreg s6  }
.LBB2_1:
0x17: {  	s0 =	rddreg [dreg:$0x7]  }
0x18: {  	s1 =	rddreg [dreg:$0xa]  }
0x19: {  	[spmem:s16], [sflag:s1] =	dma.local [hbm:s0], $0x1F80  }
0x1a: {  	s0 =	rddreg [dreg:$0x8]  }
0x1b: {  	[spmem:s18], [sflag:s17] =	dma.local [hbm:s0], $0x3F0  }
0x1c: {  	s28 =	simm.s32 $0x8E80;
	s0 =	rddreg [dreg:$0x9]  }
0x1d: {  	[tilespmem:s28], [sflag:$0x4] =	stream.linear.gather [hbm4b:s0+s4], $0x500, $0x38;
	[tilespmem:$0x1AF00] =	vst v63  }
0x1e: {  	_ =	swait.ge [sflag:s20], $0x500  }
0x1f: {  	[sflag:s20] =	ssyncset.done $0x0  }
0x20: {  	[sflag:s20] =	ssyncadd.s32 $0xFFFFFB00  }
0x21: {  	_ =	swait.ge [sflag:s21], $0x1F80  }
0x22: {  	[sflag:s21] =	ssyncset.done $0x0  }
0x23: {  	[sflag:s21] =	ssyncadd.s32 $0xFFFFE080  }
0x24: {  	_ =	swait.ge [sflag:s22], $0x3F0  }
0x25: {  	[sflag:s22] =	ssyncset.done $0x0  }
0x26: {  	[sflag:s22] =	ssyncadd.s32 $0xFFFFFC10  }
0x27: {  	[bflag:$0x0] =	sbarrier.arrive $0xFFFF  }
0x28: {  	[tilespmem:s4], [sflag:$0x1] =	stream.linear.gather [hbm4b:s11+s4], $0x1F40, $0x38;
	[tilespmem:$0x1AF00] =	vst v63  }
0x29: {  	s29 =	simm.s32 $0x1F40  }
0x2a: {  	[tilespmem:s29], [sflag:$0x2] =	stream.linear.gather [hbm4b:s12+s4], $0x1F40, $0x38;
	[tilespmem:$0x1AF00] =	vst v63  }
0x2b: {  	_ =	swait.ge [sflag:s22], $0x1F40  }
0x2c: {  	[sflag:s22] =	ssyncset.done $0x0  }
0x2d: {  	[sflag:s22] =	ssyncadd.s32 $0xFFFFE0C0  }
0x2e: {  	_ =	swait.ge [sflag:s21], $0x1F40  }
0x2f: {  	[sflag:s21] =	ssyncset.done $0x0  }
0x30: {  	s0 =	simm.s32 $0x0;
	[sflag:s21] =	ssyncadd.s32 $0xFFFFE0C0  }
0x31: {  	v4 =	vld [tilespmem:s0+$0x0]  }
0x32: {  	v3 =	vld [tilespmem:s0+$0x10]  }
0x33: {  	v2 =	vld [tilespmem:s0+$0x20]  }
0x34: {  	s1 =	simm.s32 $0x140;
	v1 =	vld [tilespmem:s0+$0x30]  }
.LBB2_2:
0x35: {  	p1 =	sne.s32 s1, $0x7BC0;
	v5 =	vld [tilespmem:s0+$0x40]  }
0x36: {  	v4 =	vadd.s32 v0, v4  }
.Ltmp0:
0x37: {  	s19 =	sshra.s32 s1, $0x2;
	[tilespmem:s0+$0x0] =	vst v4;
	v3 =	vadd.s32 v0, v3;
	(pc) =	sbr.rel @p1 .LBB2_2-.Ltmp0, $4  }
0x38: {  	v4 =	vld [tilespmem:s19+$0x0];
	[tilespmem:s0+$0x10] =	vst v3;
	v2 =	vadd.s32 v0, v2  }
0x39: {  	v3 =	vld [tilespmem:s19+$0x10];
	[tilespmem:s0+$0x20] =	vst v2;
	v1 =	vadd.s32 v0, v1  }
0x3a: {  	v2 =	vld [tilespmem:s19+$0x20];
	[tilespmem:s0+$0x30] =	vst v1;
	v5 =	vadd.s32 v0, v5  }
0x3b: {  	s1 =	sadd.s32 $0x140, s1;
	v1 =	vld [tilespmem:s19+$0x30];
	[tilespmem:s0+$0x40] =	vst v5;
	s0 =	smov.u32 s19  }
0x3c: {  	v5 =	vld [tilespmem:s0+$0x40]  }
0x3d: {  	v4 =	vadd.s32 v0, v4  }
0x3e: {  	[tilespmem:s0+$0x0] =	vst v4;
	v3 =	vadd.s32 v0, v3  }
0x3f: {  	[tilespmem:s0+$0x10] =	vst v3;
	v2 =	vadd.s32 v0, v2  }
0x40: {  	[tilespmem:s0+$0x20] =	vst v2;
	v1 =	vadd.s32 v0, v1  }
0x41: {  	[tilespmem:s0+$0x30] =	vst v1;
	v1 =	vadd.s32 v0, v5  }
0x42: {  	s7 =	simm.s32 $0x0;
	s1 =	simm.s32 $0x3E80;
	[tilespmem:s0+$0x40] =	vst v1  }
0x43: {  	[tilespmem:s1], [sflag:$0x1] =	stream.indirect.gather [hbm4b:s5+s24], $0x80, s7, s24, $0xb8;
	[tilespmem:$0x1AF00] =	vst v63  }
0x44: {  	p1 =	por $0x0, $0x0;
	s0 =	simm.s32 $0x1;
	s1 =	simm.s32 $0x1  }
0x45: {  	s0 =	simm.s32 @!p0 $0x0;
	s1 =	simm.s32 @!p1 $0x0  }
0x46: {  	s8 =	simm.s32 $0x50;
	p1 =	seq.s32 s0, s1  }
0x47: {  	[tilespmem:s26], [sflag:$0x2] =	stream.indirect.gather [hbm4b:s5+s24], $0x80, s8, s24, $0xb8;
	[tilespmem:$0x1AF00] =	vst v63  }
0x48: {  	s19 =	simm.s32 @p1 $0x1  }
0x49: {  	_ =	swait.ge @p1 [sflag:s19], $0x2800  }
0x4a: {  	s1 =	simm.s32 $0x1F40;
	s23 =	simm.s32 @p1 $0x50;
	[sflag:s19] =	ssyncset.done @p1 $0x0  }
0x4b: {  	s25 =	simm.s32 @p1 $0x3E80;
	[sflag:s19] =	ssyncadd.s32 @p1 $0xFFFFD800;
	s19 =	simm.s32 @p1 $0x4  }
0x4c: {  	[spmem:s2] =	stream.indirect.scatter.add.f32 @p1 [tilespmem:s25], [sflag:$0x4], $0x80, s1, s23, $0xb8;
	[tilespmem:$0x1AF00] =	vst v63  }
0x4d: {  	_ =	swait.ge @p1 [sflag:s19], $0x2800  }
0x4e: {  	[sflag:s19] =	ssyncset.done @p1 $0x0  }
0x4f: {  	s28 =	simm.s32 $0xA0;
	[sflag:s19] =	ssyncadd.s32 @p1 $0xFFFFD800  }
0x50: {  	[tilespmem:s25], [sflag:$0x1] =	stream.indirect.gather @p1 [hbm4b:s5+s23], $0x80, s28, s23, $0xb8;
	[tilespmem:$0x1AF00] =	vst v63  }
0x51: {  	s19 =	simm.s32 @!p1 $0x50;
	s23 =	simm.s32 @!p1 $0x8E80;
	s25 =	simm.s32 @!p1 $0x1  }
0x52: {  	[spmem:s3] =	stream.indirect.scatter.add.f32 @!p1 [tilespmem:s23], [sflag:$0x3], $0x10, s1, s19, $0xb8;
	[tilespmem:$0x1AF00] =	vst v63  }
0x53: {  	_ =	swait.ge @!p1 [sflag:s25], $0x2800  }
0x54: {  	[sflag:s25] =	ssyncset.done @!p1 $0x0  }
0x55: {  	s29 =	simm.s32 @!p1 $0x3E80;
	[sflag:s25] =	ssyncadd.s32 @!p1 $0xFFFFD800;
	s25 =	simm.s32 @!p1 $0x4  }
0x56: {  	[spmem:s2] =	stream.indirect.scatter.add.f32 @!p1 [tilespmem:s29], [sflag:$0x4], $0x80, s1, s19, $0xb8;
	[tilespmem:$0x1AF00] =	vst v63  }
0x57: {  	_ =	swait.ge @!p1 [sflag:s25], $0x2800  }
0x58: {  	[sflag:s25] =	ssyncset.done @!p1 $0x0  }
0x59: {  	[sflag:s25] =	ssyncadd.s32 @!p1 $0xFFFFD800  }
0x5a: {  	[tilespmem:s29], [sflag:$0x1] =	stream.indirect.gather @!p1 [hbm4b:s5+s19], $0x80, s28, s19, $0xb8;
	[tilespmem:$0x1AF00] =	vst v63  }
0x5b: {  	s10 =	simm.s32 $0x1F90;
	s1 =	simm.s32 @!p1 $0x1F90  }
0x5c: {  	[spmem:s3] =	stream.indirect.scatter.add.f32 @!p1 [tilespmem:s23], [sflag:$0x3], $0x10, s1, s19, $0xb8;
	[tilespmem:$0x1AF00] =	vst v63  }
0x5d: {  	s25 =	simm.s32 $0x2;
	s29 =	simm.s32 $0x1;
	_ =	swait.ge [sflag:s22], $0x2800  }
0x5e: {  	s28 =	simm.s32 $0x1E0;
	s1 =	simm.s32 $0x140;
	[sflag:s22] =	ssyncset.done $0x0  }
0x5f: {  	s23 =	simm.s32 $0xF0;
	p1 =	por $0x0, $0x0;
	[sflag:s22] =	ssyncadd.s32 $0xFFFFD800  }
0x60: {  	[spmem:s2] =	stream.indirect.scatter.add.f32 [tilespmem:s26], [sflag:$0x4], $0x80, s10, s24, $0xb8;
	[tilespmem:$0x1AF00] =	vst v63  }
0x61: {  	s19 =	simm.s32 $0x1FE0;
	s29 =	simm.s32 @!p1 $0x0;
	_ =	swait.ge [sflag:s20], $0x2800  }
.LBB2_4:
0x62: {  	s6 =	sadd.s32 $0xFFFFFFB0, s28  }
0x63: {  	p2 =	seq.s32 s0, s29;
	[sflag:s20] =	ssyncset.done $0x0;
	s29 =	smov.u32 s25  }
0x64: {  	s25 =	sadd.s32 $0x1, s25;
	s7 =	simm.s32 @p2 $0x1;
	[sflag:s20] =	ssyncadd.s32 $0xFFFFD800  }
0x65: {  	[tilespmem:s26], [sflag:$0x2] =	stream.indirect.gather [hbm4b:s5+s24], $0x80, s23, s24, $0xb8;
	[tilespmem:$0x1AF00] =	vst v63  }
0x66: {  	p1 =	sne.s32 s25, $0x31;
	s23 =	smov.u32 s6;
	_ =	swait.ge @p2 [sflag:s7], $0x2800  }
0x67: {  	s8 =	simm.s32 @p2 $0x3E80;
	s6 =	simm.s32 @p2 $0x50;
	[sflag:s7] =	ssyncset.done @p2 $0x0  }
0x68: {  	[sflag:s7] =	ssyncadd.s32 @p2 $0xFFFFD800;
	s7 =	simm.s32 @p2 $0x4  }
0x69: {  	[spmem:s2] =	stream.indirect.scatter.add.f32 @p2 [tilespmem:s8], [sflag:$0x4], $0x80, s19, s6, $0xb8;
	[tilespmem:$0x1AF00] =	vst v63  }
0x6a: {  	_ =	swait.ge @p2 [sflag:s7], $0x2800  }
0x6b: {  	[sflag:s7] =	ssyncset.done @p2 $0x0  }
0x6c: {  	s10 =	simm.s32 @!p2 $0x8E80;
	[sflag:s7] =	ssyncadd.s32 @p2 $0xFFFFD800;
	s7 =	simm.s32 @!p2 $0x50  }
0x6d: {  	[tilespmem:s8], [sflag:$0x1] =	stream.indirect.gather @p2 [hbm4b:s5+s6], $0x80, s1, s6, $0xb8;
	[tilespmem:$0x1AF00] =	vst v63  }
0x6e: {  	s6 =	simm.s32 @!p2 $0x1  }
0x6f: {  	[spmem:s3] =	stream.indirect.scatter.add.f32 @!p2 [tilespmem:s10], [sflag:$0x3], $0x10, s19, s7, $0xb8;
	[tilespmem:$0x1AF00] =	vst v63  }
0x70: {  	_ =	swait.ge @!p2 [sflag:s6], $0x2800  }
0x71: {  	s8 =	simm.s32 @!p2 $0x3E80;
	[sflag:s6] =	ssyncset.done @!p2 $0x0  }
0x72: {  	[sflag:s6] =	ssyncadd.s32 @!p2 $0xFFFFD800;
	s6 =	simm.s32 @!p2 $0x4  }
0x73: {  	[spmem:s2] =	stream.indirect.scatter.add.f32 @!p2 [tilespmem:s8], [sflag:$0x4], $0x80, s19, s7, $0xb8;
	[tilespmem:$0x1AF00] =	vst v63  }
0x74: {  	_ =	swait.ge @!p2 [sflag:s6], $0x2800  }
0x75: {  	[sflag:s6] =	ssyncset.done @!p2 $0x0  }
0x76: {  	[sflag:s6] =	ssyncadd.s32 @!p2 $0xFFFFD800;
	s6 =	sadd.s32 @!p2 $0x50, s19  }
0x77: {  	[tilespmem:s8], [sflag:$0x1] =	stream.indirect.gather @!p2 [hbm4b:s5+s7], $0x80, s1, s7, $0xb8;
	[tilespmem:$0x1AF00] =	vst v63  }
0x78: {  	s1 =	smov.u32 s28  }
0x79: {  	[spmem:s3] =	stream.indirect.scatter.add.f32 @!p2 [tilespmem:s10], [sflag:$0x3], $0x10, s6, s7, $0xb8;
	[tilespmem:$0x1AF00] =	vst v63  }
.Ltmp1:
0x7a: {  	_ =	swait.ge [sflag:s22], $0x2800;
	(pc) =	sbr.rel @p1 .LBB2_4-.Ltmp1, $4  }
0x7b: {  	s6 =	sadd.s32 $0x50, s19;
	s19 =	sadd.s32 $0xA0, s19;
	[sflag:s22] =	ssyncset.done $0x0  }
0x7c: {  	p2 =	sgt.u32 s29, $0x18;
	s29 =	simm.s32 $0x1;
	[sflag:s22] =	ssyncadd.s32 $0xFFFFD800  }
0x7d: {  	[spmem:s2] =	stream.indirect.scatter.add.f32 [tilespmem:s26], [sflag:$0x4], $0x80, s6, s24, $0xb8;
	[tilespmem:$0x1AF00] =	vst v63  }
0x7e: {  	s28 =	sadd.s32 $0xA0, s28;
	s29 =	simm.s32 @!p2 $0x0;
	_ =	swait.ge [sflag:s20], $0x2800  }
0x7f: {  	p1 =	seq.s32 s0, s29;
	[sflag:s20] =	ssyncset.done $0x0  }
0x80: {  	s0 =	simm.s32 @p1 $0x1;
	[sflag:s20] =	ssyncadd.s32 $0xFFFFD800  }
0x81: {  	[tilespmem:s26], [sflag:$0x2] =	stream.indirect.gather [hbm4b:s5+s24], $0x80, s23, s24, $0xb8;
	[tilespmem:$0x1AF00] =	vst v63  }
0x82: {  	_ =	swait.ge @p1 [sflag:s0], $0x2800  }
0x83: {  	s6 =	simm.s32 @p1 $0x50;
	[sflag:s0] =	ssyncset.done @p1 $0x0  }
0x84: {  	s7 =	simm.s32 @p1 $0x3E80;
	[sflag:s0] =	ssyncadd.s32 @p1 $0xFFFFD800;
	s0 =	simm.s32 @p1 $0x4  }
0x85: {  	[spmem:s2] =	stream.indirect.scatter.add.f32 @p1 [tilespmem:s7], [sflag:$0x4], $0x80, s19, s6, $0xb8;
	[tilespmem:$0x1AF00] =	vst v63  }
0x86: {  	_ =	swait.ge @p1 [sflag:s0], $0x2800  }
0x87: {  	[sflag:s0] =	ssyncset.done @p1 $0x0  }
0x88: {  	[sflag:s0] =	ssyncadd.s32 @p1 $0xFFFFD800  }
0x89: {  	[tilespmem:s7], [sflag:$0x1] =	stream.indirect.gather @p1 [hbm4b:s5+s6], $0x80, s1, s6, $0xb8;
	[tilespmem:$0x1AF00] =	vst v63  }
0x8a: {  	s0 =	simm.s32 @!p1 $0x50;
	s6 =	simm.s32 @!p1 $0x8E80;
	s7 =	simm.s32 @!p1 $0x1  }
0x8b: {  	[spmem:s3] =	stream.indirect.scatter.add.f32 @!p1 [tilespmem:s6], [sflag:$0x3], $0x10, s19, s0, $0xb8;
	[tilespmem:$0x1AF00] =	vst v63  }
0x8c: {  	_ =	swait.ge @!p1 [sflag:s7], $0x2800  }
0x8d: {  	[sflag:s7] =	ssyncset.done @!p1 $0x0  }
0x8e: {  	s8 =	simm.s32 @!p1 $0x3E80;
	[sflag:s7] =	ssyncadd.s32 @!p1 $0xFFFFD800;
	s7 =	simm.s32 @!p1 $0x4  }
0x8f: {  	[spmem:s2] =	stream.indirect.scatter.add.f32 @!p1 [tilespmem:s8], [sflag:$0x4], $0x80, s19, s0, $0xb8;
	[tilespmem:$0x1AF00] =	vst v63  }
0x90: {  	_ =	swait.ge @!p1 [sflag:s7], $0x2800  }
0x91: {  	[sflag:s7] =	ssyncset.done @!p1 $0x0  }
0x92: {  	[sflag:s7] =	ssyncadd.s32 @!p1 $0xFFFFD800  }
0x93: {  	[tilespmem:s8], [sflag:$0x1] =	stream.indirect.gather @!p1 [hbm4b:s5+s0], $0x80, s1, s0, $0xb8;
	[tilespmem:$0x1AF00] =	vst v63  }
0x94: {  	s1 =	sadd.s32 @!p1 $0x50, s19  }
0x95: {  	[spmem:s3] =	stream.indirect.scatter.add.f32 @!p1 [tilespmem:s6], [sflag:$0x3], $0x10, s1, s0, $0xb8;
	[tilespmem:$0x1AF00] =	vst v63  }
0x96: {  	_ =	swait.ge [sflag:s22], $0x2800  }
0x97: {  	[sflag:s22] =	ssyncset.done $0x0  }
0x98: {  	s25 =	sadd.s32 $0x50, s19;
	[sflag:s22] =	ssyncadd.s32 $0xFFFFD800  }
0x99: {  	[spmem:s2] =	stream.indirect.scatter.add.f32 [tilespmem:s26], [sflag:$0x4], $0x80, s25, s24, $0xb8;
	[tilespmem:$0x1AF00] =	vst v63  }
0x9a: {  	_ =	swait.ge [sflag:s20], $0x2800  }
0x9b: {  	[sflag:s20] =	ssyncset.done $0x0  }
0x9c: {  	s28 =	simm.s32 $0x1EF0;
	s0 =	simm.s32 @p0 $0x1;
	[sflag:s20] =	ssyncadd.s32 $0xFFFFD800  }
0x9d: {  	[tilespmem:s26], [sflag:$0x2] =	stream.indirect.gather [hbm4b:s5+s24], $0x80, s28, s24, $0xb8;
	[tilespmem:$0x1AF00] =	vst v63  }
0x9e: {  	_ =	swait.ge @p0 [sflag:s0], $0x2800  }
0x9f: {  	s1 =	simm.s32 @p0 $0x3DE0;
	[sflag:s0] =	ssyncset.done @p0 $0x0  }
0xa0: {  	s6 =	simm.s32 @p0 $0x3E80;
	[sflag:s0] =	ssyncadd.s32 @p0 $0xFFFFD800;
	s0 =	simm.s32 @p0 $0x50  }
0xa1: {  	[spmem:s2] =	stream.indirect.scatter.add.f32 @p0 [tilespmem:s6], [sflag:$0x4], $0x80, s1, s0, $0xb8;
	[tilespmem:$0x1AF00] =	vst v63  }
0xa2: {  	s0 =	simm.s32 @p0 $0x4  }
0xa3: {  	_ =	swait.ge @p0 [sflag:s0], $0x2800  }
0xa4: {  	s7 =	simm.s32 @!p0 $0x1;
	s1 =	simm.s32 @!p0 $0x3DE0;
	[sflag:s0] =	ssyncset.done @p0 $0x0  }
0xa5: {  	s6 =	simm.s32 @!p0 $0x8E80;
	[sflag:s0] =	ssyncadd.s32 @p0 $0xFFFFD800;
	s0 =	simm.s32 @!p0 $0x50  }
0xa6: {  	[spmem:s3] =	stream.indirect.scatter.add.f32 @!p0 [tilespmem:s6], [sflag:$0x3], $0x10, s1, s0, $0xb8;
	[tilespmem:$0x1AF00] =	vst v63  }
0xa7: {  	_ =	swait.ge @!p0 [sflag:s7], $0x2800  }
0xa8: {  	[sflag:s7] =	ssyncset.done @!p0 $0x0  }
0xa9: {  	[sflag:s7] =	ssyncadd.s32 @!p0 $0xFFFFD800;
	s7 =	simm.s32 @!p0 $0x3E80  }
0xaa: {  	[spmem:s2] =	stream.indirect.scatter.add.f32 @!p0 [tilespmem:s7], [sflag:$0x4], $0x80, s1, s0, $0xb8;
	[tilespmem:$0x1AF00] =	vst v63  }
0xab: {  	s1 =	simm.s32 @!p0 $0x4  }
0xac: {  	_ =	swait.ge @!p0 [sflag:s1], $0x2800  }
0xad: {  	[sflag:s1] =	ssyncset.done @!p0 $0x0  }
0xae: {  	[sflag:s1] =	ssyncadd.s32 @!p0 $0xFFFFD800;
	s1 =	simm.s32 @!p0 $0x3E30  }
0xaf: {  	[spmem:s3] =	stream.indirect.scatter.add.f32 @!p0 [tilespmem:s6], [sflag:$0x3], $0x10, s1, s0, $0xb8;
	[tilespmem:$0x1AF00] =	vst v63  }
0xb0: {  	_ =	swait.ge [sflag:s22], $0x2800  }
0xb1: {  	[sflag:s22] =	ssyncset.done $0x0  }
0xb2: {  	s29 =	simm.s32 $0x3E30;
	[sflag:s22] =	ssyncadd.s32 $0xFFFFD800  }
0xb3: {  	[spmem:s2] =	stream.indirect.scatter.add.f32 [tilespmem:s26], [sflag:$0x4], $0x80, s29, s24, $0xb8;
	[tilespmem:$0x1AF00] =	vst v63  }
0xb4: {  	_ =	swait.ge [sflag:s20], $0x2800  }
0xb5: {  	[sflag:s20] =	ssyncset.done $0x0  }
0xb6: {  	[sflag:s20] =	ssyncadd.s32 $0xFFFFD800  }
0xb7: {  	_ =	swait.ge [sflag:s30], $0x500  }
0xb8: {  	s0 =	simm.s32 $0x31;
	[sflag:s30] =	ssyncset.done $0x0  }
.LBB2_6:
0xb9: {  	p1 =	sne.s32 s0, $0x1;
	s0 =	sadd.s32 $0xFFFFFFFF, s0;
	[sflag:s30] =	ssyncadd.s32 $0xFFFFFB00  }
.Ltmp2:
0xba: {  	(pc) =	sbr.rel @p1 .LBB2_6-.Ltmp2, $3  }
0xbb: {  	_ =	sdelay $0x1  }
0xbc: {  	_ =	swait.ge [sflag:s30], $0x500  }
0xbd: {  	[sflag:s30] =	ssyncset.done $0x0  }
0xbe: {  	[sflag:s30] =	ssyncadd.s32 $0xFFFFFB00  }
0xbf: {  	s0 =	sor.u32 $0x1C04, s9;
	[bflag:$0x0] =	sbarrier.arrive $0xFFFF  }
0xc0: {  	[hbm:s13], [sflag:s0] =	dma.local [spmem:s16], $0x1F80  }
0xc1: {  	s31 =	sadd.s32 $0x1, s31;
	_ =	swait.ge [sflag:s20], $0x1F80  }
0xc2: {  	p1 =	sne.s32 s31, s15;
	[sflag:s20] =	ssyncset.done $0x0  }
.Ltmp3:
0xc3: {  	[sflag:s20] =	ssyncadd.s32 $0xFFFFE080;
	(pc) =	sbr.rel @p1 .LBB2_1-.Ltmp3, $4  }
0xc4: {  	[hbm:s14], [sflag:s0] =	dma.local [spmem:s18], $0x3F0  }
0xc5: {  	_ =	swait.ge [sflag:s20], $0x3F0  }
0xc6: {  	[sflag:s20] =	ssyncset.done $0x0  }
0xc7: {  	[sflag:s20] =	ssyncadd.s32 $0xFFFFFC10  }
0xc8: {  	_ =	sfence.sel $0x180000  }
0xc9: {  	[bflag:$0x0] =	sbarrier.arrive $0xFFFF  }
0xca: {  	_ =	strace $0x9000004A  }
0xcb: {  	s0 =	stileid.u32;
	[bflag:$0x2] =	sbarrier.arrive $0xFFFF  }
0xcc: {  	p0 =	sne.s32 s0, $0x0;
	s0 =	rddreg [dreg:$0x6]  }
0xcd: {  	s0 =	sadd.s32 @!p0 $0x100000, s0  }
0xce: {  	[sflag:s0] =	ssyncadd.tile.s32 @!p0 $0x1;
	_ =	shalt  }
.Lfunc_end2:
_tile_overlayer_lowered:
.L_overlay_start_2:
0xcf: {  	(tag) =	ssettag $0x2  }
0xd0: {  	s0 =	rddreg [dreg:$0x0];
	s2 =	stileid.u32  }
0xd1: {  	s1 =	rddreg [dreg:$0x1];
	p0 =	sne.s32 s2, $0x0  }
0xd2: {  	s3 =	rddreg [dreg:$0x2];
	[bflag:$0x3] =	sbarrier.arrive $0xFFFF;
	s2 =	simm.s32 @!p0 $0x1C04  }
0xd3: {  	[timem:s3], [sflag:s2] =	dma.local @!p0 [hbm:s0], s1  }
0xd4: {  	s0 =	simm.s32 @!p0 $0x4  }
0xd5: {  	_ =	swait.ge @!p0 [sflag:s0], s1  }
0xd6: {  	s1 =	ssub.s32 @!p0 $0x0, s1;
	[sflag:s0] =	ssyncset.done @!p0 $0x0  }
0xd7: {  	[sflag:s0] =	ssyncadd.s32 @!p0 s1  }
0xd8: {  	[bflag:$0x3] =	sbarrier.arrive $0xFFFF  }
0xd9: {  	_ =	shalt  }

// kernel: kernel.14.cloned.1.call-start
scs
__scs_entry_jumppad:
0x0: {  	(pc) =	sbr.rel $0x88, $3  }
0x1: {  	(tag) =	ssettag $0x0;
	lr =	simm.s32 $0x1  }
0x2: {  	[smem:$0x3F8E] =	sst lr;
	_ =	strace $0xD0000000  }
0x3: {  	_ = 	snop  }
0x4: {  	_ = 	snop  }
0x5: {  	_ = 	snop  }
0x6: {  	_ = 	snop  }
0x7: {  	_ = 	snop  }
__scs_overlays_trampoline_lowered:
0x8: {  	[smem:$0x3F9D] =	sst s0  }
0x9: {  	[smem:$0x3F9E] =	sst s1  }
0xa: {  	[smem:$0x3F9F] =	sst s2  }
0xb: {  	[smem:$0x3FA0] =	sst s3  }
0xc: {  	[smem:$0x3FA1] =	sst s4  }
0xd: {  	[smem:$0x3FA2] =	sst s5  }
0xe: {  	[smem:$0x3FA3] =	sst s6  }
0xf: {  	[smem:$0x3FA4] =	sst s7  }
0x10: {  	[smem:$0x3FA5] =	sst s8  }
0x11: {  	[smem:$0x3FA6] =	sst s9;
	s0 =	simm.s32 @!p0 $0x0  }
0x12: {  	s1 =	sld [smem:$0x3F8C];
	s0 =	simm.s32 @p0 $0x1  }
0x13: {  	[smem:$0x3FA7] =	sst s0;
	s0 =	simm.s32 @!p1 $0x0  }
0x14: {  	s2 =	sld [smem:$0x3F8B];
	s0 =	simm.s32 @p1 $0x1  }
0x15: {  	[smem:$0x3FA8] =	sst s0;
	s0 =	simm.s32 @!p2 $0x0  }
0x16: {  	s3 =	sld [smem:$0x3FDB];
	s0 =	simm.s32 @p2 $0x1  }
0x17: {  	s4 =	simm.s32 $0x1BF5;
	[smem:$0x3FAA] =	sst s0  }
0x18: {  	s0 =	sld [smem:$0x3F8D];
	_ =	swait.ge [sflag:s4], $0x0  }
0x19: {  	s7 =	sld [smem:$0x3F8E]  }
0x1a: {  	s8 =	sadd.s32 $0xFFFFE003, lr  }
0x1b: {  	s9 =	sadd.s32 $0xFFFFFEF7, lr;
	s5 =	simm.s32 $0xFFFFFFFF;
	p2 =	slt.u32 s8, $0xFFFFF086  }
0x1c: {  	p1 =	slt.u32 s9, $0xF7A;
	s5 =	simm.s32 @!p2 $0x0  }
0x1d: {  	s5 =	simm.s32 @p1 $0x1;
	p0 =	seq.s32 s7, s2  }
0x1e: {  	s7 =	smul.u32 @!p0 $0xF7A, s2;
	p2 =	seq.s32 @!p0 s5, $0x0  }
0x1f: {  	s9 =	smul.u32 $0xF7A, s1;
	s8 =	simm.s32 @!p0 $0x1BF5;
	p2 =	por !p2, p0  }
0x20: {  	[sflag:s8] =	ssyncset.s32 @!p0 $0xFFFFF086;
	s6 =	sadd.s32 @!p0 s3, s7;
	s7 =	simm.s32 @!p0 $0x108  }
0x21: {  	s3 =	sadd.s32 s3, s9;
	s6 =	sadd.s32 @!p0 $0x88, s6;
	s7 =	simm.s32 @p2 $0x1082  }
0x22: {  	[simem:s7], [sflag:s8] =	dma.local @!p0 [hbm:s6], $0xF7A  }
0x23: {  	s9 =	sor.u32 $0xD0000000, s2;
	s6 =	simm.s32 $0x108;
	_ =	swait.ge @!p0 [sflag:s8], $0x0  }
0x24: {  	s3 =	sadd.s32 $0x88, s3;
	s6 =	simm.s32 @!p1 $0x1082;
	[sflag:s4] =	ssyncset.s32 $0xFFFFF086  }
0x25: {  	[simem:s6], [sflag:s4] =	dma.local [hbm:s3], $0xF7A  }
0x26: {  	[smem:$0x3F8E] =	sst s1;
	(tag) =	ssettag s2;
	_ =	strace s9  }
0x27: {  	s1 =	sld [smem:$0x3F9E]  }
0x28: {  	s2 =	sld [smem:$0x3F9F]  }
0x29: {  	s4 =	sld [smem:$0x3FA1]  }
0x2a: {  	p0 =	seq.s32 s5, $0x0;
	s5 =	sld [smem:$0x3FA2]  }
0x2b: {  	s6 =	sld [smem:$0x3FA3]  }
0x2c: {  	s7 =	sld [smem:$0x3FA4]  }
0x2d: {  	s3 =	simm.s32 $0x108;
	s8 =	sld [smem:$0x3FA5]  }
0x2e: {  	s3 =	simm.s32 @!p0 $0x1082;
	s9 =	sld [smem:$0x3FA6]  }
0x2f: {  	lr =	sadd.s32 s0, s3;
	s0 =	sld [smem:$0x3F9D]  }
0x30: {  	s3 =	sld [smem:$0x3FA0]  }
0x31: {  	[smem:$0x3FA9] =	sst s10  }
0x32: {  	s10 =	sld [smem:$0x3FA7];
	_ =	sdelay $0x3  }
0x33: {  	p0 =	seq.s32 s10, $0x1;
	s10 =	sld [smem:$0x3FA9];
	_ =	sdelay $0x3  }
0x34: {  	[smem:$0x3FA9] =	sst s10  }
0x35: {  	s10 =	sld [smem:$0x3FA8];
	_ =	sdelay $0x3  }
0x36: {  	p1 =	seq.s32 s10, $0x1;
	s10 =	sld [smem:$0x3FA9];
	_ =	sdelay $0x3  }
0x37: {  	[smem:$0x3FA9] =	sst s10  }
0x38: {  	s10 =	sld [smem:$0x3FAA]  }
0x39: {  	_ = 	snop;
	(pc) =	sbr.ind lr, $3  }
0x3a: {  	_ = 	snop  }
0x3b: {  	_ = 	snop  }
0x3c: {  	p2 =	seq.s32 s10, $0x1;
	s10 =	sld [smem:$0x3FA9]  }
0x3d: {  	_ =	shalt  }
0x3e: {  	_ =	shalt  }
0x3f: {  	_ =	shalt  }
0x40: {  	_ =	shalt  }
0x41: {  	_ =	shalt  }
0x42: {  	_ =	shalt  }
0x43: {  	_ =	shalt  }
0x44: {  	_ =	shalt  }
0x45: {  	_ =	shalt  }
0x46: {  	_ =	shalt  }
0x47: {  	_ =	shalt  }
0x48: {  	_ =	shalt  }
0x49: {  	_ =	shalt  }
0x4a: {  	_ =	shalt  }
0x4b: {  	_ =	shalt  }
0x4c: {  	_ =	shalt  }
0x4d: {  	_ =	shalt  }
0x4e: {  	_ =	shalt  }
0x4f: {  	_ =	shalt  }
0x50: {  	_ =	shalt  }
0x51: {  	_ =	shalt  }
0x52: {  	_ =	shalt  }
0x53: {  	_ =	shalt  }
0x54: {  	_ =	shalt  }
0x55: {  	_ =	shalt  }
0x56: {  	_ =	shalt  }
0x57: {  	_ =	shalt  }
0x58: {  	_ =	shalt  }
0x59: {  	_ =	shalt  }
0x5a: {  	_ =	shalt  }
0x5b: {  	_ =	shalt  }
0x5c: {  	_ =	shalt  }
0x5d: {  	_ =	shalt  }
0x5e: {  	_ =	shalt  }
0x5f: {  	_ =	shalt  }
0x60: {  	_ =	shalt  }
0x61: {  	_ =	shalt  }
0x62: {  	_ =	shalt  }
0x63: {  	_ =	shalt  }
0x64: {  	_ =	shalt  }
0x65: {  	_ =	shalt  }
0x66: {  	_ =	shalt  }
0x67: {  	_ =	shalt  }
0x68: {  	_ =	shalt  }
0x69: {  	_ =	shalt  }
0x6a: {  	_ =	shalt  }
0x6b: {  	_ =	shalt  }
0x6c: {  	_ =	shalt  }
0x6d: {  	_ =	shalt  }
0x6e: {  	_ =	shalt  }
0x6f: {  	_ =	shalt  }
0x70: {  	_ =	shalt  }
0x71: {  	_ =	shalt  }
0x72: {  	_ =	shalt  }
0x73: {  	_ =	shalt  }
0x74: {  	_ =	shalt  }
0x75: {  	_ =	shalt  }
0x76: {  	_ =	shalt  }
0x77: {  	_ =	shalt  }
0x78: {  	_ =	shalt  }
0x79: {  	_ =	shalt  }
0x7a: {  	_ =	shalt  }
0x7b: {  	_ =	shalt  }
0x7c: {  	_ =	shalt  }
0x7d: {  	_ =	shalt  }
0x7e: {  	_ =	shalt  }
0x7f: {  	_ =	shalt  }
0x80: {  	_ =	shalt  }
0x81: {  	_ =	shalt  }
0x82: {  	_ =	shalt  }
0x83: {  	_ =	shalt  }
0x84: {  	_ =	shalt  }
0x85: {  	_ =	shalt  }
0x86: {  	_ =	shalt  }
0x87: {  	_ =	shalt  }
.Lfunc_end0:
.L_simem_size_0:
called_computation.2_lowered:
.L_overlay_start_0:
0x88: {  	s2 =	sld [smem:$0x3FD9]  }
0x89: {  	s3 =	sld [smem:$0x3FFE];
	_ =	sdelay $0x1  }
0x8a: {  	s1 =	srdreg.scid  }
0x8b: {  	s0 =	sand.u32 $0x1, s1  }
0x8c: {  	s17 =	sshll.u32 s0, $0xA;
	s2 =	sadd.s32 s3, s2  }
0x8d: {  	s2 =	sadd.s32 s2, s17  }
0x8e: {  	[smem:$0x3FB5] =	sst s2  }
0x8f: {  	_ = 	snop  }
0x90: {  	s2 =	sld [smem:$0x3FC4]  }
0x91: {  	s18 =	sld [smem:$0x3FC3]  }
0x92: {  	s4 =	sld [smem:$0x3FD0];
	(tm) =	ssettm $0x1  }
0x93: {  	s5 =	sld [smem:$0x3FFB];
	_ =	sdelay $0x3  }
0x94: {  	_ =	strace s5  }
0x95: {  	s5 =	sld [smem:$0x3FFC];
	_ =	sdelay $0x3  }
0x96: {  	_ =	strace s5  }
0x97: {  	s5 =	sld [smem:$0x3FFD];
	_ =	sdelay $0x3  }
0x98: {  	_ =	strace s5  }
0x99: {  	_ =	strace $0x8FFFFFFF  }
0x9a: {  	s19 =	sld [smem:$0x3FDB];
	_ =	sdelay $0x1  }
0x9b: {  	s6 =	simm.s32 $_scs_section_size  }
0x9c: {  	s7 =	simm.s32 $_size__tile_overlayer_lowered;
	s8 =	simm.s32 $_tile_overlayer_lowered  }
0x9d: {  	s22 =	simm.s32 $0x1BFF;
	s21 =	sshll.u32 s8, $0x1;
	s5 =	sadd.s32 s6, s19  }
0x9e: {  	s9 =	simm.s32 $0x0;
	s20 =	sshll.u32 s7, $0x1;
	s7 =	sadd.s32 s21, s5  }
0x9f: {  	[timem:s9], [sflag:s22] =	dma.local [hbm:s7], s20  }
0xa0: {  	_ =	swait.ge [sflag:s22], s20  }
0xa1: {  	s6 =	ssub.s32 $0x0, s20;
	[sflag:s22] =	ssyncset.done $0x0  }
0xa2: {  	[sflag:s22] =	ssyncadd.s32 s6;
	_ =	sdelay $0x1  }
0xa3: {  	s23 =	simm.s32 $0x1B8B  }
0xa4: {  	_ =	swait.ge [sflag:s23], $0x1  }
0xa5: {  	[sflag:s23] =	ssyncset.done $0x0  }
0xa6: {  	s25 =	simm.s32 $0x1B8E;
	s24 =	sld [smem:$0x3FFE];
	[sflag:s23] =	ssyncadd.s32 $0xFFFFFFFF  }
0xa7: {  	s26 =	simm.s32 $execute0_lowered;
	[smem:$0x3FD2] =	sst s25  }
0xa8: {  	s7 =	sshll.u32 s26, $0x1;
	_ =	strace $0x8000004C;
	[dreg:$0x1] =	wrdreg $0xFFFFFFFF  }
0xa9: {  	s28 =	simm.s32 $_size_execute0_lowered;
	s5 =	sadd.s32 s5, s7;
	[dreg:$0x0] =	wrdreg $0x0  }
0xaa: {  	s7 =	sshll.u32 s28, $0x1;
	[dreg:$0x2] =	wrdreg s5  }
0xab: {  	[dreg:$0x3] =	wrdreg s7  }
0xac: {  	[dreg:$0x4] =	wrdreg $0xC0  }
0xad: {  	_ =	task [dreg:s9], $0x5FFFF  }
0xae: {  	[dreg:$0x1] =	wrdreg $0xFFFFFFFF  }
0xaf: {  	[dreg:$0x0] =	wrdreg $0x60  }
0xb0: {  	[dreg:$0x2] =	wrdreg s24  }
0xb1: {  	[dreg:$0x3] =	wrdreg s2  }
0xb2: {  	[dreg:$0x4] =	wrdreg s18  }
0xb3: {  	[dreg:$0x5] =	wrdreg s4  }
0xb4: {  	[dreg:$0x6] =	wrdreg $0xA8000  }
0xb5: {  	[dreg:$0x7] =	wrdreg $0x128000  }
0xb6: {  	[dreg:$0x8] =	wrdreg $0x9  }
0xb7: {  	_ =	task.clear_ibuf [dreg:s9], $0x9FFFF;
	_ =	strace $0x9000004C  }
0xb8: {  	s29 =	simm.s32 $0x9;
	_ =	strace $0x8000004E  }
0xb9: {  	_ =	swait.ge [sflag:s29], $0x1  }
0xba: {  	[sflag:s29] =	ssyncadd.s32 $0xFFFFFFFF  }
0xbb: {  	_ =	strace $0x9000004E  }
0xbc: {  	_ =	sfence  }
0xbd: {  	s30 =	sld [smem:$0x0];
	_ =	sdelay $0x2  }
0xbe: {  	s31 =	sshll.u32 s1, $0xD;
	s1 =	sshrl.u32 s1, $0x2  }
0xbf: {  	s3 =	sand.u32 $0x4000, s31;
	s1 =	sadd.s32 s1, s30  }
0xc0: {  	s0 =	sor.u32 s3, s0;
	s1 =	sshll.u32 s1, $0x11  }
0xc1: {  	s0 =	sor.u32 s1, s0  }
0xc2: {  	s0 =	sadd.s32 $0x8F2B, s0  }
0xc3: {  	[sflag:s0] =	ssyncadd.remote.s32 $0x1  }
0xc4: {  	_ =	sfence.sel $0xFFFF  }
0xc5: {  	[dreg:$0x0] =	wrdreg $0xFFFFFFFF;
	(pc) =	sbr.abs _section_cstart, $3  }
0xc6: {  	[dreg:$0x1] =	wrdreg $0xFFFFFFFF  }
0xc7: {  	_ =	task.clear_ibuf [dreg:s9], $0x2FFFF;
	_ =	strace $0x9FFFFFFF  }
0xc8: {  	(tm) =	ssettm $0x7FFFFFFF  }
0xc9: {  	_ =	shalt  }
tec
execute0_lowered:
.L_overlay_start_1:
0x0: {  	(tag) =	ssettag $0x1  }
0x1: {  	s0 =	rddreg [dreg:$0x0]  }
0x2: {  	s4 =	rddreg [dreg:$0x1]  }
0x3: {  	s12 =	rddreg [dreg:$0x2]  }
0x4: {  	s13 =	rddreg [dreg:$0x3]  }
0x5: {  	s1 =	rddreg [dreg:$0x4]  }
0x6: {  	s2 =	rddreg [dreg:$0x5]  }
0x7: {  	s3 =	simm.s32 $0x0;
	s6 =	srdreg.scid;
	s7 =	stileid.u32  }
0x8: {  	s20 =	simm.s32 $0x4;
	s21 =	simm.s32 $0x1;
	s30 =	simm.s32 $0x3  }
0x9: {  	s31 =	simm.s32 $0x0;
	[smem:$0x7FF] =	sst s3;
	s5 =	sadd.s32 $0x3A00, s0  }
0xa: {  	s19 =	sand.u32 $0x1, s6;
	s22 =	sadd.s32 $0x42200, s0;
	s11 =	sshll.u32 s7, $0xC  }
0xb: {  	s23 =	sadd.s32 $0x43200, s0;
	s24 =	sadd.s32 $0x43400, s0;
	s25 =	sshll.u32 s7, $0xF  }
0xc: {  	s29 =	sshll.u32 s7, $0x9;
	_ =	strace $0x8000004D;
	[dreg:$0x7] =	wrdreg s22  }
0xd: {  	s8 =	sshll.u32 s19, $0x10;
	[dreg:$0x8] =	wrdreg s23;
	s10 =	ssub.s32 $0x2, s19  }
0xe: {  	[dreg:$0x9] =	wrdreg s24;
	s16 =	sadd.s32 s25, s1;
	s17 =	sshll.u32 s19, $0x13  }
0xf: {  	s18 =	sadd.s32 s11, s2;
	s23 =	smul.u32 $0x1F40, s19;
	s12 =	sadd.s32 s12, s29  }
0x10: {  	s22 =	simm.s32 $0x2;
	p0 =	seq.s32 s19, $0x0;
	s24 =	simm.s32 $0x80  }
0x11: {  	s9 =	sor.u32 s11, s8;
	s14 =	sshrl.u32 s10, $0x1;
	s28 =	sor.u32 s25, s17  }
0x12: {  	s11 =	sadd.s32 s4, s29;
	s16 =	sshrl.u32 s16, $0x3;
	s18 =	sshrl.u32 s18, $0x3  }
0x13: {  	s9 =	sshrl.u32 s9, $0x3;
	s15 =	ssub.s32 s10, s14;
	s17 =	sshrl.u32 s28, $0x3  }
0x14: {  	s0 =	sadd.s32 s9, s0;
	s9 =	sshll.u32 s7, $0x6;
	s13 =	sadd.s32 s13, s17  }
0x15: {  	s15 =	smax.u32 s15, $0x1;
	s26 =	sor.u32 $0x1C01, s9;
	s14 =	sadd.s32 $0x43600, s0  }
0x16: {  	v0 =	vmov s23;
	s17 =	sor.u32 $0x1C02, s9;
	[dreg:$0xa] =	wrdreg s26;
	s26 =	simm.s32 $0x6000  }
.LBB2_1:
0x17: {  	s0 =	rddreg [dreg:$0x7]  }
0x18: {  	s4 =	rddreg [dreg:$0xa]  }
0x19: {  	[spmem:s16], [sflag:s4] =	dma.local [hbm:s0], $0x1000  }
0x1a: {  	s0 =	rddreg [dreg:$0x8]  }
0x1b: {  	[spmem:s18], [sflag:s17] =	dma.local [hbm:s0], $0x200  }
0x1c: {  	s28 =	simm.s32 $0xA000;
	s0 =	rddreg [dreg:$0x9]  }
0x1d: {  	[tilespmem:s28], [sflag:$0x4] =	stream.linear.gather [hbm4b:s0+s3], $0x800, $0x38;
	[tilespmem:$0x13800] =	vst v63  }
0x1e: {  	_ =	swait.ge [sflag:s20], $0x800  }
0x1f: {  	[sflag:s20] =	ssyncset.done $0x0  }
0x20: {  	[sflag:s20] =	ssyncadd.s32 $0xFFFFF800  }
0x21: {  	_ =	swait.ge [sflag:s21], $0x1000  }
0x22: {  	[sflag:s21] =	ssyncset.done $0x0  }
0x23: {  	[sflag:s21] =	ssyncadd.s32 $0xFFFFF000  }
0x24: {  	_ =	swait.ge [sflag:s22], $0x200  }
0x25: {  	[sflag:s22] =	ssyncset.done $0x0  }
0x26: {  	[sflag:s22] =	ssyncadd.s32 $0xFFFFFE00  }
0x27: {  	[bflag:$0x0] =	sbarrier.arrive $0xFFFF  }
0x28: {  	[tilespmem:s3], [sflag:$0x1] =	stream.linear.gather [hbm4b:s11+s3], $0x1000, $0x38;
	[tilespmem:$0x13800] =	vst v63  }
0x29: {  	s29 =	simm.s32 $0x1000  }
0x2a: {  	[tilespmem:s29], [sflag:$0x2] =	stream.linear.gather [hbm4b:s12+s3], $0x1000, $0x38;
	[tilespmem:$0x13800] =	vst v63  }
0x2b: {  	_ =	swait.ge [sflag:s22], $0x1000  }
0x2c: {  	[sflag:s22] =	ssyncset.done $0x0  }
0x2d: {  	[sflag:s22] =	ssyncadd.s32 $0xFFFFF000  }
0x2e: {  	_ =	swait.ge [sflag:s21], $0x1000  }
0x2f: {  	[sflag:s21] =	ssyncset.done $0x0  }
0x30: {  	s0 =	simm.s32 $0x0;
	[sflag:s21] =	ssyncadd.s32 $0xFFFFF000  }
0x31: {  	v3 =	vld [tilespmem:s0+$0x0]  }
0x32: {  	v5 =	vld [tilespmem:s0+$0x10]  }
0x33: {  	v4 =	vld [tilespmem:s0+$0x20]  }
0x34: {  	v2 =	vld [tilespmem:s0+$0x30]  }
0x35: {  	v1 =	vld [tilespmem:s0+$0x40]  }
0x36: {  	v6 =	vadd.s32 v0, v3;
	v3 =	vld [tilespmem:s0+$0x50]  }
0x37: {  	s4 =	simm.s32 $0x200;
	[tilespmem:s0+$0x0] =	vst v6;
	v6 =	vadd.s32 v0, v5;
	v5 =	vld [tilespmem:s0+$0x60]  }
.LBB2_2:
0x38: {  	s19 =	sshra.s32 s4, $0x2;
	p1 =	sne.s32 s4, $0x3E00;
	[tilespmem:s0+$0x10] =	vst v6;
	v4 =	vadd.s32 v0, v4;
	v6 =	vld [tilespmem:s0+$0x70]  }
0x39: {  	v7 =	vld [tilespmem:s19+$0x0];
	[tilespmem:s0+$0x20] =	vst v4;
	v2 =	vadd.s32 v0, v2  }
0x3a: {  	v8 =	vld [tilespmem:s19+$0x10];
	[tilespmem:s0+$0x30] =	vst v2;
	v1 =	vadd.s32 v0, v1  }
.Ltmp0:
0x3b: {  	v4 =	vld [tilespmem:s19+$0x20];
	[tilespmem:s0+$0x40] =	vst v1;
	v1 =	vadd.s32 v0, v3;
	(pc) =	sbr.rel @p1 .LBB2_2-.Ltmp0, $4  }
0x3c: {  	v2 =	vld [tilespmem:s19+$0x30];
	[tilespmem:s0+$0x50] =	vst v1;
	v3 =	vadd.s32 v0, v5  }
0x3d: {  	v1 =	vld [tilespmem:s19+$0x40];
	[tilespmem:s0+$0x60] =	vst v3;
	v5 =	vadd.s32 v0, v6  }
0x3e: {  	v6 =	vadd.s32 v0, v7;
	v3 =	vld [tilespmem:s19+$0x50];
	[tilespmem:s0+$0x70] =	vst v5;
	s0 =	smov.u32 s19  }
0x3f: {  	s4 =	sadd.s32 $0x200, s4;
	[tilespmem:s0+$0x0] =	vst v6;
	v6 =	vadd.s32 v0, v8;
	v5 =	vld [tilespmem:s0+$0x60]  }
0x40: {  	[tilespmem:s0+$0x10] =	vst v6;
	v4 =	vadd.s32 v0, v4;
	v63 =	vld [tilespmem:s0+$0x70]  }
0x41: {  	[tilespmem:s0+$0x20] =	vst v4;
	v2 =	vadd.s32 v0, v2  }
0x42: {  	[tilespmem:s0+$0x30] =	vst v2;
	v1 =	vadd.s32 v0, v1  }
0x43: {  	[tilespmem:s0+$0x40] =	vst v1;
	v1 =	vadd.s32 v0, v3  }
0x44: {  	[tilespmem:s0+$0x50] =	vst v1;
	v1 =	vadd.s32 v0, v5  }
0x45: {  	[tilespmem:s0+$0x60] =	vst v1;
	v1 =	vadd.s32 v0, v63  }
0x46: {  	s7 =	simm.s32 $0x0;
	s4 =	simm.s32 $0x2000;
	[tilespmem:s0+$0x70] =	vst v1  }
0x47: {  	[tilespmem:s4], [sflag:$0x1] =	stream.indirect.gather [hbm4b:s5+s24], $0x80, s7, s24, $0xb8;
	[tilespmem:$0x13800] =	vst v63  }
0x48: {  	p1 =	por $0x0, $0x0;
	s0 =	simm.s32 $0x1;
	s4 =	simm.s32 $0x1  }
0x49: {  	s0 =	simm.s32 @!p0 $0x0;
	s4 =	simm.s32 @!p1 $0x0  }
0x4a: {  	s8 =	simm.s32 $0x80;
	p1 =	seq.s32 s0, s4  }
0x4b: {  	[tilespmem:s26], [sflag:$0x2] =	stream.indirect.gather [hbm4b:s5+s24], $0x80, s8, s24, $0xb8;
	[tilespmem:$0x13800] =	vst v63  }
0x4c: {  	s19 =	simm.s32 @p1 $0x1  }
0x4d: {  	_ =	swait.ge @p1 [sflag:s19], $0x4000  }
0x4e: {  	s4 =	simm.s32 $0x1000;
	s23 =	simm.s32 @p1 $0x80;
	[sflag:s19] =	ssyncset.done @p1 $0x0  }
0x4f: {  	s25 =	simm.s32 @p1 $0x2000;
	[sflag:s19] =	ssyncadd.s32 @p1 $0xFFFFC000;
	s19 =	simm.s32 @p1 $0x4  }
0x50: {  	[spmem:s1] =	stream.indirect.scatter.add.f32 @p1 [tilespmem:s25], [sflag:$0x4], $0x80, s4, s23, $0xb8;
	[tilespmem:$0x13800] =	vst v63  }
0x51: {  	_ =	swait.ge @p1 [sflag:s19], $0x4000  }
0x52: {  	[sflag:s19] =	ssyncset.done @p1 $0x0  }
0x53: {  	s28 =	simm.s32 $0x100;
	[sflag:s19] =	ssyncadd.s32 @p1 $0xFFFFC000  }
0x54: {  	[tilespmem:s25], [sflag:$0x1] =	stream.indirect.gather @p1 [hbm4b:s5+s23], $0x80, s28, s23, $0xb8;
	[tilespmem:$0x13800] =	vst v63  }
0x55: {  	s19 =	simm.s32 @!p1 $0x80;
	s23 =	simm.s32 @!p1 $0xA000;
	s25 =	simm.s32 @!p1 $0x1  }
0x56: {  	[spmem:s2] =	stream.indirect.scatter.add.f32 @!p1 [tilespmem:s23], [sflag:$0x3], $0x10, s4, s19, $0xb8;
	[tilespmem:$0x13800] =	vst v63  }
0x57: {  	_ =	swait.ge @!p1 [sflag:s25], $0x4000  }
0x58: {  	[sflag:s25] =	ssyncset.done @!p1 $0x0  }
0x59: {  	s29 =	simm.s32 @!p1 $0x2000;
	[sflag:s25] =	ssyncadd.s32 @!p1 $0xFFFFC000;
	s25 =	simm.s32 @!p1 $0x4  }
0x5a: {  	[spmem:s1] =	stream.indirect.scatter.add.f32 @!p1 [tilespmem:s29], [sflag:$0x4], $0x80, s4, s19, $0xb8;
	[tilespmem:$0x13800] =	vst v63  }
0x5b: {  	_ =	swait.ge @!p1 [sflag:s25], $0x4000  }
0x5c: {  	[sflag:s25] =	ssyncset.done @!p1 $0x0  }
0x5d: {  	[sflag:s25] =	ssyncadd.s32 @!p1 $0xFFFFC000  }
0x5e: {  	[tilespmem:s29], [sflag:$0x1] =	stream.indirect.gather @!p1 [hbm4b:s5+s19], $0x80, s28, s19, $0xb8;
	[tilespmem:$0x13800] =	vst v63  }
0x5f: {  	s10 =	simm.s32 $0x1080;
	s4 =	simm.s32 @!p1 $0x1080  }
0x60: {  	[spmem:s2] =	stream.indirect.scatter.add.f32 @!p1 [tilespmem:s23], [sflag:$0x3], $0x10, s4, s19, $0xb8;
	[tilespmem:$0x13800] =	vst v63  }
0x61: {  	s25 =	simm.s32 $0x2;
	s29 =	simm.s32 $0x1;
	_ =	swait.ge [sflag:s22], $0x4000  }
0x62: {  	s28 =	simm.s32 $0x300;
	s4 =	simm.s32 $0x200;
	[sflag:s22] =	ssyncset.done $0x0  }
0x63: {  	s23 =	simm.s32 $0x180;
	p1 =	por $0x0, $0x0;
	[sflag:s22] =	ssyncadd.s32 $0xFFFFC000  }
0x64: {  	[spmem:s1] =	stream.indirect.scatter.add.f32 [tilespmem:s26], [sflag:$0x4], $0x80, s10, s24, $0xb8;
	[tilespmem:$0x13800] =	vst v63  }
0x65: {  	s19 =	simm.s32 $0x1100;
	s29 =	simm.s32 @!p1 $0x0;
	_ =	swait.ge [sflag:s20], $0x4000  }
.LBB2_4:
0x66: {  	s6 =	sadd.s32 $0xFFFFFF80, s28  }
0x67: {  	p2 =	seq.s32 s0, s29;
	[sflag:s20] =	ssyncset.done $0x0;
	s29 =	smov.u32 s25  }
0x68: {  	s25 =	sadd.s32 $0x1, s25;
	s7 =	simm.s32 @p2 $0x1;
	[sflag:s20] =	ssyncadd.s32 $0xFFFFC000  }
0x69: {  	[tilespmem:s26], [sflag:$0x2] =	stream.indirect.gather [hbm4b:s5+s24], $0x80, s23, s24, $0xb8;
	[tilespmem:$0x13800] =	vst v63  }
0x6a: {  	p1 =	sne.s32 s25, $0xF;
	s23 =	smov.u32 s6;
	_ =	swait.ge @p2 [sflag:s7], $0x4000  }
0x6b: {  	s8 =	simm.s32 @p2 $0x2000;
	s6 =	simm.s32 @p2 $0x80;
	[sflag:s7] =	ssyncset.done @p2 $0x0  }
0x6c: {  	[sflag:s7] =	ssyncadd.s32 @p2 $0xFFFFC000;
	s7 =	simm.s32 @p2 $0x4  }
0x6d: {  	[spmem:s1] =	stream.indirect.scatter.add.f32 @p2 [tilespmem:s8], [sflag:$0x4], $0x80, s19, s6, $0xb8;
	[tilespmem:$0x13800] =	vst v63  }
0x6e: {  	_ =	swait.ge @p2 [sflag:s7], $0x4000  }
0x6f: {  	[sflag:s7] =	ssyncset.done @p2 $0x0  }
0x70: {  	s10 =	simm.s32 @!p2 $0xA000;
	[sflag:s7] =	ssyncadd.s32 @p2 $0xFFFFC000;
	s7 =	simm.s32 @!p2 $0x80  }
0x71: {  	[tilespmem:s8], [sflag:$0x1] =	stream.indirect.gather @p2 [hbm4b:s5+s6], $0x80, s4, s6, $0xb8;
	[tilespmem:$0x13800] =	vst v63  }
0x72: {  	s6 =	simm.s32 @!p2 $0x1  }
0x73: {  	[spmem:s2] =	stream.indirect.scatter.add.f32 @!p2 [tilespmem:s10], [sflag:$0x3], $0x10, s19, s7, $0xb8;
	[tilespmem:$0x13800] =	vst v63  }
0x74: {  	_ =	swait.ge @!p2 [sflag:s6], $0x4000  }
0x75: {  	s8 =	simm.s32 @!p2 $0x2000;
	[sflag:s6] =	ssyncset.done @!p2 $0x0  }
0x76: {  	[sflag:s6] =	ssyncadd.s32 @!p2 $0xFFFFC000;
	s6 =	simm.s32 @!p2 $0x4  }
0x77: {  	[spmem:s1] =	stream.indirect.scatter.add.f32 @!p2 [tilespmem:s8], [sflag:$0x4], $0x80, s19, s7, $0xb8;
	[tilespmem:$0x13800] =	vst v63  }
0x78: {  	_ =	swait.ge @!p2 [sflag:s6], $0x4000  }
0x79: {  	[sflag:s6] =	ssyncset.done @!p2 $0x0  }
0x7a: {  	[sflag:s6] =	ssyncadd.s32 @!p2 $0xFFFFC000;
	s6 =	sadd.s32 @!p2 $0x80, s19  }
0x7b: {  	[tilespmem:s8], [sflag:$0x1] =	stream.indirect.gather @!p2 [hbm4b:s5+s7], $0x80, s4, s7, $0xb8;
	[tilespmem:$0x13800] =	vst v63  }
0x7c: {  	s4 =	smov.u32 s28  }
0x7d: {  	[spmem:s2] =	stream.indirect.scatter.add.f32 @!p2 [tilespmem:s10], [sflag:$0x3], $0x10, s6, s7, $0xb8;
	[tilespmem:$0x13800] =	vst v63  }
.Ltmp1:
0x7e: {  	_ =	swait.ge [sflag:s22], $0x4000;
	(pc) =	sbr.rel @p1 .LBB2_4-.Ltmp1, $4  }
0x7f: {  	s6 =	sadd.s32 $0x80, s19;
	s19 =	sadd.s32 $0x100, s19;
	[sflag:s22] =	ssyncset.done $0x0  }
0x80: {  	p2 =	sgt.u32 s29, $0x7;
	s29 =	simm.s32 $0x1;
	[sflag:s22] =	ssyncadd.s32 $0xFFFFC000  }
0x81: {  	[spmem:s1] =	stream.indirect.scatter.add.f32 [tilespmem:s26], [sflag:$0x4], $0x80, s6, s24, $0xb8;
	[tilespmem:$0x13800] =	vst v63  }
0x82: {  	s28 =	sadd.s32 $0x100, s28;
	s29 =	simm.s32 @!p2 $0x0;
	_ =	swait.ge [sflag:s20], $0x4000  }
0x83: {  	p1 =	seq.s32 s0, s29;
	[sflag:s20] =	ssyncset.done $0x0  }
0x84: {  	s0 =	simm.s32 @p1 $0x1;
	[sflag:s20] =	ssyncadd.s32 $0xFFFFC000  }
0x85: {  	[tilespmem:s26], [sflag:$0x2] =	stream.indirect.gather [hbm4b:s5+s24], $0x80, s23, s24, $0xb8;
	[tilespmem:$0x13800] =	vst v63  }
0x86: {  	_ =	swait.ge @p1 [sflag:s0], $0x4000  }
0x87: {  	s6 =	simm.s32 @p1 $0x80;
	[sflag:s0] =	ssyncset.done @p1 $0x0  }
0x88: {  	s7 =	simm.s32 @p1 $0x2000;
	[sflag:s0] =	ssyncadd.s32 @p1 $0xFFFFC000;
	s0 =	simm.s32 @p1 $0x4  }
0x89: {  	[spmem:s1] =	stream.indirect.scatter.add.f32 @p1 [tilespmem:s7], [sflag:$0x4], $0x80, s19, s6, $0xb8;
	[tilespmem:$0x13800] =	vst v63  }
0x8a: {  	_ =	swait.ge @p1 [sflag:s0], $0x4000  }
0x8b: {  	[sflag:s0] =	ssyncset.done @p1 $0x0  }
0x8c: {  	[sflag:s0] =	ssyncadd.s32 @p1 $0xFFFFC000  }
0x8d: {  	[tilespmem:s7], [sflag:$0x1] =	stream.indirect.gather @p1 [hbm4b:s5+s6], $0x80, s4, s6, $0xb8;
	[tilespmem:$0x13800] =	vst v63  }
0x8e: {  	s0 =	simm.s32 @!p1 $0x80;
	s6 =	simm.s32 @!p1 $0xA000;
	s7 =	simm.s32 @!p1 $0x1  }
0x8f: {  	[spmem:s2] =	stream.indirect.scatter.add.f32 @!p1 [tilespmem:s6], [sflag:$0x3], $0x10, s19, s0, $0xb8;
	[tilespmem:$0x13800] =	vst v63  }
0x90: {  	_ =	swait.ge @!p1 [sflag:s7], $0x4000  }
0x91: {  	[sflag:s7] =	ssyncset.done @!p1 $0x0  }
0x92: {  	s8 =	simm.s32 @!p1 $0x2000;
	[sflag:s7] =	ssyncadd.s32 @!p1 $0xFFFFC000;
	s7 =	simm.s32 @!p1 $0x4  }
0x93: {  	[spmem:s1] =	stream.indirect.scatter.add.f32 @!p1 [tilespmem:s8], [sflag:$0x4], $0x80, s19, s0, $0xb8;
	[tilespmem:$0x13800] =	vst v63  }
0x94: {  	_ =	swait.ge @!p1 [sflag:s7], $0x4000  }
0x95: {  	[sflag:s7] =	ssyncset.done @!p1 $0x0  }
0x96: {  	[sflag:s7] =	ssyncadd.s32 @!p1 $0xFFFFC000  }
0x97: {  	[tilespmem:s8], [sflag:$0x1] =	stream.indirect.gather @!p1 [hbm4b:s5+s0], $0x80, s4, s0, $0xb8;
	[tilespmem:$0x13800] =	vst v63  }
0x98: {  	s4 =	sadd.s32 @!p1 $0x80, s19  }
0x99: {  	[spmem:s2] =	stream.indirect.scatter.add.f32 @!p1 [tilespmem:s6], [sflag:$0x3], $0x10, s4, s0, $0xb8;
	[tilespmem:$0x13800] =	vst v63  }
0x9a: {  	_ =	swait.ge [sflag:s22], $0x4000  }
0x9b: {  	[sflag:s22] =	ssyncset.done $0x0  }
0x9c: {  	s23 =	sadd.s32 $0x80, s19;
	[sflag:s22] =	ssyncadd.s32 $0xFFFFC000  }
0x9d: {  	[spmem:s1] =	stream.indirect.scatter.add.f32 [tilespmem:s26], [sflag:$0x4], $0x80, s23, s24, $0xb8;
	[tilespmem:$0x13800] =	vst v63  }
0x9e: {  	_ =	swait.ge [sflag:s20], $0x4000  }
0x9f: {  	[sflag:s20] =	ssyncset.done $0x0  }
0xa0: {  	s25 =	simm.s32 $0xF80;
	s0 =	simm.s32 @p0 $0x1;
	[sflag:s20] =	ssyncadd.s32 $0xFFFFC000  }
0xa1: {  	[tilespmem:s26], [sflag:$0x2] =	stream.indirect.gather [hbm4b:s5+s24], $0x80, s25, s24, $0xb8;
	[tilespmem:$0x13800] =	vst v63  }
0xa2: {  	_ =	swait.ge @p0 [sflag:s0], $0x4000  }
0xa3: {  	s4 =	simm.s32 @p0 $0x1F00;
	[sflag:s0] =	ssyncset.done @p0 $0x0  }
0xa4: {  	s6 =	simm.s32 @p0 $0x2000;
	[sflag:s0] =	ssyncadd.s32 @p0 $0xFFFFC000;
	s0 =	simm.s32 @p0 $0x80  }
0xa5: {  	[spmem:s1] =	stream.indirect.scatter.add.f32 @p0 [tilespmem:s6], [sflag:$0x4], $0x80, s4, s0, $0xb8;
	[tilespmem:$0x13800] =	vst v63  }
0xa6: {  	s0 =	simm.s32 @p0 $0x4  }
0xa7: {  	_ =	swait.ge @p0 [sflag:s0], $0x4000  }
0xa8: {  	s7 =	simm.s32 @!p0 $0x1;
	s4 =	simm.s32 @!p0 $0x1F00;
	[sflag:s0] =	ssyncset.done @p0 $0x0  }
0xa9: {  	s6 =	simm.s32 @!p0 $0xA000;
	[sflag:s0] =	ssyncadd.s32 @p0 $0xFFFFC000;
	s0 =	simm.s32 @!p0 $0x80  }
0xaa: {  	[spmem:s2] =	stream.indirect.scatter.add.f32 @!p0 [tilespmem:s6], [sflag:$0x3], $0x10, s4, s0, $0xb8;
	[tilespmem:$0x13800] =	vst v63  }
0xab: {  	_ =	swait.ge @!p0 [sflag:s7], $0x4000  }
0xac: {  	[sflag:s7] =	ssyncset.done @!p0 $0x0  }
0xad: {  	[sflag:s7] =	ssyncadd.s32 @!p0 $0xFFFFC000;
	s7 =	simm.s32 @!p0 $0x2000  }
0xae: {  	[spmem:s1] =	stream.indirect.scatter.add.f32 @!p0 [tilespmem:s7], [sflag:$0x4], $0x80, s4, s0, $0xb8;
	[tilespmem:$0x13800] =	vst v63  }
0xaf: {  	s4 =	simm.s32 @!p0 $0x4  }
0xb0: {  	_ =	swait.ge @!p0 [sflag:s4], $0x4000  }
0xb1: {  	[sflag:s4] =	ssyncset.done @!p0 $0x0  }
0xb2: {  	[sflag:s4] =	ssyncadd.s32 @!p0 $0xFFFFC000;
	s4 =	simm.s32 @!p0 $0x1F80  }
0xb3: {  	[spmem:s2] =	stream.indirect.scatter.add.f32 @!p0 [tilespmem:s6], [sflag:$0x3], $0x10, s4, s0, $0xb8;
	[tilespmem:$0x13800] =	vst v63  }
0xb4: {  	_ =	swait.ge [sflag:s22], $0x4000  }
0xb5: {  	[sflag:s22] =	ssyncset.done $0x0  }
0xb6: {  	s28 =	simm.s32 $0x1F80;
	[sflag:s22] =	ssyncadd.s32 $0xFFFFC000  }
0xb7: {  	[spmem:s1] =	stream.indirect.scatter.add.f32 [tilespmem:s26], [sflag:$0x4], $0x80, s28, s24, $0xb8;
	[tilespmem:$0x13800] =	vst v63  }
0xb8: {  	_ =	swait.ge [sflag:s20], $0x4000  }
0xb9: {  	[sflag:s20] =	ssyncset.done $0x0  }
0xba: {  	[sflag:s20] =	ssyncadd.s32 $0xFFFFC000  }
0xbb: {  	_ =	swait.ge [sflag:s30], $0x800  }
0xbc: {  	[sflag:s30] =	ssyncset.done $0x0  }
0xbd: {  	[sflag:s30] =	ssyncadd.s32 $0xFFFFF800  }
0xbe: {  	_ =	swait.ge [sflag:s30], $0x800  }
0xbf: {  	[sflag:s30] =	ssyncset.done $0x0  }
0xc0: {  	[sflag:s30] =	ssyncadd.s32 $0xFFFFF800  }
0xc1: {  	_ =	swait.ge [sflag:s30], $0x800  }
0xc2: {  	[sflag:s30] =	ssyncset.done $0x0  }
0xc3: {  	[sflag:s30] =	ssyncadd.s32 $0xFFFFF800  }
0xc4: {  	_ =	swait.ge [sflag:s30], $0x800  }
0xc5: {  	[sflag:s30] =	ssyncset.done $0x0  }
0xc6: {  	[sflag:s30] =	ssyncadd.s32 $0xFFFFF800  }
0xc7: {  	_ =	swait.ge [sflag:s30], $0x800  }
0xc8: {  	[sflag:s30] =	ssyncset.done $0x0  }
0xc9: {  	[sflag:s30] =	ssyncadd.s32 $0xFFFFF800  }
0xca: {  	_ =	swait.ge [sflag:s30], $0x800  }
0xcb: {  	[sflag:s30] =	ssyncset.done $0x0  }
0xcc: {  	[sflag:s30] =	ssyncadd.s32 $0xFFFFF800  }
0xcd: {  	_ =	swait.ge [sflag:s30], $0x800  }
0xce: {  	[sflag:s30] =	ssyncset.done $0x0  }
0xcf: {  	[sflag:s30] =	ssyncadd.s32 $0xFFFFF800  }
0xd0: {  	_ =	swait.ge [sflag:s30], $0x800  }
0xd1: {  	[sflag:s30] =	ssyncset.done $0x0  }
0xd2: {  	[sflag:s30] =	ssyncadd.s32 $0xFFFFF800  }
0xd3: {  	_ =	swait.ge [sflag:s30], $0x800  }
0xd4: {  	[sflag:s30] =	ssyncset.done $0x0  }
0xd5: {  	[sflag:s30] =	ssyncadd.s32 $0xFFFFF800  }
0xd6: {  	_ =	swait.ge [sflag:s30], $0x800  }
0xd7: {  	[sflag:s30] =	ssyncset.done $0x0  }
0xd8: {  	[sflag:s30] =	ssyncadd.s32 $0xFFFFF800  }
0xd9: {  	_ =	swait.ge [sflag:s30], $0x800  }
0xda: {  	[sflag:s30] =	ssyncset.done $0x0  }
0xdb: {  	[sflag:s30] =	ssyncadd.s32 $0xFFFFF800  }
0xdc: {  	_ =	swait.ge [sflag:s30], $0x800  }
0xdd: {  	[sflag:s30] =	ssyncset.done $0x0  }
0xde: {  	[sflag:s30] =	ssyncadd.s32 $0xFFFFF800  }
0xdf: {  	_ =	swait.ge [sflag:s30], $0x800  }
0xe0: {  	[sflag:s30] =	ssyncset.done $0x0  }
0xe1: {  	[sflag:s30] =	ssyncadd.s32 $0xFFFFF800  }
0xe2: {  	_ =	swait.ge [sflag:s30], $0x800  }
0xe3: {  	[sflag:s30] =	ssyncset.done $0x0  }
0xe4: {  	[sflag:s30] =	ssyncadd.s32 $0xFFFFF800  }
0xe5: {  	_ =	swait.ge [sflag:s30], $0x800  }
0xe6: {  	[sflag:s30] =	ssyncset.done $0x0  }
0xe7: {  	[sflag:s30] =	ssyncadd.s32 $0xFFFFF800  }
0xe8: {  	_ =	swait.ge [sflag:s30], $0x800  }
0xe9: {  	[sflag:s30] =	ssyncset.done $0x0  }
0xea: {  	[sflag:s30] =	ssyncadd.s32 $0xFFFFF800  }
0xeb: {  	s29 =	sor.u32 $0x1C04, s9;
	[bflag:$0x0] =	sbarrier.arrive $0xFFFF  }
0xec: {  	[hbm:s13], [sflag:s29] =	dma.local [spmem:s16], $0x1000  }
0xed: {  	s31 =	sadd.s32 $0x1, s31;
	_ =	swait.ge [sflag:s20], $0x1000  }
0xee: {  	p1 =	sne.s32 s31, s15;
	[sflag:s20] =	ssyncset.done $0x0  }
.Ltmp2:
0xef: {  	[sflag:s20] =	ssyncadd.s32 $0xFFFFF000;
	(pc) =	sbr.rel @p1 .LBB2_1-.Ltmp2, $4  }
0xf0: {  	[hbm:s14], [sflag:s29] =	dma.local [spmem:s18], $0x200  }
0xf1: {  	_ =	swait.ge [sflag:s20], $0x200  }
0xf2: {  	[sflag:s20] =	ssyncset.done $0x0  }
0xf3: {  	[sflag:s20] =	ssyncadd.s32 $0xFFFFFE00  }
0xf4: {  	_ =	sfence.sel $0x180000  }
0xf5: {  	[bflag:$0x0] =	sbarrier.arrive $0xFFFF  }
0xf6: {  	_ =	strace $0x9000004D  }
0xf7: {  	s0 =	stileid.u32;
	[bflag:$0x2] =	sbarrier.arrive $0xFFFF  }
0xf8: {  	p0 =	sne.s32 s0, $0x0;
	s0 =	rddreg [dreg:$0x6]  }
0xf9: {  	s0 =	sadd.s32 @!p0 $0x100000, s0  }
0xfa: {  	[sflag:s0] =	ssyncadd.tile.s32 @!p0 $0x1;
	_ =	shalt  }
.Lfunc_end2:
_tile_overlayer_lowered:
.L_overlay_start_2:
0xfb: {  	(tag) =	ssettag $0x2  }
0xfc: {  	s0 =	rddreg [dreg:$0x0];
	s2 =	stileid.u32  }
0xfd: {  	s1 =	rddreg [dreg:$0x1];
	p0 =	sne.s32 s2, $0x0  }
0xfe: {  	s3 =	rddreg [dreg:$0x2];
	[bflag:$0x3] =	sbarrier.arrive $0xFFFF;
	s2 =	simm.s32 @!p0 $0x1C04  }
0xff: {  	[timem:s3], [sflag:s2] =	dma.local @!p0 [hbm:s0], s1  }
0x100: {  	s0 =	simm.s32 @!p0 $0x4  }
0x101: {  	_ =	swait.ge @!p0 [sflag:s0], s1  }
0x102: {  	s1 =	ssub.s32 @!p0 $0x0, s1;
	[sflag:s0] =	ssyncset.done @!p0 $0x0  }
0x103: {  	[sflag:s0] =	ssyncadd.s32 @!p0 s1  }
0x104: {  	[bflag:$0x3] =	sbarrier.arrive $0xFFFF  }
0x105: {  	_ =	shalt  }

// kernel: kernel.8.cloned.1.call-start
scs
__scs_entry_jumppad:
0x0: {  	(pc) =	sbr.rel $0x88, $3  }
0x1: {  	(tag) =	ssettag $0x0;
	lr =	simm.s32 $0x1  }
0x2: {  	[smem:$0x3F8E] =	sst lr;
	_ =	strace $0xD0000000  }
0x3: {  	_ = 	snop  }
0x4: {  	_ = 	snop  }
0x5: {  	_ = 	snop  }
0x6: {  	_ = 	snop  }
0x7: {  	_ = 	snop  }
__scs_overlays_trampoline_lowered:
0x8: {  	[smem:$0x3F9D] =	sst s0  }
0x9: {  	[smem:$0x3F9E] =	sst s1  }
0xa: {  	[smem:$0x3F9F] =	sst s2  }
0xb: {  	[smem:$0x3FA0] =	sst s3  }
0xc: {  	[smem:$0x3FA1] =	sst s4  }
0xd: {  	[smem:$0x3FA2] =	sst s5  }
0xe: {  	[smem:$0x3FA3] =	sst s6  }
0xf: {  	[smem:$0x3FA4] =	sst s7  }
0x10: {  	[smem:$0x3FA5] =	sst s8  }
0x11: {  	[smem:$0x3FA6] =	sst s9;
	s0 =	simm.s32 @!p0 $0x0  }
0x12: {  	s1 =	sld [smem:$0x3F8C];
	s0 =	simm.s32 @p0 $0x1  }
0x13: {  	[smem:$0x3FA7] =	sst s0;
	s0 =	simm.s32 @!p1 $0x0  }
0x14: {  	s2 =	sld [smem:$0x3F8B];
	s0 =	simm.s32 @p1 $0x1  }
0x15: {  	[smem:$0x3FA8] =	sst s0;
	s0 =	simm.s32 @!p2 $0x0  }
0x16: {  	s3 =	sld [smem:$0x3FDB];
	s0 =	simm.s32 @p2 $0x1  }
0x17: {  	s4 =	simm.s32 $0x1BF5;
	[smem:$0x3FAA] =	sst s0  }
0x18: {  	s0 =	sld [smem:$0x3F8D];
	_ =	swait.ge [sflag:s4], $0x0  }
0x19: {  	s7 =	sld [smem:$0x3F8E]  }
0x1a: {  	s8 =	sadd.s32 $0xFFFFE003, lr  }
0x1b: {  	s9 =	sadd.s32 $0xFFFFFEF7, lr;
	s5 =	simm.s32 $0xFFFFFFFF;
	p2 =	slt.u32 s8, $0xFFFFF086  }
0x1c: {  	p1 =	slt.u32 s9, $0xF7A;
	s5 =	simm.s32 @!p2 $0x0  }
0x1d: {  	s5 =	simm.s32 @p1 $0x1;
	p0 =	seq.s32 s7, s2  }
0x1e: {  	s7 =	smul.u32 @!p0 $0xF7A, s2;
	p2 =	seq.s32 @!p0 s5, $0x0  }
0x1f: {  	s9 =	smul.u32 $0xF7A, s1;
	s8 =	simm.s32 @!p0 $0x1BF5;
	p2 =	por !p2, p0  }
0x20: {  	[sflag:s8] =	ssyncset.s32 @!p0 $0xFFFFF086;
	s6 =	sadd.s32 @!p0 s3, s7;
	s7 =	simm.s32 @!p0 $0x108  }
0x21: {  	s3 =	sadd.s32 s3, s9;
	s6 =	sadd.s32 @!p0 $0x88, s6;
	s7 =	simm.s32 @p2 $0x1082  }
0x22: {  	[simem:s7], [sflag:s8] =	dma.local @!p0 [hbm:s6], $0xF7A  }
0x23: {  	s9 =	sor.u32 $0xD0000000, s2;
	s6 =	simm.s32 $0x108;
	_ =	swait.ge @!p0 [sflag:s8], $0x0  }
0x24: {  	s3 =	sadd.s32 $0x88, s3;
	s6 =	simm.s32 @!p1 $0x1082;
	[sflag:s4] =	ssyncset.s32 $0xFFFFF086  }
0x25: {  	[simem:s6], [sflag:s4] =	dma.local [hbm:s3], $0xF7A  }
0x26: {  	[smem:$0x3F8E] =	sst s1;
	(tag) =	ssettag s2;
	_ =	strace s9  }
0x27: {  	s1 =	sld [smem:$0x3F9E]  }
0x28: {  	s2 =	sld [smem:$0x3F9F]  }
0x29: {  	s4 =	sld [smem:$0x3FA1]  }
0x2a: {  	p0 =	seq.s32 s5, $0x0;
	s5 =	sld [smem:$0x3FA2]  }
0x2b: {  	s6 =	sld [smem:$0x3FA3]  }
0x2c: {  	s7 =	sld [smem:$0x3FA4]  }
0x2d: {  	s3 =	simm.s32 $0x108;
	s8 =	sld [smem:$0x3FA5]  }
0x2e: {  	s3 =	simm.s32 @!p0 $0x1082;
	s9 =	sld [smem:$0x3FA6]  }
0x2f: {  	lr =	sadd.s32 s0, s3;
	s0 =	sld [smem:$0x3F9D]  }
0x30: {  	s3 =	sld [smem:$0x3FA0]  }
0x31: {  	[smem:$0x3FA9] =	sst s10  }
0x32: {  	s10 =	sld [smem:$0x3FA7];
	_ =	sdelay $0x3  }
0x33: {  	p0 =	seq.s32 s10, $0x1;
	s10 =	sld [smem:$0x3FA9];
	_ =	sdelay $0x3  }
0x34: {  	[smem:$0x3FA9] =	sst s10  }
0x35: {  	s10 =	sld [smem:$0x3FA8];
	_ =	sdelay $0x3  }
0x36: {  	p1 =	seq.s32 s10, $0x1;
	s10 =	sld [smem:$0x3FA9];
	_ =	sdelay $0x3  }
0x37: {  	[smem:$0x3FA9] =	sst s10  }
0x38: {  	s10 =	sld [smem:$0x3FAA]  }
0x39: {  	_ = 	snop;
	(pc) =	sbr.ind lr, $3  }
0x3a: {  	_ = 	snop  }
0x3b: {  	_ = 	snop  }
0x3c: {  	p2 =	seq.s32 s10, $0x1;
	s10 =	sld [smem:$0x3FA9]  }
0x3d: {  	_ =	shalt  }
0x3e: {  	_ =	shalt  }
0x3f: {  	_ =	shalt  }
0x40: {  	_ =	shalt  }
0x41: {  	_ =	shalt  }
0x42: {  	_ =	shalt  }
0x43: {  	_ =	shalt  }
0x44: {  	_ =	shalt  }
0x45: {  	_ =	shalt  }
0x46: {  	_ =	shalt  }
0x47: {  	_ =	shalt  }
0x48: {  	_ =	shalt  }
0x49: {  	_ =	shalt  }
0x4a: {  	_ =	shalt  }
0x4b: {  	_ =	shalt  }
0x4c: {  	_ =	shalt  }
0x4d: {  	_ =	shalt  }
0x4e: {  	_ =	shalt  }
0x4f: {  	_ =	shalt  }
0x50: {  	_ =	shalt  }
0x51: {  	_ =	shalt  }
0x52: {  	_ =	shalt  }
0x53: {  	_ =	shalt  }
0x54: {  	_ =	shalt  }
0x55: {  	_ =	shalt  }
0x56: {  	_ =	shalt  }
0x57: {  	_ =	shalt  }
0x58: {  	_ =	shalt  }
0x59: {  	_ =	shalt  }
0x5a: {  	_ =	shalt  }
0x5b: {  	_ =	shalt  }
0x5c: {  	_ =	shalt  }
0x5d: {  	_ =	shalt  }
0x5e: {  	_ =	shalt  }
0x5f: {  	_ =	shalt  }
0x60: {  	_ =	shalt  }
0x61: {  	_ =	shalt  }
0x62: {  	_ =	shalt  }
0x63: {  	_ =	shalt  }
0x64: {  	_ =	shalt  }
0x65: {  	_ =	shalt  }
0x66: {  	_ =	shalt  }
0x67: {  	_ =	shalt  }
0x68: {  	_ =	shalt  }
0x69: {  	_ =	shalt  }
0x6a: {  	_ =	shalt  }
0x6b: {  	_ =	shalt  }
0x6c: {  	_ =	shalt  }
0x6d: {  	_ =	shalt  }
0x6e: {  	_ =	shalt  }
0x6f: {  	_ =	shalt  }
0x70: {  	_ =	shalt  }
0x71: {  	_ =	shalt  }
0x72: {  	_ =	shalt  }
0x73: {  	_ =	shalt  }
0x74: {  	_ =	shalt  }
0x75: {  	_ =	shalt  }
0x76: {  	_ =	shalt  }
0x77: {  	_ =	shalt  }
0x78: {  	_ =	shalt  }
0x79: {  	_ =	shalt  }
0x7a: {  	_ =	shalt  }
0x7b: {  	_ =	shalt  }
0x7c: {  	_ =	shalt  }
0x7d: {  	_ =	shalt  }
0x7e: {  	_ =	shalt  }
0x7f: {  	_ =	shalt  }
0x80: {  	_ =	shalt  }
0x81: {  	_ =	shalt  }
0x82: {  	_ =	shalt  }
0x83: {  	_ =	shalt  }
0x84: {  	_ =	shalt  }
0x85: {  	_ =	shalt  }
0x86: {  	_ =	shalt  }
0x87: {  	_ =	shalt  }
.Lfunc_end0:
.L_simem_size_0:
called_computation_lowered:
.L_overlay_start_0:
0x88: {  	s2 =	sld [smem:$0x3FD9]  }
0x89: {  	s3 =	sld [smem:$0x3FFE];
	_ =	sdelay $0x1  }
0x8a: {  	s1 =	srdreg.scid  }
0x8b: {  	s0 =	sand.u32 $0x1, s1  }
0x8c: {  	s17 =	sshll.u32 s0, $0xA;
	s2 =	sadd.s32 s3, s2  }
0x8d: {  	s2 =	sadd.s32 s2, s17  }
0x8e: {  	[smem:$0x3FB5] =	sst s2  }
0x8f: {  	_ = 	snop  }
0x90: {  	s2 =	sld [smem:$0x3FC9]  }
0x91: {  	s18 =	sld [smem:$0x3FC8]  }
0x92: {  	s4 =	sld [smem:$0x3FC7]  }
0x93: {  	s5 =	sld [smem:$0x3FD0];
	(tm) =	ssettm $0x1  }
0x94: {  	s6 =	sld [smem:$0x3FFB];
	_ =	sdelay $0x3  }
0x95: {  	_ =	strace s6  }
0x96: {  	s6 =	sld [smem:$0x3FFC];
	_ =	sdelay $0x3  }
0x97: {  	_ =	strace s6  }
0x98: {  	s6 =	sld [smem:$0x3FFD];
	_ =	sdelay $0x3  }
0x99: {  	_ =	strace s6  }
0x9a: {  	_ =	strace $0x8FFFFFFF  }
0x9b: {  	s19 =	sld [smem:$0x3FDB];
	_ =	sdelay $0x1  }
0x9c: {  	s7 =	simm.s32 $_scs_section_size  }
0x9d: {  	s8 =	simm.s32 $_size__tile_overlayer_lowered;
	s9 =	simm.s32 $_tile_overlayer_lowered  }
0x9e: {  	s22 =	simm.s32 $0x1BFF;
	s21 =	sshll.u32 s9, $0x1;
	s6 =	sadd.s32 s7, s19  }
0x9f: {  	s10 =	simm.s32 $0x0;
	s20 =	sshll.u32 s8, $0x1;
	s8 =	sadd.s32 s21, s6  }
0xa0: {  	[timem:s10], [sflag:s22] =	dma.local [hbm:s8], s20  }
0xa1: {  	_ =	swait.ge [sflag:s22], s20  }
0xa2: {  	s7 =	ssub.s32 $0x0, s20;
	[sflag:s22] =	ssyncset.done $0x0  }
0xa3: {  	[sflag:s22] =	ssyncadd.s32 s7;
	_ =	sdelay $0x1  }
0xa4: {  	s23 =	simm.s32 $0x1B8B  }
0xa5: {  	_ =	swait.ge [sflag:s23], $0x1  }
0xa6: {  	[sflag:s23] =	ssyncset.done $0x0  }
0xa7: {  	s25 =	simm.s32 $0x1B8E;
	s24 =	sld [smem:$0x3FFE];
	[sflag:s23] =	ssyncadd.s32 $0xFFFFFFFF  }
0xa8: {  	s26 =	simm.s32 $execute0_lowered;
	[smem:$0x3FD2] =	sst s25  }
0xa9: {  	s8 =	sshll.u32 s26, $0x1;
	_ =	strace $0x80000046;
	[dreg:$0x1] =	wrdreg $0xFFFFFFFF  }
0xaa: {  	s28 =	simm.s32 $_size_execute0_lowered;
	s6 =	sadd.s32 s6, s8;
	[dreg:$0x0] =	wrdreg $0x0  }
0xab: {  	s8 =	sshll.u32 s28, $0x1;
	[dreg:$0x2] =	wrdreg s6  }
0xac: {  	[dreg:$0x3] =	wrdreg s8  }
0xad: {  	[dreg:$0x4] =	wrdreg $0xC0  }
0xae: {  	_ =	task [dreg:s10], $0x5FFFF  }
0xaf: {  	[dreg:$0x1] =	wrdreg $0xFFFFFFFF  }
0xb0: {  	[dreg:$0x0] =	wrdreg $0x60  }
0xb1: {  	[dreg:$0x2] =	wrdreg s2  }
0xb2: {  	[dreg:$0x3] =	wrdreg s18  }
0xb3: {  	[dreg:$0x4] =	wrdreg s4  }
0xb4: {  	[dreg:$0x5] =	wrdreg s24  }
0xb5: {  	[dreg:$0x6] =	wrdreg s5  }
0xb6: {  	[dreg:$0x7] =	wrdreg $0x4C400  }
0xb7: {  	[dreg:$0x8] =	wrdreg $0x186400  }
0xb8: {  	[dreg:$0x9] =	wrdreg $0x9  }
0xb9: {  	_ =	task.clear_ibuf [dreg:s10], $0xAFFFF;
	_ =	strace $0x90000046  }
0xba: {  	s29 =	simm.s32 $0x9;
	_ =	strace $0x80000048  }
0xbb: {  	_ =	swait.ge [sflag:s29], $0x1  }
0xbc: {  	[sflag:s29] =	ssyncadd.s32 $0xFFFFFFFF  }
0xbd: {  	_ =	strace $0x90000048  }
0xbe: {  	_ =	sfence  }
0xbf: {  	s30 =	sld [smem:$0x0];
	_ =	sdelay $0x2  }
0xc0: {  	s31 =	sshll.u32 s1, $0xD;
	s1 =	sshrl.u32 s1, $0x2  }
0xc1: {  	s3 =	sand.u32 $0x4000, s31;
	s1 =	sadd.s32 s1, s30  }
0xc2: {  	s0 =	sor.u32 s3, s0;
	s1 =	sshll.u32 s1, $0x11  }
0xc3: {  	s0 =	sor.u32 s1, s0  }
0xc4: {  	s0 =	sadd.s32 $0x8F2B, s0  }
0xc5: {  	[sflag:s0] =	ssyncadd.remote.s32 $0x1  }
0xc6: {  	_ =	sfence.sel $0xFFFF  }
0xc7: {  	[dreg:$0x0] =	wrdreg $0xFFFFFFFF;
	(pc) =	sbr.abs _section_cstart, $3  }
0xc8: {  	[dreg:$0x1] =	wrdreg $0xFFFFFFFF  }
0xc9: {  	_ =	task.clear_ibuf [dreg:s10], $0x2FFFF;
	_ =	strace $0x9FFFFFFF  }
0xca: {  	(tm) =	ssettm $0x7FFFFFFF  }
0xcb: {  	_ =	shalt  }
tec
execute0_lowered:
.L_overlay_start_1:
0x0: {  	(tag) =	ssettag $0x1  }
0x1: {  	s0 =	rddreg [dreg:$0x0]  }
0x2: {  	s2 =	rddreg [dreg:$0x1]  }
0x3: {  	s3 =	rddreg [dreg:$0x2]  }
0x4: {  	s1 =	rddreg [dreg:$0x3]  }
0x5: {  	s6 =	rddreg [dreg:$0x4]  }
0x6: {  	s4 =	rddreg [dreg:$0x5]  }
0x7: {  	s5 =	rddreg [dreg:$0x6];
	s7 =	simm.s32 $0x0  }
0x8: {  	s18 =	srdreg.scid;
	s14 =	stileid.u32;
	s28 =	simm.s32 $0x3340  }
0x9: {  	s29 =	simm.s32 $0xF50;
	s30 =	simm.s32 $0x1EF0;
	s31 =	simm.s32 $0x3  }
0xa: {  	[smem:$0x7FF] =	sst s7;
	s7 =	sand.u32 $0x1, s18;
	s8 =	smul.u32 $0x27400, s14  }
0xb: {  	s9 =	sadd.s32 $0x3C00, s1;
	s19 =	sadd.s32 $0x6400, s1;
	s10 =	sadd.s32 $0x3A00, s1  }
0xc: {  	s21 =	smul.u32 $0x4E800, s14;
	_ =	strace $0x80000047;
	[dreg:$0x8] =	wrdreg s9  }
0xd: {  	s12 =	smul.u32 $0x4E80, s14;
	s11 =	sshll.u32 s14, $0x6;
	[dreg:$0x9] =	wrdreg s19  }
0xe: {  	s20 =	sshll.u32 s7, $0x6;
	[dreg:$0xa] =	wrdreg s10;
	s22 =	ssub.s32 $0x2, s7  }
0xf: {  	s13 =	smul.u32 $0x4E800, s7;
	s24 =	sor.u32 $0x1C01, s11;
	s18 =	sor.u32 $0x1C02, s11  }
0x10: {  	p0 =	seq.s32 s7, $0x0;
	v0 =	vmov s7;
	s7 =	simm.s32 $0x0;
	s8 =	sor.u32 s20, s8  }
0x11: {  	s23 =	sshrl.u32 s22, $0x1;
	s9 =	sshrl.u32 s21, $0x2;
	[dreg:$0xb] =	wrdreg s24  }
0x12: {  	s21 =	simm.s32 $0x4;
	s24 =	simm.s32 $0xFA0;
	s8 =	sshrl.u32 s8, $0x3  }
0x13: {  	s9 =	sadd.s32 s9, s4;
	s25 =	sadd.s32 s12, s13;
	s12 =	sadd.s32 s12, s5  }
0x14: {  	s13 =	smul.u32 $0x4E20, s14;
	s1 =	sadd.s32 s8, s1;
	s8 =	ssub.s32 s22, s23  }
0x15: {  	s10 =	sshrl.u32 s25, $0x3;
	s17 =	sshrl.u32 s9, $0x3;
	s19 =	sshrl.u32 s12, $0x3  }
0x16: {  	s22 =	simm.s32 $0x1;
	s23 =	simm.s32 $0x2;
	s1 =	sadd.s32 $0x6E00, s1  }
0x17: {  	s25 =	simm.s32 $0x50;
	s26 =	sadd.s32 s6, s10;
	[dreg:$0xc] =	wrdreg s1  }
0x18: {  	s16 =	smax.u32 s8, $0x1;
	[dreg:$0xd] =	wrdreg s26;
	s26 =	simm.s32 $0x1F40  }
.LBB2_1:
0x19: {  	s1 =	rddreg [dreg:$0x8]  }
0x1a: {  	s6 =	rddreg [dreg:$0xb]  }
0x1b: {  	[spmem:s17], [sflag:s6] =	dma.local [hbm:s1], $0x2740  }
0x1c: {  	s1 =	rddreg [dreg:$0x9]  }
0x1d: {  	[spmem:s19], [sflag:s18] =	dma.local [hbm:s1], $0x9D0  }
0x1e: {  	s15 =	simm.s32 $0x0;
	s8 =	simm.s32 $0x4740;
	s20 =	rddreg [dreg:$0xa]  }
0x1f: {  	[tilespmem:s8], [sflag:$0x4] =	stream.linear.gather [hbm4b:s20+s15], $0x500, $0x38;
	[tilespmem:$0x1D4C0] =	vst v63  }
0x20: {  	_ =	swait.ge [sflag:s21], $0x500  }
0x21: {  	[sflag:s21] =	ssyncset.done $0x0  }
0x22: {  	[sflag:s21] =	ssyncadd.s32 $0xFFFFFB00  }
0x23: {  	_ =	swait.ge [sflag:s22], $0x2740  }
0x24: {  	[sflag:s22] =	ssyncset.done $0x0  }
0x25: {  	[sflag:s22] =	ssyncadd.s32 $0xFFFFD8C0  }
0x26: {  	_ =	swait.ge [sflag:s23], $0x9D0  }
0x27: {  	[sflag:s23] =	ssyncset.done $0x0  }
0x28: {  	[sflag:s23] =	ssyncadd.s32 $0xFFFFF630  }
0x29: {  	s20 =	simm.s32 $0x0;
	[bflag:$0x0] =	sbarrier.arrive $0xFFFF  }
.LBB2_2:
0x2a: {  	s1 =	smul.u32 $0xFA0, s20;
	_ =	sdelay $0x1  }
0x2b: {  	s1 =	sadd.s32 s13, s1  }
0x2c: {  	s1 =	sshrl.u32 s1, $0x3  }
0x2d: {  	s8 =	simm.s32 $0x0;
	s6 =	sadd.s32 s2, s1  }
0x2e: {  	[tilespmem:s8], [sflag:$0x1] =	stream.linear.gather [hbm4b:s6+s8], $0xFA0, $0x38;
	[tilespmem:$0x1D4C0] =	vst v63  }
0x2f: {  	s1 =	sadd.s32 s3, s1  }
0x30: {  	[tilespmem:s24], [sflag:$0x2] =	stream.linear.gather [hbm4b:s1+s8], $0xFA0, $0x38;
	[tilespmem:$0x1D4C0] =	vst v63  }
0x31: {  	_ =	swait.ge [sflag:s23], $0xFA0  }
0x32: {  	[sflag:s23] =	ssyncset.done $0x0  }
0x33: {  	[sflag:s23] =	ssyncadd.s32 $0xFFFFF060  }
0x34: {  	_ =	swait.ge [sflag:s22], $0xFA0  }
0x35: {  	[sflag:s22] =	ssyncset.done $0x0  }
0x36: {  	s1 =	simm.s32 $0x0;
	[sflag:s22] =	ssyncadd.s32 $0xFFFFF060  }
0x37: {  	v3 =	vld [tilespmem:s1+$0x0]  }
0x38: {  	v4 =	vld [tilespmem:s1+$0x10]  }
0x39: {  	v2 =	vld [tilespmem:s1+$0x20]  }
0x3a: {  	s6 =	simm.s32 $0x140;
	v1 =	vld [tilespmem:s1+$0x30]  }
.LBB2_3:
0x3b: {  	p1 =	sne.s32 s6, $0x3D40;
	v5 =	vld [tilespmem:s1+$0x40]  }
0x3c: {  	v3 =	vshll.u32 v3, $0x1  }
0x3d: {  	v3 =	vor.u32 v0, v3;
	v4 =	vshll.u32 v4, $0x1  }
.Ltmp0:
0x3e: {  	s8 =	sshra.s32 s6, $0x2;
	[tilespmem:s1+$0x0] =	vst v3;
	v4 =	vor.u32 v0, v4;
	v2 =	vshll.u32 v2, $0x1;
	(pc) =	sbr.rel @p1 .LBB2_3-.Ltmp0, $4  }
0x3f: {  	v3 =	vld [tilespmem:s8+$0x0];
	[tilespmem:s1+$0x10] =	vst v4;
	v2 =	vor.u32 v0, v2;
	v1 =	vshll.u32 v1, $0x1  }
0x40: {  	v4 =	vld [tilespmem:s8+$0x10];
	[tilespmem:s1+$0x20] =	vst v2;
	v1 =	vor.u32 v0, v1;
	v5 =	vshll.u32 v5, $0x1  }
0x41: {  	v2 =	vld [tilespmem:s8+$0x20];
	[tilespmem:s1+$0x30] =	vst v1;
	v5 =	vor.u32 v0, v5  }
0x42: {  	s6 =	sadd.s32 $0x140, s6;
	v1 =	vld [tilespmem:s8+$0x30];
	[tilespmem:s1+$0x40] =	vst v5;
	s1 =	smov.u32 s8  }
0x43: {  	v5 =	vld [tilespmem:s1+$0x40]  }
0x44: {  	v3 =	vshll.u32 v3, $0x1  }
0x45: {  	v3 =	vor.u32 v0, v3;
	v4 =	vshll.u32 v4, $0x1  }
0x46: {  	[tilespmem:s1+$0x0] =	vst v3;
	v3 =	vor.u32 v0, v4;
	v2 =	vshll.u32 v2, $0x1  }
0x47: {  	[tilespmem:s1+$0x10] =	vst v3;
	v2 =	vor.u32 v0, v2;
	v1 =	vshll.u32 v1, $0x1  }
0x48: {  	[tilespmem:s1+$0x20] =	vst v2;
	v1 =	vor.u32 v0, v1;
	v2 =	vshll.u32 v5, $0x1  }
0x49: {  	s14 =	simm.s32 $0x0;
	[tilespmem:s1+$0x30] =	vst v1;
	v1 =	vor.u32 v0, v2  }
0x4a: {  	p1 =	por $0x0, $0x0;
	s6 =	simm.s32 $0x1;
	[tilespmem:s1+$0x40] =	vst v1;
	s1 =	simm.s32 $0x1  }
0x4b: {  	[tilespmem:s26], [sflag:$0x1] =	stream.indirect.gather [hbm4b:s0+s25], $0x40, s14, s25, $0xb8;
	[tilespmem:$0x1D4C0] =	vst v63  }
0x4c: {  	s6 =	simm.s32 @!p1 $0x0;
	s1 =	simm.s32 @!p0 $0x0  }
0x4d: {  	s8 =	simm.s32 $0x50;
	p1 =	seq.s32 s1, s6  }
0x4e: {  	[tilespmem:s28], [sflag:$0x2] =	stream.indirect.gather [hbm4b:s0+s25], $0x40, s8, s25, $0xb8;
	[tilespmem:$0x1D4C0] =	vst v63  }
0x4f: {  	s6 =	simm.s32 $0xFA0;
	s8 =	simm.s32 @!p1 $0x50;
	s9 =	simm.s32 @!p1 $0x4740  }
0x50: {  	[spmem:s5] =	stream.indirect.scatter.add.f32 @!p1 [tilespmem:s9], [sflag:$0x3], $0x10, s6, s8, $0xb8;
	[tilespmem:$0x1D4C0] =	vst v63  }
0x51: {  	_ =	swait.ge [sflag:s22], $0x1400  }
0x52: {  	[sflag:s22] =	ssyncset.done $0x0  }
0x53: {  	[sflag:s22] =	ssyncadd.s32 $0xFFFFEC00  }
0x54: {  	[spmem:s4] =	stream.indirect.scatter.add.f32 [tilespmem:s26], [sflag:$0x4], $0x40, s6, s25, $0xb8;
	[tilespmem:$0x1D4C0] =	vst v63  }
0x55: {  	p1 =	por $0x0, $0x0;
	s8 =	simm.s32 $0x1;
	_ =	swait.ge [sflag:s21], $0x1400  }
0x56: {  	s15 =	simm.s32 $0xA0;
	s8 =	simm.s32 @!p1 $0x0;
	[sflag:s21] =	ssyncset.done $0x0  }
0x57: {  	s12 =	simm.s32 $0xF0;
	p1 =	seq.s32 s1, s8;
	[sflag:s21] =	ssyncadd.s32 $0xFFFFEC00  }
0x58: {  	[tilespmem:s26], [sflag:$0x1] =	stream.indirect.gather [hbm4b:s0+s25], $0x40, s15, s25, $0xb8;
	[tilespmem:$0x1D4C0] =	vst v63  }
0x59: {  	s8 =	simm.s32 @!p1 $0xFF0;
	s9 =	simm.s32 @!p1 $0x50;
	s10 =	simm.s32 @!p1 $0x4740  }
0x5a: {  	[spmem:s5] =	stream.indirect.scatter.add.f32 @!p1 [tilespmem:s10], [sflag:$0x3], $0x10, s8, s9, $0xb8;
	[tilespmem:$0x1D4C0] =	vst v63  }
0x5b: {  	s14 =	simm.s32 $0xFF0;
	s6 =	simm.s32 $0x1;
	_ =	swait.ge [sflag:s23], $0x1400  }
0x5c: {  	p1 =	por $0x0, $0x0;
	s10 =	simm.s32 $0x2;
	[sflag:s23] =	ssyncset.done $0x0  }
0x5d: {  	s9 =	simm.s32 $0x140;
	s8 =	simm.s32 $0x1040;
	[sflag:s23] =	ssyncadd.s32 $0xFFFFEC00  }
.LBB2_5:
0x5e: {  	[spmem:s4] =	stream.indirect.scatter.add.f32 [tilespmem:s28], [sflag:$0x4], $0x40, s14, s25, $0xb8;
	[tilespmem:$0x1D4C0] =	vst v63  }
0x5f: {  	s14 =	simm.s32 $0x1  }
0x60: {  	s14 =	simm.s32 @!p1 $0x0;
	_ =	swait.ge [sflag:s21], $0x1400  }
0x61: {  	p1 =	sgt.u32 s10, $0xC;
	p2 =	seq.s32 s1, s14;
	[sflag:s21] =	ssyncset.done $0x0  }
0x62: {  	s14 =	simm.s32 @!p2 $0x50;
	s15 =	simm.s32 @!p2 $0x4740;
	[sflag:s21] =	ssyncadd.s32 $0xFFFFEC00  }
0x63: {  	[tilespmem:s28], [sflag:$0x2] =	stream.indirect.gather [hbm4b:s0+s25], $0x40, s12, s25, $0xb8;
	[tilespmem:$0x1D4C0] =	vst v63  }
0x64: {  	s12 =	smov.u32 s10;
	s10 =	sadd.s32 $0x1, s10  }
0x65: {  	[spmem:s5] =	stream.indirect.scatter.add.f32 @!p2 [tilespmem:s15], [sflag:$0x3], $0x10, s8, s14, $0xb8;
	[tilespmem:$0x1D4C0] =	vst v63  }
0x66: {  	p2 =	sne.s32 s10, $0x18;
	_ =	swait.ge [sflag:s22], $0x1400  }
0x67: {  	[sflag:s22] =	ssyncset.done $0x0  }
0x68: {  	p3 =	sgt.u32 s6, $0xB;
	[sflag:s22] =	ssyncadd.s32 $0xFFFFEC00  }
0x69: {  	[spmem:s4] =	stream.indirect.scatter.add.f32 [tilespmem:s26], [sflag:$0x4], $0x40, s8, s25, $0xb8;
	[tilespmem:$0x1D4C0] =	vst v63  }
0x6a: {  	s6 =	smov.u32 s12;
	s12 =	simm.s32 $0x1;
	_ =	swait.ge [sflag:s21], $0x1400  }
0x6b: {  	s12 =	simm.s32 @!p3 $0x0;
	[sflag:s21] =	ssyncset.done $0x0  }
0x6c: {  	p3 =	seq.s32 s1, s12;
	[sflag:s21] =	ssyncadd.s32 $0xFFFFEC00  }
0x6d: {  	s12 =	sadd.s32 @!p3 $0x50, s8;
	s14 =	simm.s32 @!p3 $0x50;
	s15 =	simm.s32 @!p3 $0x4740  }
0x6e: {  	[tilespmem:s26], [sflag:$0x1] =	stream.indirect.gather [hbm4b:s0+s25], $0x40, s9, s25, $0xb8;
	[tilespmem:$0x1D4C0] =	vst v63  }
.Ltmp1:
0x6f: {  	(pc) =	sbr.rel @p2 .LBB2_5-.Ltmp1, $4  }
0x70: {  	[spmem:s5] =	stream.indirect.scatter.add.f32 @!p3 [tilespmem:s15], [sflag:$0x3], $0x10, s12, s14, $0xb8;
	[tilespmem:$0x1D4C0] =	vst v63  }
0x71: {  	_ =	swait.ge [sflag:s23], $0x1400  }
0x72: {  	s9 =	sadd.s32 $0xA0, s9;
	s14 =	sadd.s32 $0x50, s8;
	[sflag:s23] =	ssyncset.done $0x0  }
0x73: {  	s12 =	sadd.s32 $0xFFFFFFB0, s9;
	s8 =	sadd.s32 $0xA0, s8;
	[sflag:s23] =	ssyncadd.s32 $0xFFFFEC00  }
0x74: {  	[spmem:s4] =	stream.indirect.scatter.add.f32 [tilespmem:s28], [sflag:$0x4], $0x40, s14, s25, $0xb8;
	[tilespmem:$0x1D4C0] =	vst v63  }
0x75: {  	s10 =	simm.s32 $0x1;
	_ =	swait.ge [sflag:s21], $0x1400  }
0x76: {  	s10 =	simm.s32 @!p1 $0x0;
	[sflag:s21] =	ssyncset.done $0x0  }
0x77: {  	p1 =	seq.s32 s1, s10;
	[sflag:s21] =	ssyncadd.s32 $0xFFFFEC00  }
0x78: {  	[tilespmem:s28], [sflag:$0x2] =	stream.indirect.gather [hbm4b:s0+s25], $0x40, s12, s25, $0xb8;
	[tilespmem:$0x1D4C0] =	vst v63  }
0x79: {  	s10 =	simm.s32 @!p1 $0x50;
	s12 =	simm.s32 @!p1 $0x4740  }
0x7a: {  	[spmem:s5] =	stream.indirect.scatter.add.f32 @!p1 [tilespmem:s12], [sflag:$0x3], $0x10, s8, s10, $0xb8;
	[tilespmem:$0x1D4C0] =	vst v63  }
0x7b: {  	_ =	swait.ge [sflag:s22], $0x1400  }
0x7c: {  	[sflag:s22] =	ssyncset.done $0x0  }
0x7d: {  	[sflag:s22] =	ssyncadd.s32 $0xFFFFEC00  }
0x7e: {  	[spmem:s4] =	stream.indirect.scatter.add.f32 [tilespmem:s26], [sflag:$0x4], $0x40, s8, s25, $0xb8;
	[tilespmem:$0x1D4C0] =	vst v63  }
0x7f: {  	p1 =	sgt.u32 s6, $0xB;
	s6 =	simm.s32 $0x1;
	_ =	swait.ge [sflag:s21], $0x1400  }
0x80: {  	s6 =	simm.s32 @!p1 $0x0;
	[sflag:s21] =	ssyncset.done $0x0  }
0x81: {  	p1 =	seq.s32 s1, s6;
	[sflag:s21] =	ssyncadd.s32 $0xFFFFEC00  }
0x82: {  	[tilespmem:s26], [sflag:$0x1] =	stream.indirect.gather [hbm4b:s0+s25], $0x40, s9, s25, $0xb8;
	[tilespmem:$0x1D4C0] =	vst v63  }
0x83: {  	s1 =	sadd.s32 @!p1 $0x50, s8;
	s6 =	simm.s32 @!p1 $0x50;
	s9 =	simm.s32 @!p1 $0x4740  }
0x84: {  	[spmem:s5] =	stream.indirect.scatter.add.f32 @!p1 [tilespmem:s9], [sflag:$0x3], $0x10, s1, s6, $0xb8;
	[tilespmem:$0x1D4C0] =	vst v63  }
0x85: {  	_ =	swait.ge [sflag:s23], $0x1400  }
0x86: {  	[sflag:s23] =	ssyncset.done $0x0  }
0x87: {  	s15 =	sadd.s32 $0x50, s8;
	[sflag:s23] =	ssyncadd.s32 $0xFFFFEC00  }
0x88: {  	[spmem:s4] =	stream.indirect.scatter.add.f32 [tilespmem:s28], [sflag:$0x4], $0x40, s15, s25, $0xb8;
	[tilespmem:$0x1D4C0] =	vst v63  }
0x89: {  	_ =	swait.ge [sflag:s21], $0x1400  }
0x8a: {  	[sflag:s21] =	ssyncset.done $0x0  }
0x8b: {  	s1 =	simm.s32 @p0 $0x1;
	[sflag:s21] =	ssyncadd.s32 $0xFFFFEC00  }
0x8c: {  	[tilespmem:s28], [sflag:$0x2] =	stream.indirect.gather [hbm4b:s0+s25], $0x40, s29, s25, $0xb8;
	[tilespmem:$0x1D4C0] =	vst v63  }
0x8d: {  	_ =	swait.ge @p0 [sflag:s1], $0x1400  }
0x8e: {  	s8 =	simm.s32 @p0 $0x1F40;
	[sflag:s1] =	ssyncset.done @p0 $0x0  }
0x8f: {  	s6 =	simm.s32 @p0 $0x1EA0;
	[sflag:s1] =	ssyncadd.s32 @p0 $0xFFFFEC00;
	s1 =	simm.s32 @p0 $0x50  }
0x90: {  	[spmem:s4] =	stream.indirect.scatter.add.f32 @p0 [tilespmem:s8], [sflag:$0x4], $0x40, s6, s1, $0xb8;
	[tilespmem:$0x1D4C0] =	vst v63  }
0x91: {  	s1 =	simm.s32 @p0 $0x4  }
0x92: {  	_ =	swait.ge @p0 [sflag:s1], $0x1400  }
0x93: {  	s9 =	simm.s32 @!p0 $0x1;
	s6 =	simm.s32 @!p0 $0x1EA0;
	[sflag:s1] =	ssyncset.done @p0 $0x0  }
0x94: {  	s8 =	simm.s32 @!p0 $0x4740;
	[sflag:s1] =	ssyncadd.s32 @p0 $0xFFFFEC00;
	s1 =	simm.s32 @!p0 $0x50  }
0x95: {  	[spmem:s5] =	stream.indirect.scatter.add.f32 @!p0 [tilespmem:s8], [sflag:$0x3], $0x10, s6, s1, $0xb8;
	[tilespmem:$0x1D4C0] =	vst v63  }
0x96: {  	_ =	swait.ge @!p0 [sflag:s9], $0x1400  }
0x97: {  	[sflag:s9] =	ssyncset.done @!p0 $0x0  }
0x98: {  	[sflag:s9] =	ssyncadd.s32 @!p0 $0xFFFFEC00;
	s9 =	simm.s32 @!p0 $0x1F40  }
0x99: {  	[spmem:s4] =	stream.indirect.scatter.add.f32 @!p0 [tilespmem:s9], [sflag:$0x4], $0x40, s6, s1, $0xb8;
	[tilespmem:$0x1D4C0] =	vst v63  }
0x9a: {  	s6 =	simm.s32 @!p0 $0x4  }
0x9b: {  	_ =	swait.ge @!p0 [sflag:s6], $0x1400  }
0x9c: {  	[sflag:s6] =	ssyncset.done @!p0 $0x0  }
0x9d: {  	[sflag:s6] =	ssyncadd.s32 @!p0 $0xFFFFEC00;
	s6 =	simm.s32 @!p0 $0x1EF0  }
0x9e: {  	[spmem:s5] =	stream.indirect.scatter.add.f32 @!p0 [tilespmem:s8], [sflag:$0x3], $0x10, s6, s1, $0xb8;
	[tilespmem:$0x1D4C0] =	vst v63  }
0x9f: {  	_ =	swait.ge [sflag:s23], $0x1400  }
0xa0: {  	[sflag:s23] =	ssyncset.done $0x0  }
0xa1: {  	[sflag:s23] =	ssyncadd.s32 $0xFFFFEC00  }
0xa2: {  	[spmem:s4] =	stream.indirect.scatter.add.f32 [tilespmem:s28], [sflag:$0x4], $0x40, s30, s25, $0xb8;
	[tilespmem:$0x1D4C0] =	vst v63  }
0xa3: {  	_ =	swait.ge [sflag:s21], $0x1400  }
0xa4: {  	[sflag:s21] =	ssyncset.done $0x0  }
0xa5: {  	[sflag:s21] =	ssyncadd.s32 $0xFFFFEC00  }
0xa6: {  	_ =	swait.ge [sflag:s31], $0x500  }
0xa7: {  	[sflag:s31] =	ssyncset.done $0x0  }
0xa8: {  	[sflag:s31] =	ssyncadd.s32 $0xFFFFFB00  }
0xa9: {  	_ =	swait.ge [sflag:s31], $0x500  }
0xaa: {  	[sflag:s31] =	ssyncset.done $0x0  }
0xab: {  	[sflag:s31] =	ssyncadd.s32 $0xFFFFFB00  }
0xac: {  	_ =	swait.ge [sflag:s31], $0x500  }
0xad: {  	[sflag:s31] =	ssyncset.done $0x0  }
0xae: {  	[sflag:s31] =	ssyncadd.s32 $0xFFFFFB00  }
0xaf: {  	_ =	swait.ge [sflag:s31], $0x500  }
0xb0: {  	[sflag:s31] =	ssyncset.done $0x0  }
0xb1: {  	[sflag:s31] =	ssyncadd.s32 $0xFFFFFB00  }
0xb2: {  	_ =	swait.ge [sflag:s31], $0x500  }
0xb3: {  	[sflag:s31] =	ssyncset.done $0x0  }
0xb4: {  	[sflag:s31] =	ssyncadd.s32 $0xFFFFFB00  }
0xb5: {  	_ =	swait.ge [sflag:s31], $0x500  }
0xb6: {  	[sflag:s31] =	ssyncset.done $0x0  }
0xb7: {  	[sflag:s31] =	ssyncadd.s32 $0xFFFFFB00  }
0xb8: {  	_ =	swait.ge [sflag:s31], $0x500  }
0xb9: {  	[sflag:s31] =	ssyncset.done $0x0  }
0xba: {  	[sflag:s31] =	ssyncadd.s32 $0xFFFFFB00  }
0xbb: {  	_ =	swait.ge [sflag:s31], $0x500  }
0xbc: {  	[sflag:s31] =	ssyncset.done $0x0  }
0xbd: {  	[sflag:s31] =	ssyncadd.s32 $0xFFFFFB00  }
0xbe: {  	_ =	swait.ge [sflag:s31], $0x500  }
0xbf: {  	[sflag:s31] =	ssyncset.done $0x0  }
0xc0: {  	[sflag:s31] =	ssyncadd.s32 $0xFFFFFB00  }
0xc1: {  	_ =	swait.ge [sflag:s31], $0x500  }
0xc2: {  	[sflag:s31] =	ssyncset.done $0x0  }
0xc3: {  	[sflag:s31] =	ssyncadd.s32 $0xFFFFFB00  }
0xc4: {  	_ =	swait.ge [sflag:s31], $0x500  }
0xc5: {  	[sflag:s31] =	ssyncset.done $0x0  }
0xc6: {  	[sflag:s31] =	ssyncadd.s32 $0xFFFFFB00  }
0xc7: {  	_ =	swait.ge [sflag:s31], $0x500  }
0xc8: {  	[sflag:s31] =	ssyncset.done $0x0  }
0xc9: {  	[sflag:s31] =	ssyncadd.s32 $0xFFFFFB00  }
0xca: {  	_ =	swait.ge [sflag:s31], $0x500  }
0xcb: {  	[sflag:s31] =	ssyncset.done $0x0  }
0xcc: {  	[sflag:s31] =	ssyncadd.s32 $0xFFFFFB00  }
0xcd: {  	_ =	swait.ge [sflag:s31], $0x500  }
0xce: {  	[sflag:s31] =	ssyncset.done $0x0  }
0xcf: {  	[sflag:s31] =	ssyncadd.s32 $0xFFFFFB00  }
0xd0: {  	_ =	swait.ge [sflag:s31], $0x500  }
0xd1: {  	[sflag:s31] =	ssyncset.done $0x0  }
0xd2: {  	[sflag:s31] =	ssyncadd.s32 $0xFFFFFB00  }
0xd3: {  	_ =	swait.ge [sflag:s31], $0x500  }
0xd4: {  	[sflag:s31] =	ssyncset.done $0x0  }
0xd5: {  	[sflag:s31] =	ssyncadd.s32 $0xFFFFFB00  }
0xd6: {  	_ =	swait.ge [sflag:s31], $0x500  }
0xd7: {  	[sflag:s31] =	ssyncset.done $0x0  }
0xd8: {  	[sflag:s31] =	ssyncadd.s32 $0xFFFFFB00  }
0xd9: {  	_ =	swait.ge [sflag:s31], $0x500  }
0xda: {  	[sflag:s31] =	ssyncset.done $0x0  }
0xdb: {  	[sflag:s31] =	ssyncadd.s32 $0xFFFFFB00  }
0xdc: {  	_ =	swait.ge [sflag:s31], $0x500  }
0xdd: {  	[sflag:s31] =	ssyncset.done $0x0  }
0xde: {  	[sflag:s31] =	ssyncadd.s32 $0xFFFFFB00  }
0xdf: {  	_ =	swait.ge [sflag:s31], $0x500  }
0xe0: {  	[sflag:s31] =	ssyncset.done $0x0  }
0xe1: {  	[sflag:s31] =	ssyncadd.s32 $0xFFFFFB00  }
0xe2: {  	_ =	swait.ge [sflag:s31], $0x500  }
0xe3: {  	[sflag:s31] =	ssyncset.done $0x0  }
0xe4: {  	[sflag:s31] =	ssyncadd.s32 $0xFFFFFB00  }
0xe5: {  	_ =	swait.ge [sflag:s31], $0x500  }
0xe6: {  	[sflag:s31] =	ssyncset.done $0x0  }
0xe7: {  	[sflag:s31] =	ssyncadd.s32 $0xFFFFFB00  }
0xe8: {  	_ =	swait.ge [sflag:s31], $0x500  }
0xe9: {  	[sflag:s31] =	ssyncset.done $0x0  }
0xea: {  	s20 =	sadd.s32 $0x1, s20;
	[sflag:s31] =	ssyncadd.s32 $0xFFFFFB00  }
0xeb: {  	p1 =	sne.s32 s20, $0x5;
	_ =	swait.ge [sflag:s31], $0x500  }
.Ltmp2:
0xec: {  	[sflag:s31] =	ssyncset.done $0x0;
	(pc) =	sbr.rel @p1 .LBB2_2-.Ltmp2, $4  }
0xed: {  	[sflag:s31] =	ssyncadd.s32 $0xFFFFFB00  }
0xee: {  	_ =	swait.ge [sflag:s31], $0x500  }
0xef: {  	[sflag:s31] =	ssyncset.done $0x0  }
0xf0: {  	[sflag:s31] =	ssyncadd.s32 $0xFFFFFB00  }
0xf1: {  	[bflag:$0x0] =	sbarrier.arrive $0xFFFF;
	s1 =	sor.u32 $0x1C04, s11  }
0xf2: {  	s8 =	simm.s32 $0x10;
	s9 =	simm.s32 $0x8;
	s6 =	rddreg [dreg:$0xc]  }
0xf3: {  	[hbm:s6@s8], [sflag:s1] =	dma.strided [spmem:s17@s9], $0x2740, s22, $0x8   }
0xf4: {  	s7 =	sadd.s32 $0x1, s7;
	_ =	swait.ge [sflag:s21], $0x2740  }
0xf5: {  	p1 =	sne.s32 s7, s16;
	[sflag:s21] =	ssyncset.done $0x0  }
.Ltmp3:
0xf6: {  	s20 =	rddreg [dreg:$0xd];
	[sflag:s21] =	ssyncadd.s32 $0xFFFFD8C0;
	(pc) =	sbr.rel @p1 .LBB2_1-.Ltmp3, $4  }
0xf7: {  	[hbm:s20], [sflag:s1] =	dma.local [spmem:s19], $0x9D0  }
0xf8: {  	_ =	swait.ge [sflag:s21], $0x9D0  }
0xf9: {  	[sflag:s21] =	ssyncset.done $0x0  }
0xfa: {  	[sflag:s21] =	ssyncadd.s32 $0xFFFFF630  }
0xfb: {  	_ =	sfence.sel $0x180000  }
0xfc: {  	[bflag:$0x0] =	sbarrier.arrive $0xFFFF  }
0xfd: {  	_ =	strace $0x90000047  }
0xfe: {  	s0 =	stileid.u32;
	[bflag:$0x2] =	sbarrier.arrive $0xFFFF  }
0xff: {  	p0 =	sne.s32 s0, $0x0;
	s0 =	rddreg [dreg:$0x7]  }
0x100: {  	s0 =	sadd.s32 @!p0 $0x100000, s0  }
0x101: {  	[sflag:s0] =	ssyncadd.tile.s32 @!p0 $0x1;
	_ =	shalt  }
.Lfunc_end2:
_tile_overlayer_lowered:
.L_overlay_start_2:
0x102: {  	(tag) =	ssettag $0x2  }
0x103: {  	s0 =	rddreg [dreg:$0x0];
	s2 =	stileid.u32  }
0x104: {  	s1 =	rddreg [dreg:$0x1];
	p0 =	sne.s32 s2, $0x0  }
0x105: {  	s3 =	rddreg [dreg:$0x2];
	[bflag:$0x3] =	sbarrier.arrive $0xFFFF;
	s2 =	simm.s32 @!p0 $0x1C04  }
0x106: {  	[timem:s3], [sflag:s2] =	dma.local @!p0 [hbm:s0], s1  }
0x107: {  	s0 =	simm.s32 @!p0 $0x4  }
0x108: {  	_ =	swait.ge @!p0 [sflag:s0], s1  }
0x109: {  	s1 =	ssub.s32 @!p0 $0x0, s1;
	[sflag:s0] =	ssyncset.done @!p0 $0x0  }
0x10a: {  	[sflag:s0] =	ssyncadd.s32 @!p0 s1  }
0x10b: {  	[bflag:$0x3] =	sbarrier.arrive $0xFFFF  }
0x10c: {  	_ =	shalt  }

</sc_bundles>
